<compile_context>
chip_gen: v7x
topology: tpu7x:2x2x1
jax: 0.10.2.dev20260603
libtpu: 0.0.44.dev20260713+nightly
codegen_flags: <defaults>
</compile_context>

<pallas_src>
import functools

import jax
import jax.numpy as jnp
import numpy as np
from jax import lax
from jax.experimental import pallas as pl
from jax.experimental.pallas import tpu as pltpu
from jax.experimental.pallas import tpu_sc as plsc

N_NODES = 10000
N_NETS = 2000
E = 160000
D_NODE = 128
D_NET = 16
D_PIN = 16
D_OUT_NODE = 16
D_OUT_NET = 128

NC = 2
NS = 16
CHUNK = 128
N_CH = 40
GRP = 4
E_PT = CHUNK * N_CH
E_PAD = E_PT * NC * NS
N_NODES_P = 10240
N_NETS_P = 2048

_MESH = plsc.VectorSubcoreMesh(core_axis_name="c", subcore_axis_name="s")
_SC_PARAMS = pltpu.CompilerParams(use_tc_tiling_on_sc=False)


def _sc1_body(ps_cnt, pd_cnt, nd_cnt, nsrc_idx, net_feat, ones16, zc,
              cnt_src, cnt_dst, cnt_in, srcnet,
              idx_a, idx_b, idx_c, idx_d, ones_v, rows_v, gsem, ssem,
              cs_sh, cd_sh, ci_sh):
  c = lax.axis_index("c")
  s = lax.axis_index("s")
  tbase = (c * NS + s) * N_CH

  r0 = s * (N_NODES_P // NS)
  pltpu.sync_copy(zc.at[pl.ds(r0, N_NODES_P // NS)],
                  cs_sh.at[pl.ds(r0, N_NODES_P // NS)])
  pltpu.sync_copy(zc.at[pl.ds(r0, N_NODES_P // NS)],
                  ci_sh.at[pl.ds(r0, N_NODES_P // NS)])
  r1 = s * (N_NETS_P // NS)
  pltpu.sync_copy(zc.at[pl.ds(r1, N_NETS_P // NS)],
                  cd_sh.at[pl.ds(r1, N_NETS_P // NS)])

  pltpu.sync_copy(ones16, ones_v)
  pltpu.sync_copy(ps_cnt.at[pl.ds(tbase, N_CH)], idx_a)
  pltpu.sync_copy(pd_cnt.at[pl.ds(tbase, N_CH)], idx_b)
  pltpu.sync_copy(nd_cnt.at[pl.ds(tbase, N_CH)], idx_c)
  pltpu.sync_copy(nsrc_idx.at[pl.ds(tbase, N_CH)], idx_d)
  plsc.subcore_barrier()

  ones_bytes = CHUNK * 16 * 4

  def count_into(idx_all, sh):
    def fire(j, carry):
      pltpu.async_copy(ones_v, sh.at[idx_all.at[j]], ssem, add=True)
      return carry
    lax.fori_loop(0, N_CH, fire, 0)
    def drain(j, carry):
      pltpu.make_async_copy(ones16, ones_v, ssem).wait()
      return carry
    lax.fori_loop(0, N_CH, drain, 0)

  count_into(idx_a, cs_sh)
  count_into(idx_b, cd_sh)
  count_into(idx_c, ci_sh)

  def ggroup(g, carry):
    j0 = g * GRP
    for b in range(GRP):
      pltpu.async_copy(net_feat.at[idx_d.at[j0 + b]],
                       rows_v.at[b], gsem)
    for b in range(GRP):
      pltpu.make_async_copy(net_feat.at[idx_d.at[j0 + b]],
                            rows_v.at[b], gsem).wait()
      pltpu.async_copy(rows_v.at[b],
                       srcnet.at[pl.ds((tbase + j0 + b) * CHUNK, CHUNK)],
                       ssem)
    for b in range(GRP):
      pltpu.make_async_copy(rows_v.at[b],
                            srcnet.at[pl.ds(0, CHUNK)], ssem).wait()
    return carry
  lax.fori_loop(0, N_CH // GRP, ggroup, 0)

  plsc.subcore_barrier()

  pltpu.sync_copy(cs_sh.at[pl.ds(r0, N_NODES_P // NS)],
                  cnt_src.at[c, pl.ds(r0, N_NODES_P // NS)])
  pltpu.sync_copy(ci_sh.at[pl.ds(r0, N_NODES_P // NS)],
                  cnt_in.at[c, pl.ds(r0, N_NODES_P // NS)])
  pltpu.sync_copy(cd_sh.at[pl.ds(r1, N_NETS_P // NS)],
                  cnt_dst.at[c, pl.ds(r1, N_NETS_P // NS)])


_sc1 = functools.partial(
    pl.kernel,
    mesh=_MESH,
    compiler_params=_SC_PARAMS,
    out_type=[
        jax.ShapeDtypeStruct((NC, N_NODES_P, 16), jnp.float32),
        jax.ShapeDtypeStruct((NC, N_NETS_P, 16), jnp.float32),
        jax.ShapeDtypeStruct((NC, N_NODES_P, 16), jnp.float32),
        jax.ShapeDtypeStruct((E_PAD, D_NET), jnp.float32),
    ],
    scratch_types=[
        pltpu.VMEM((N_CH, CHUNK), jnp.int32),
        pltpu.VMEM((N_CH, CHUNK), jnp.int32),
        pltpu.VMEM((N_CH, CHUNK), jnp.int32),
        pltpu.VMEM((N_CH, CHUNK), jnp.int32),
        pltpu.VMEM((CHUNK, 16), jnp.float32),
        pltpu.VMEM((GRP, CHUNK, D_NET), jnp.float32),
        pltpu.SemaphoreType.DMA,
        pltpu.SemaphoreType.DMA,
        pltpu.VMEM_SHARED((N_NODES_P, 16), jnp.float32),
        pltpu.VMEM_SHARED((N_NETS_P, 16), jnp.float32),
        pltpu.VMEM_SHARED((N_NODES_P, 16), jnp.float32),
    ],
)(_sc1_body)


def _sc2_body(h, m, ps_gat, pd_idx, nd_idx, zbig, zsmall,
              agg, nacc,
              idx_s, idx_p, idx_n, hrows, mrows, gsem, msem, ssem,
              agg_sh, nacc_sh):
  c = lax.axis_index("c")
  s = lax.axis_index("s")
  tbase = (c * NS + s) * N_CH

  r0 = s * (N_NETS_P // NS)
  pltpu.sync_copy(zbig.at[pl.ds(r0, N_NETS_P // NS)],
                  agg_sh.at[pl.ds(r0, N_NETS_P // NS)])
  r1 = s * (N_NODES_P // NS)
  pltpu.sync_copy(zsmall.at[pl.ds(r1, N_NODES_P // NS)],
                  nacc_sh.at[pl.ds(r1, N_NODES_P // NS)])

  pltpu.sync_copy(ps_gat.at[pl.ds(tbase, N_CH)], idx_s)
  pltpu.sync_copy(pd_idx.at[pl.ds(tbase, N_CH)], idx_p)
  pltpu.sync_copy(nd_idx.at[pl.ds(tbase, N_CH)], idx_n)
  plsc.subcore_barrier()

  def group(g, carry):
    j0 = g * GRP
    for b in range(GRP):
      pltpu.async_copy(h.at[idx_s.at[j0 + b]], hrows.at[b], gsem)
      pltpu.async_copy(m.at[pl.ds((tbase + j0 + b) * CHUNK, CHUNK)],
                       mrows.at[b], msem)
    for b in range(GRP):
      pltpu.make_async_copy(h.at[idx_s.at[j0 + b]], hrows.at[b], gsem).wait()
      pltpu.async_copy(hrows.at[b], agg_sh.at[idx_p.at[j0 + b]], ssem,
                       add=True)
    for b in range(GRP):
      pltpu.make_async_copy(m.at[pl.ds(0, CHUNK)], mrows.at[b], msem).wait()
      pltpu.async_copy(mrows.at[b], nacc_sh.at[idx_n.at[j0 + b]], ssem,
                       add=True)
    for b in range(GRP):
      pltpu.make_async_copy(hrows.at[b], agg_sh.at[pl.ds(0, CHUNK)],
                            ssem).wait()
      pltpu.make_async_copy(mrows.at[b], nacc_sh.at[pl.ds(0, CHUNK)],
                            ssem).wait()
    return carry
  lax.fori_loop(0, N_CH // GRP, group, 0)

  plsc.subcore_barrier()

  pltpu.sync_copy(agg_sh.at[pl.ds(r0, N_NETS_P // NS)],
                  agg.at[c, pl.ds(r0, N_NETS_P // NS)])
  pltpu.sync_copy(nacc_sh.at[pl.ds(r1, N_NODES_P // NS)],
                  nacc.at[c, pl.ds(r1, N_NODES_P // NS)])


_sc2 = functools.partial(
    pl.kernel,
    mesh=_MESH,
    compiler_params=_SC_PARAMS,
    out_type=[
        jax.ShapeDtypeStruct((NC, N_NETS_P, D_OUT_NET), jnp.float32),
        jax.ShapeDtypeStruct((NC, N_NODES_P, D_OUT_NODE), jnp.float32),
    ],
    scratch_types=[
        pltpu.VMEM((N_CH, CHUNK), jnp.int32),
        pltpu.VMEM((N_CH, CHUNK), jnp.int32),
        pltpu.VMEM((N_CH, CHUNK), jnp.int32),
        pltpu.VMEM((GRP, CHUNK, D_OUT_NET), jnp.float32),
        pltpu.VMEM((GRP, CHUNK, D_OUT_NODE), jnp.float32),
        pltpu.SemaphoreType.DMA,
        pltpu.SemaphoreType.DMA,
        pltpu.SemaphoreType.DMA,
        pltpu.VMEM_SHARED((N_NETS_P, D_OUT_NET), jnp.float32),
        pltpu.VMEM_SHARED((N_NODES_P, D_OUT_NODE), jnp.float32),
    ],
)(_sc2_body)


_H_BLK = 1000


def _h_body(x_ref, c0_ref, c1_ref, w_ref, o_ref):
  cnt = c0_ref[...][:, :1] + c1_ref[...][:, :1]
  scale = lax.rsqrt(jnp.maximum(cnt, 1.0))
  o_ref[...] = jnp.dot(x_ref[...] * scale, w_ref[...],
                       preferred_element_type=jnp.float32)


def _h_call(node_feat, c0, c1, w):
  grid = N_NODES // _H_BLK
  return pl.pallas_call(
      _h_body,
      grid=(grid,),
      in_specs=[
          pl.BlockSpec((_H_BLK, D_NODE), lambda i: (i, 0)),
          pl.BlockSpec((_H_BLK, 16), lambda i: (i, 0)),
          pl.BlockSpec((_H_BLK, 16), lambda i: (i, 0)),
          pl.BlockSpec((D_NODE, D_OUT_NET), lambda i: (0, 0)),
      ],
      out_specs=pl.BlockSpec((_H_BLK, D_OUT_NET), lambda i: (i, 0)),
      out_shape=jax.ShapeDtypeStruct((N_NODES, D_OUT_NET), jnp.float32),
  )(node_feat, c0, c1, w)


_M_BLK = 2048


def _m_body(pin_ref, sn_ref, r_ref, s_ref, t2_ref, b_ref, o_ref):
  pin = pin_ref[...]
  sn = sn_ref[...]
  zr = jnp.dot(pin, r_ref[...], preferred_element_type=jnp.float32)
  zt = jnp.dot(sn, s_ref[...], preferred_element_type=jnp.float32)
  o_ref[...] = (jnp.dot(zr * zt, t2_ref[...], preferred_element_type=jnp.float32)
                + jnp.dot(sn, b_ref[...], preferred_element_type=jnp.float32))


def _m_call(pin_feat, srcnet, rmat, smat, t2, bmat):
  grid = E_PAD // _M_BLK
  return pl.pallas_call(
      _m_body,
      grid=(grid,),
      in_specs=[
          pl.BlockSpec((_M_BLK, D_PIN), lambda i: (i, 0)),
          pl.BlockSpec((_M_BLK, D_NET), lambda i: (i, 0)),
          pl.BlockSpec((D_PIN, D_PIN * D_NET), lambda i: (0, 0)),
          pl.BlockSpec((D_NET, D_PIN * D_NET), lambda i: (0, 0)),
          pl.BlockSpec((D_PIN * D_NET, D_OUT_NODE), lambda i: (0, 0)),
          pl.BlockSpec((D_NET, D_OUT_NODE), lambda i: (0, 0)),
      ],
      out_specs=pl.BlockSpec((_M_BLK, D_OUT_NODE), lambda i: (i, 0)),
      out_shape=jax.ShapeDtypeStruct((E_PAD, D_OUT_NODE), jnp.float32),
  )(pin_feat, srcnet, rmat, smat, t2, bmat)


def _net_body(a0_ref, a1_ref, c0_ref, c1_ref, b_ref, o_ref):
  agg = a0_ref[...] + a1_ref[...]
  deg = jnp.maximum(c0_ref[...][:, :1] + c1_ref[...][:, :1], 1.0)
  o_ref[...] = agg * lax.rsqrt(deg) + b_ref[...]


def _net_call(a0, a1, c0, c1, b):
  return pl.pallas_call(
      _net_body,
      out_shape=jax.ShapeDtypeStruct((N_NETS, D_OUT_NET), jnp.float32),
  )(a0, a1, c0, c1, b)


def _node_body(n0_ref, n1_ref, c0_ref, c1_ref, b_ref, o_ref):
  acc = n0_ref[...] + n1_ref[...]
  deg = jnp.maximum(c0_ref[...][:, :1] + c1_ref[...][:, :1], 1.0)
  o_ref[...] = acc / deg + b_ref[...]


def _node_call(n0, n1, c0, c1, b):
  return pl.pallas_call(
      _node_body,
      out_shape=jax.ShapeDtypeStruct((N_NODES, D_OUT_NODE), jnp.float32),
  )(n0, n1, c0, c1, b)


_R_NP = np.repeat(np.eye(D_PIN, dtype=np.float32), D_NET, axis=1)
_S_NP = np.tile(np.eye(D_NET, dtype=np.float32), (1, D_PIN))


@jax.jit
def kernel(node_feat, net_feat, pin_feat, pins_src, pins_dst, pinned_src,
           pinned_dst, W_conv, b_conv, W_lin, b_lin, b_nn):
  pins_src = pins_src.astype(jnp.int32)
  pins_dst = pins_dst.astype(jnp.int32)
  pinned_src = pinned_src.astype(jnp.int32)
  pinned_dst = pinned_dst.astype(jnp.int32)
  npad = E_PAD - E

  def padded(idx, fill):
    return jnp.pad(idx, (0, npad), constant_values=fill).reshape(
        E_PAD // CHUNK, CHUNK)

  ps_cnt = padded(pins_src, N_NODES)
  ps_gat = padded(pins_src, 0)
  pd_idx = padded(pins_dst, N_NETS)
  nd_idx = padded(pinned_dst, N_NODES)
  nsrc_idx = padded(pinned_src, 0)

  ones16 = jnp.ones((CHUNK, 16), jnp.float32)
  zc = jnp.zeros((N_NODES_P, 16), jnp.float32)

  cnt_src, cnt_dst, cnt_in, srcnet = _sc1(
      ps_cnt, pd_idx, nd_idx, nsrc_idx, net_feat, ones16, zc)

  h = _h_call(node_feat, cnt_src[0, :N_NODES], cnt_src[1, :N_NODES], W_conv)

  t2 = W_lin.reshape(D_PIN * D_NET, D_OUT_NODE)
  bmat = b_lin.reshape(D_NET, D_OUT_NODE)
  pin_pad = jnp.pad(pin_feat, ((0, npad), (0, 0)))
  m = _m_call(pin_pad, srcnet, jnp.asarray(_R_NP), jnp.asarray(_S_NP), t2,
              bmat)

  zbig = jnp.zeros((N_NETS_P, D_OUT_NET), jnp.float32)
  zsmall = jnp.zeros((N_NODES_P, D_OUT_NODE), jnp.float32)
  agg, nacc = _sc2(h, m, ps_gat, pd_idx, nd_idx, zbig, zsmall)

  net_out = _net_call(agg[0, :N_NETS], agg[1, :N_NETS],
                      cnt_dst[0, :N_NETS], cnt_dst[1, :N_NETS],
                      b_conv.reshape(1, D_OUT_NET))
  node_out = _node_call(nacc[0, :N_NODES], nacc[1, :N_NODES],
                        cnt_in[0, :N_NODES], cnt_in[1, :N_NODES],
                        b_nn.reshape(1, D_OUT_NODE))
  return (node_out, net_out)

# --- scband reference (transcript-rebuilt; emitter-appended) ---
"""Pipeline reference for scband-node-net-gnn-52226802319462 (READ-ONLY COPY).

The authoritative reference and input builder live on the scoring server;
editing this copy changes nothing except your own understanding.
"""

import jax, jax.numpy as jnp
import numpy as np

N_NODES = 10000
N_NETS = 2000
E = 160000
D_NODE = 128
D_NET = 16
D_PIN = 16
D_OUT_NODE = 16
D_OUT_NET = 128


def setup_inputs(seed: int = 0) -> dict:
    key = jax.random.key(seed)
    ks = jax.random.split(key, 12)
    node_feat = jax.random.normal(ks[0], (N_NODES, D_NODE), dtype=jnp.float32)
    net_feat = jax.random.normal(ks[1], (N_NETS, D_NET), dtype=jnp.float32)
    pin_feat = jax.random.normal(ks[2], (E, D_PIN), dtype=jnp.float32)
    pins_src = jax.random.randint(ks[3], (E,), 0, N_NODES)
    pins_dst = jax.random.randint(ks[4], (E,), 0, N_NETS)
    pinned_src = jax.random.randint(ks[5], (E,), 0, N_NETS)
    pinned_dst = jax.random.randint(ks[6], (E,), 0, N_NODES)
    sc = 1.0 / np.sqrt(D_NODE)
    W_conv = jax.random.uniform(ks[7], (D_NODE, D_OUT_NET), minval=-sc, maxval=sc, dtype=jnp.float32)
    b_conv = jnp.zeros((D_OUT_NET,), jnp.float32)
    sc2 = 1.0 / np.sqrt(D_PIN)
    W_lin = jax.random.uniform(ks[8], (D_PIN, D_NET * D_OUT_NODE), minval=-sc2, maxval=sc2, dtype=jnp.float32)
    b_lin = jax.random.uniform(ks[9], (D_NET * D_OUT_NODE,), minval=-sc2, maxval=sc2, dtype=jnp.float32)
    b_nn = jnp.zeros((D_OUT_NODE,), jnp.float32)
    return {
        'node_feat': node_feat, 'net_feat': net_feat, 'pin_feat': pin_feat,
        'pins_src': pins_src, 'pins_dst': pins_dst,
        'pinned_src': pinned_src, 'pinned_dst': pinned_dst,
        'W_conv': W_conv, 'b_conv': b_conv,
        'W_lin': W_lin, 'b_lin': b_lin, 'b_nn': b_nn,
    }


def reference(node_feat, net_feat, pin_feat, pins_src, pins_dst, pinned_src, pinned_dst, W_conv, b_conv, W_lin, b_lin, b_nn):
    ones = jnp.ones((E,), jnp.float32)
    # --- relation 'pins' (node -> net): DGL GraphConv, norm='both' ---
    deg_src = jnp.maximum(jax.ops.segment_sum(ones, pins_src, num_segments=N_NODES), 1.0)
    deg_dst = jnp.maximum(jax.ops.segment_sum(ones, pins_dst, num_segments=N_NETS), 1.0)
    h = node_feat * (deg_src ** -0.5)[:, None]
    h = h @ W_conv
    agg = jax.ops.segment_sum(jnp.take(h, pins_src, axis=0), pins_dst, num_segments=N_NETS)
    net_out = agg * (deg_dst ** -0.5)[:, None] + b_conv
    # --- relation 'pinned' (net -> node): DGL NNConv with edge_func = lin2, mean aggregator ---
    W_e = (pin_feat @ W_lin + b_lin).reshape(E, D_NET, D_OUT_NODE)
    src = jnp.take(net_feat, pinned_src, axis=0)
    m = jnp.einsum('ei,eio->eo', src, W_e)
    deg_in = jnp.maximum(jax.ops.segment_sum(ones, pinned_dst, num_segments=N_NODES), 1.0)
    node_out = jax.ops.segment_sum(m, pinned_dst, num_segments=N_NODES) / deg_in[:, None] + b_nn
    return (node_out, net_out)

if __name__ == "__main__":
    import jax
    _d = setup_inputs()
    print(jax.jit(kernel)(*tuple(_d.values())))

</pallas_src>

<mosaic_0001>
#map = affine_map<(d0, d1) -> (0, 0)>
#map1 = affine_map<(d0, d1) -> (0, 0, 0)>
module attributes {stable_mosaic.version = 14 : i64} {
  func.func @_sc1_body(%arg0: i32, %arg1: i32, %arg2: memref<1280x128xi32, #tpu.memory_space<hbm>>, %arg3: memref<1280x128xi32, #tpu.memory_space<hbm>>, %arg4: memref<1280x128xi32, #tpu.memory_space<hbm>>, %arg5: memref<1280x128xi32, #tpu.memory_space<hbm>>, %arg6: memref<2000x16xf32, #tpu.memory_space<hbm>>, %arg7: memref<128x16xf32, #tpu.memory_space<hbm>>, %arg8: memref<10240x16xf32, #tpu.memory_space<hbm>>, %arg9: memref<2x10240x16xf32, #tpu.memory_space<hbm>>, %arg10: memref<2x2048x16xf32, #tpu.memory_space<hbm>>, %arg11: memref<2x10240x16xf32, #tpu.memory_space<hbm>>, %arg12: memref<163840x16xf32, #tpu.memory_space<hbm>>, %arg13: memref<40x128xi32, #tpu.memory_space<vmem>>, %arg14: memref<40x128xi32, #tpu.memory_space<vmem>>, %arg15: memref<40x128xi32, #tpu.memory_space<vmem>>, %arg16: memref<40x128xi32, #tpu.memory_space<vmem>>, %arg17: memref<128x16xf32, #tpu.memory_space<vmem>>, %arg18: memref<4x128x16xf32, #tpu.memory_space<vmem>>, %arg19: memref<!tpu.dma_semaphore, #tpu.memory_space<semaphore_mem>>, %arg20: memref<!tpu.dma_semaphore, #tpu.memory_space<semaphore_mem>>, %arg21: memref<10240x16xf32, #tpu.memory_space<vmem_shared>>, %arg22: memref<2048x16xf32, #tpu.memory_space<vmem_shared>>, %arg23: memref<10240x16xf32, #tpu.memory_space<vmem_shared>>) attributes {dimension_semantics = [#tpu.dimension_semantics<core_parallel>, #tpu.dimension_semantics<subcore_parallel>], iteration_bounds = array<i64: 2, 16>, scalar_prefetch = 0 : i64, scratch_operands = 11 : i64, tpu.core_type = #tpu.core_type<sc_vector_subcore>, window_params = [{transform_indices = #map}, {transform_indices = #map}, {transform_indices = #map}, {transform_indices = #map}, {transform_indices = #map}, {transform_indices = #map}, {transform_indices = #map}, {transform_indices = #map1}, {transform_indices = #map1}, {transform_indices = #map1}, {transform_indices = #map}]} {
    %mul3A = arith.constant 16 : i32
    %mul3A_0 = arith.muli %arg0, %mul3A : i32
    %add3A = arith.addi %mul3A_0, %arg1 : i32
    %mul3A_1 = arith.constant 40 : i32
    %mul3A_2 = arith.muli %add3A, %mul3A_1 : i32
    %mul3A_3 = arith.constant 640 : i32
    %mul3A_4 = arith.muli %arg1, %mul3A_3 : i32
    "tpu.region"() ({
      %run_scoped3A = tpu.sem_alloc : memref<!tpu.dma_semaphore, #tpu.memory_space<semaphore_mem>>
      %dma_start3A = arith.constant 0 : i32
      %dma_start3A_49 = tpu.memref_slice %arg21[%mul3A_4, %dma_start3A] : memref<10240x16xf32, #tpu.memory_space<vmem_shared>> -> memref<640x16xf32, #tpu.memory_space<vmem_shared>>
      %dma_start3A_50 = arith.constant 0 : i32
      %dma_start3A_51 = tpu.memref_slice %arg8[%mul3A_4, %dma_start3A_50] : memref<10240x16xf32, #tpu.memory_space<hbm>> -> memref<640x16xf32, #tpu.memory_space<hbm>>
      tpu.enqueue_dma source(%dma_start3A_51 : memref<640x16xf32, #tpu.memory_space<hbm>>) target(%dma_start3A_49 : memref<640x16xf32, #tpu.memory_space<vmem_shared>>) target_semaphore(%run_scoped3A : memref<!tpu.dma_semaphore, #tpu.memory_space<semaphore_mem>>)
      %dma_wait3A = arith.constant 0 : i32
      %dma_wait3A_52 = tpu.memref_slice %arg21[%mul3A_4, %dma_wait3A] : memref<10240x16xf32, #tpu.memory_space<vmem_shared>> -> memref<640x16xf32, #tpu.memory_space<vmem_shared>>
      %dma_wait3A_53 = arith.constant 0 : i32
      %dma_wait3A_54 = tpu.memref_slice %arg8[%mul3A_4, %dma_wait3A_53] : memref<10240x16xf32, #tpu.memory_space<hbm>> -> memref<640x16xf32, #tpu.memory_space<hbm>>
      tpu.wait_dma2 semaphore(%run_scoped3A : memref<!tpu.dma_semaphore, #tpu.memory_space<semaphore_mem>>) src(%dma_wait3A_54 : memref<640x16xf32, #tpu.memory_space<hbm>>) dst(%dma_wait3A_52 : memref<640x16xf32, #tpu.memory_space<vmem_shared>>)
      tpu.yield
    }) : () -> ()
    "tpu.region"() ({
      %run_scoped3A = tpu.sem_alloc : memref<!tpu.dma_semaphore, #tpu.memory_space<semaphore_mem>>
      %dma_start3A = arith.constant 0 : i32
      %dma_start3A_49 = tpu.memref_slice %arg23[%mul3A_4, %dma_start3A] : memref<10240x16xf32, #tpu.memory_space<vmem_shared>> -> memref<640x16xf32, #tpu.memory_space<vmem_shared>>
      %dma_start3A_50 = arith.constant 0 : i32
      %dma_start3A_51 = tpu.memref_slice %arg8[%mul3A_4, %dma_start3A_50] : memref<10240x16xf32, #tpu.memory_space<hbm>> -> memref<640x16xf32, #tpu.memory_space<hbm>>
      tpu.enqueue_dma source(%dma_start3A_51 : memref<640x16xf32, #tpu.memory_space<hbm>>) target(%dma_start3A_49 : memref<640x16xf32, #tpu.memory_space<vmem_shared>>) target_semaphore(%run_scoped3A : memref<!tpu.dma_semaphore, #tpu.memory_space<semaphore_mem>>)
      %dma_wait3A = arith.constant 0 : i32
      %dma_wait3A_52 = tpu.memref_slice %arg23[%mul3A_4, %dma_wait3A] : memref<10240x16xf32, #tpu.memory_space<vmem_shared>> -> memref<640x16xf32, #tpu.memory_space<vmem_shared>>
      %dma_wait3A_53 = arith.constant 0 : i32
      %dma_wait3A_54 = tpu.memref_slice %arg8[%mul3A_4, %dma_wait3A_53] : memref<10240x16xf32, #tpu.memory_space<hbm>> -> memref<640x16xf32, #tpu.memory_space<hbm>>
      tpu.wait_dma2 semaphore(%run_scoped3A : memref<!tpu.dma_semaphore, #tpu.memory_space<semaphore_mem>>) src(%dma_wait3A_54 : memref<640x16xf32, #tpu.memory_space<hbm>>) dst(%dma_wait3A_52 : memref<640x16xf32, #tpu.memory_space<vmem_shared>>)
      tpu.yield
    }) : () -> ()
    %mul3A_5 = arith.constant 128 : i32
    %mul3A_6 = arith.muli %arg1, %mul3A_5 : i32
    "tpu.region"() ({
      %run_scoped3A = tpu.sem_alloc : memref<!tpu.dma_semaphore, #tpu.memory_space<semaphore_mem>>
      %dma_start3A = arith.constant 0 : i32
      %dma_start3A_49 = tpu.memref_slice %arg22[%mul3A_6, %dma_start3A] : memref<2048x16xf32, #tpu.memory_space<vmem_shared>> -> memref<128x16xf32, #tpu.memory_space<vmem_shared>>
      %dma_start3A_50 = arith.constant 0 : i32
      %dma_start3A_51 = tpu.memref_slice %arg8[%mul3A_6, %dma_start3A_50] : memref<10240x16xf32, #tpu.memory_space<hbm>> -> memref<128x16xf32, #tpu.memory_space<hbm>>
      tpu.enqueue_dma source(%dma_start3A_51 : memref<128x16xf32, #tpu.memory_space<hbm>>) target(%dma_start3A_49 : memref<128x16xf32, #tpu.memory_space<vmem_shared>>) target_semaphore(%run_scoped3A : memref<!tpu.dma_semaphore, #tpu.memory_space<semaphore_mem>>)
      %dma_wait3A = arith.constant 0 : i32
      %dma_wait3A_52 = tpu.memref_slice %arg22[%mul3A_6, %dma_wait3A] : memref<2048x16xf32, #tpu.memory_space<vmem_shared>> -> memref<128x16xf32, #tpu.memory_space<vmem_shared>>
      %dma_wait3A_53 = arith.constant 0 : i32
      %dma_wait3A_54 = tpu.memref_slice %arg8[%mul3A_6, %dma_wait3A_53] : memref<10240x16xf32, #tpu.memory_space<hbm>> -> memref<128x16xf32, #tpu.memory_space<hbm>>
      tpu.wait_dma2 semaphore(%run_scoped3A : memref<!tpu.dma_semaphore, #tpu.memory_space<semaphore_mem>>) src(%dma_wait3A_54 : memref<128x16xf32, #tpu.memory_space<hbm>>) dst(%dma_wait3A_52 : memref<128x16xf32, #tpu.memory_space<vmem_shared>>)
      tpu.yield
    }) : () -> ()
    "tpu.region"() ({
      %run_scoped3A = tpu.sem_alloc : memref<!tpu.dma_semaphore, #tpu.memory_space<semaphore_mem>>
      tpu.enqueue_dma source(%arg7 : memref<128x16xf32, #tpu.memory_space<hbm>>) target(%arg17 : memref<128x16xf32, #tpu.memory_space<vmem>>) target_semaphore(%run_scoped3A : memref<!tpu.dma_semaphore, #tpu.memory_space<semaphore_mem>>)
      tpu.wait_dma2 semaphore(%run_scoped3A : memref<!tpu.dma_semaphore, #tpu.memory_space<semaphore_mem>>) src(%arg7 : memref<128x16xf32, #tpu.memory_space<hbm>>) dst(%arg17 : memref<128x16xf32, #tpu.memory_space<vmem>>)
      tpu.yield
    }) : () -> ()
    "tpu.region"() ({
      %run_scoped3A = tpu.sem_alloc : memref<!tpu.dma_semaphore, #tpu.memory_space<semaphore_mem>>
      %dma_start3A = arith.constant 0 : i32
      %dma_start3A_49 = tpu.memref_slice %arg2[%mul3A_2, %dma_start3A] : memref<1280x128xi32, #tpu.memory_space<hbm>> -> memref<40x128xi32, #tpu.memory_space<hbm>>
      %dma_start3A_50 = arith.constant 0 : i32
      %dma_start3A_51 = tpu.memref_slice %arg2[%mul3A_2, %dma_start3A_50] : memref<1280x128xi32, #tpu.memory_space<hbm>> -> memref<40x128xi32, #tpu.memory_space<hbm>>
      tpu.enqueue_dma source(%dma_start3A_51 : memref<40x128xi32, #tpu.memory_space<hbm>>) target(%arg13 : memref<40x128xi32, #tpu.memory_space<vmem>>) target_semaphore(%run_scoped3A : memref<!tpu.dma_semaphore, #tpu.memory_space<semaphore_mem>>)
      %dma_wait3A = arith.constant 0 : i32
      %dma_wait3A_52 = tpu.memref_slice %arg2[%mul3A_2, %dma_wait3A] : memref<1280x128xi32, #tpu.memory_space<hbm>> -> memref<40x128xi32, #tpu.memory_space<hbm>>
      %dma_wait3A_53 = arith.constant 0 : i32
      %dma_wait3A_54 = tpu.memref_slice %arg2[%mul3A_2, %dma_wait3A_53] : memref<1280x128xi32, #tpu.memory_space<hbm>> -> memref<40x128xi32, #tpu.memory_space<hbm>>
      tpu.wait_dma2 semaphore(%run_scoped3A : memref<!tpu.dma_semaphore, #tpu.memory_space<semaphore_mem>>) src(%dma_wait3A_54 : memref<40x128xi32, #tpu.memory_space<hbm>>) dst(%arg13 : memref<40x128xi32, #tpu.memory_space<vmem>>)
      tpu.yield
    }) : () -> ()
    "tpu.region"() ({
      %run_scoped3A = tpu.sem_alloc : memref<!tpu.dma_semaphore, #tpu.memory_space<semaphore_mem>>
      %dma_start3A = arith.constant 0 : i32
      %dma_start3A_49 = tpu.memref_slice %arg3[%mul3A_2, %dma_start3A] : memref<1280x128xi32, #tpu.memory_space<hbm>> -> memref<40x128xi32, #tpu.memory_space<hbm>>
      %dma_start3A_50 = arith.constant 0 : i32
      %dma_start3A_51 = tpu.memref_slice %arg3[%mul3A_2, %dma_start3A_50] : memref<1280x128xi32, #tpu.memory_space<hbm>> -> memref<40x128xi32, #tpu.memory_space<hbm>>
      tpu.enqueue_dma source(%dma_start3A_51 : memref<40x128xi32, #tpu.memory_space<hbm>>) target(%arg14 : memref<40x128xi32, #tpu.memory_space<vmem>>) target_semaphore(%run_scoped3A : memref<!tpu.dma_semaphore, #tpu.memory_space<semaphore_mem>>)
      %dma_wait3A = arith.constant 0 : i32
      %dma_wait3A_52 = tpu.memref_slice %arg3[%mul3A_2, %dma_wait3A] : memref<1280x128xi32, #tpu.memory_space<hbm>> -> memref<40x128xi32, #tpu.memory_space<hbm>>
      %dma_wait3A_53 = arith.constant 0 : i32
      %dma_wait3A_54 = tpu.memref_slice %arg3[%mul3A_2, %dma_wait3A_53] : memref<1280x128xi32, #tpu.memory_space<hbm>> -> memref<40x128xi32, #tpu.memory_space<hbm>>
      tpu.wait_dma2 semaphore(%run_scoped3A : memref<!tpu.dma_semaphore, #tpu.memory_space<semaphore_mem>>) src(%dma_wait3A_54 : memref<40x128xi32, #tpu.memory_space<hbm>>) dst(%arg14 : memref<40x128xi32, #tpu.memory_space<vmem>>)
      tpu.yield
    }) : () -> ()
    "tpu.region"() ({
      %run_scoped3A = tpu.sem_alloc : memref<!tpu.dma_semaphore, #tpu.memory_space<semaphore_mem>>
      %dma_start3A = arith.constant 0 : i32
      %dma_start3A_49 = tpu.memref_slice %arg4[%mul3A_2, %dma_start3A] : memref<1280x128xi32, #tpu.memory_space<hbm>> -> memref<40x128xi32, #tpu.memory_space<hbm>>
      %dma_start3A_50 = arith.constant 0 : i32
      %dma_start3A_51 = tpu.memref_slice %arg4[%mul3A_2, %dma_start3A_50] : memref<1280x128xi32, #tpu.memory_space<hbm>> -> memref<40x128xi32, #tpu.memory_space<hbm>>
      tpu.enqueue_dma source(%dma_start3A_51 : memref<40x128xi32, #tpu.memory_space<hbm>>) target(%arg15 : memref<40x128xi32, #tpu.memory_space<vmem>>) target_semaphore(%run_scoped3A : memref<!tpu.dma_semaphore, #tpu.memory_space<semaphore_mem>>)
      %dma_wait3A = arith.constant 0 : i32
      %dma_wait3A_52 = tpu.memref_slice %arg4[%mul3A_2, %dma_wait3A] : memref<1280x128xi32, #tpu.memory_space<hbm>> -> memref<40x128xi32, #tpu.memory_space<hbm>>
      %dma_wait3A_53 = arith.constant 0 : i32
      %dma_wait3A_54 = tpu.memref_slice %arg4[%mul3A_2, %dma_wait3A_53] : memref<1280x128xi32, #tpu.memory_space<hbm>> -> memref<40x128xi32, #tpu.memory_space<hbm>>
      tpu.wait_dma2 semaphore(%run_scoped3A : memref<!tpu.dma_semaphore, #tpu.memory_space<semaphore_mem>>) src(%dma_wait3A_54 : memref<40x128xi32, #tpu.memory_space<hbm>>) dst(%arg15 : memref<40x128xi32, #tpu.memory_space<vmem>>)
      tpu.yield
    }) : () -> ()
    "tpu.region"() ({
      %run_scoped3A = tpu.sem_alloc : memref<!tpu.dma_semaphore, #tpu.memory_space<semaphore_mem>>
      %dma_start3A = arith.constant 0 : i32
      %dma_start3A_49 = tpu.memref_slice %arg5[%mul3A_2, %dma_start3A] : memref<1280x128xi32, #tpu.memory_space<hbm>> -> memref<40x128xi32, #tpu.memory_space<hbm>>
      %dma_start3A_50 = arith.constant 0 : i32
      %dma_start3A_51 = tpu.memref_slice %arg5[%mul3A_2, %dma_start3A_50] : memref<1280x128xi32, #tpu.memory_space<hbm>> -> memref<40x128xi32, #tpu.memory_space<hbm>>
      tpu.enqueue_dma source(%dma_start3A_51 : memref<40x128xi32, #tpu.memory_space<hbm>>) target(%arg16 : memref<40x128xi32, #tpu.memory_space<vmem>>) target_semaphore(%run_scoped3A : memref<!tpu.dma_semaphore, #tpu.memory_space<semaphore_mem>>)
      %dma_wait3A = arith.constant 0 : i32
      %dma_wait3A_52 = tpu.memref_slice %arg5[%mul3A_2, %dma_wait3A] : memref<1280x128xi32, #tpu.memory_space<hbm>> -> memref<40x128xi32, #tpu.memory_space<hbm>>
      %dma_wait3A_53 = arith.constant 0 : i32
      %dma_wait3A_54 = tpu.memref_slice %arg5[%mul3A_2, %dma_wait3A_53] : memref<1280x128xi32, #tpu.memory_space<hbm>> -> memref<40x128xi32, #tpu.memory_space<hbm>>
      tpu.wait_dma2 semaphore(%run_scoped3A : memref<!tpu.dma_semaphore, #tpu.memory_space<semaphore_mem>>) src(%dma_wait3A_54 : memref<40x128xi32, #tpu.memory_space<hbm>>) dst(%arg16 : memref<40x128xi32, #tpu.memory_space<vmem>>)
      tpu.yield
    }) : () -> ()
    %barrier3A = arith.constant 0 : index
    tpu.barrier barrier_id(%barrier3A)
    %scan3A = arith.constant 0 : i32
    %scan3A_7 = arith.constant 0 : i32
    %scan3A_8 = arith.constant 40 : i32
    %scan3A_9 = arith.addi %scan3A_7, %scan3A_8 : i32
    %scan3A_10 = arith.constant 1 : i32
    scf.for %scan3A_49 = %scan3A_7 to %scan3A_9 step %scan3A_10  : i32 {
      %dma_start3A = arith.constant 0 : i32
      %dma_start3A_50 = tpu.memref_slice %arg13[%scan3A_49, %dma_start3A] : memref<40x128xi32, #tpu.memory_space<vmem>> -> memref<1x128xi32, #tpu.memory_space<vmem>>
      %dma_start3A_51 = tpu.memref_squeeze %dma_start3A_50 : memref<1x128xi32, #tpu.memory_space<vmem>> -> memref<128xi32, #tpu.memory_space<vmem>>
      %dma_start3A_52 = arith.constant 0 : i32
      %dma_start3A_53 = arith.constant 0 : i32
      %dma_start3A_54 = tpu.memref_slice %arg21[%dma_start3A_52, %dma_start3A_53] : memref<10240x16xf32, #tpu.memory_space<vmem_shared>> -> memref<10240x16xf32, #tpu.memory_space<vmem_shared>>
      tpu.enqueue_indirect_dma source(%arg17 : memref<128x16xf32, #tpu.memory_space<vmem>>) target(%dma_start3A_54 : memref<10240x16xf32, #tpu.memory_space<vmem_shared>>) offsets(%dma_start3A_51 : memref<128xi32, #tpu.memory_space<vmem>>) semaphore(%arg20 : memref<!tpu.dma_semaphore, #tpu.memory_space<semaphore_mem>>) {add = true}
    }
    %scan3A_11 = arith.constant 40 : i32
    %scan3A_12 = arith.constant 0 : i32
    %scan3A_13 = arith.constant 0 : i32
    %scan3A_14 = arith.constant 40 : i32
    %scan3A_15 = arith.addi %scan3A_13, %scan3A_14 : i32
    %scan3A_16 = arith.constant 1 : i32
    scf.for %scan3A_49 = %scan3A_13 to %scan3A_15 step %scan3A_16  : i32 {
      tpu.wait_dma2 semaphore(%arg20 : memref<!tpu.dma_semaphore, #tpu.memory_space<semaphore_mem>>) src(%arg7 : memref<128x16xf32, #tpu.memory_space<hbm>>) dst(%arg17 : memref<128x16xf32, #tpu.memory_space<vmem>>)
    }
    %scan3A_17 = arith.constant 40 : i32
    %scan3A_18 = arith.constant 0 : i32
    %scan3A_19 = arith.constant 0 : i32
    %scan3A_20 = arith.constant 40 : i32
    %scan3A_21 = arith.addi %scan3A_19, %scan3A_20 : i32
    %scan3A_22 = arith.constant 1 : i32
    scf.for %scan3A_49 = %scan3A_19 to %scan3A_21 step %scan3A_22  : i32 {
      %dma_start3A = arith.constant 0 : i32
      %dma_start3A_50 = tpu.memref_slice %arg14[%scan3A_49, %dma_start3A] : memref<40x128xi32, #tpu.memory_space<vmem>> -> memref<1x128xi32, #tpu.memory_space<vmem>>
      %dma_start3A_51 = tpu.memref_squeeze %dma_start3A_50 : memref<1x128xi32, #tpu.memory_space<vmem>> -> memref<128xi32, #tpu.memory_space<vmem>>
      %dma_start3A_52 = arith.constant 0 : i32
      %dma_start3A_53 = arith.constant 0 : i32
      %dma_start3A_54 = tpu.memref_slice %arg22[%dma_start3A_52, %dma_start3A_53] : memref<2048x16xf32, #tpu.memory_space<vmem_shared>> -> memref<2048x16xf32, #tpu.memory_space<vmem_shared>>
      tpu.enqueue_indirect_dma source(%arg17 : memref<128x16xf32, #tpu.memory_space<vmem>>) target(%dma_start3A_54 : memref<2048x16xf32, #tpu.memory_space<vmem_shared>>) offsets(%dma_start3A_51 : memref<128xi32, #tpu.memory_space<vmem>>) semaphore(%arg20 : memref<!tpu.dma_semaphore, #tpu.memory_space<semaphore_mem>>) {add = true}
    }
    %scan3A_23 = arith.constant 40 : i32
    %scan3A_24 = arith.constant 0 : i32
    %scan3A_25 = arith.constant 0 : i32
    %scan3A_26 = arith.constant 40 : i32
    %scan3A_27 = arith.addi %scan3A_25, %scan3A_26 : i32
    %scan3A_28 = arith.constant 1 : i32
    scf.for %scan3A_49 = %scan3A_25 to %scan3A_27 step %scan3A_28  : i32 {
      tpu.wait_dma2 semaphore(%arg20 : memref<!tpu.dma_semaphore, #tpu.memory_space<semaphore_mem>>) src(%arg7 : memref<128x16xf32, #tpu.memory_space<hbm>>) dst(%arg17 : memref<128x16xf32, #tpu.memory_space<vmem>>)
    }
    %scan3A_29 = arith.constant 40 : i32
    %scan3A_30 = arith.constant 0 : i32
    %scan3A_31 = arith.constant 0 : i32
    %scan3A_32 = arith.constant 40 : i32
    %scan3A_33 = arith.addi %scan3A_31, %scan3A_32 : i32
    %scan3A_34 = arith.constant 1 : i32
    scf.for %scan3A_49 = %scan3A_31 to %scan3A_33 step %scan3A_34  : i32 {
      %dma_start3A = arith.constant 0 : i32
      %dma_start3A_50 = tpu.memref_slice %arg15[%scan3A_49, %dma_start3A] : memref<40x128xi32, #tpu.memory_space<vmem>> -> memref<1x128xi32, #tpu.memory_space<vmem>>
      %dma_start3A_51 = tpu.memref_squeeze %dma_start3A_50 : memref<1x128xi32, #tpu.memory_space<vmem>> -> memref<128xi32, #tpu.memory_space<vmem>>
      %dma_start3A_52 = arith.constant 0 : i32
      %dma_start3A_53 = arith.constant 0 : i32
      %dma_start3A_54 = tpu.memref_slice %arg23[%dma_start3A_52, %dma_start3A_53] : memref<10240x16xf32, #tpu.memory_space<vmem_shared>> -> memref<10240x16xf32, #tpu.memory_space<vmem_shared>>
      tpu.enqueue_indirect_dma source(%arg17 : memref<128x16xf32, #tpu.memory_space<vmem>>) target(%dma_start3A_54 : memref<10240x16xf32, #tpu.memory_space<vmem_shared>>) offsets(%dma_start3A_51 : memref<128xi32, #tpu.memory_space<vmem>>) semaphore(%arg20 : memref<!tpu.dma_semaphore, #tpu.memory_space<semaphore_mem>>) {add = true}
    }
    %scan3A_35 = arith.constant 40 : i32
    %scan3A_36 = arith.constant 0 : i32
    %scan3A_37 = arith.constant 0 : i32
    %scan3A_38 = arith.constant 40 : i32
    %scan3A_39 = arith.addi %scan3A_37, %scan3A_38 : i32
    %scan3A_40 = arith.constant 1 : i32
    scf.for %scan3A_49 = %scan3A_37 to %scan3A_39 step %scan3A_40  : i32 {
      tpu.wait_dma2 semaphore(%arg20 : memref<!tpu.dma_semaphore, #tpu.memory_space<semaphore_mem>>) src(%arg7 : memref<128x16xf32, #tpu.memory_space<hbm>>) dst(%arg17 : memref<128x16xf32, #tpu.memory_space<vmem>>)
    }
    %scan3A_41 = arith.constant 40 : i32
    %scan3A_42 = arith.constant 0 : i32
    %scan3A_43 = arith.constant 0 : i32
    %scan3A_44 = arith.constant 10 : i32
    %scan3A_45 = arith.addi %scan3A_43, %scan3A_44 : i32
    %scan3A_46 = arith.constant 1 : i32
    scf.for %scan3A_49 = %scan3A_43 to %scan3A_45 step %scan3A_46  : i32 {
      %mul3A_50 = arith.constant 4 : i32
      %mul3A_51 = arith.muli %scan3A_49, %mul3A_50 : i32
      %add3A_52 = arith.constant 0 : i32
      %add3A_53 = arith.addi %mul3A_51, %add3A_52 : i32
      %dma_start3A = arith.constant 0 : i32
      %dma_start3A_54 = arith.constant 0 : i32
      %dma_start3A_55 = arith.constant 0 : i32
      %dma_start3A_56 = tpu.memref_slice %arg18[%dma_start3A, %dma_start3A_54, %dma_start3A_55] : memref<4x128x16xf32, #tpu.memory_space<vmem>> -> memref<1x128x16xf32, #tpu.memory_space<vmem>>
      %dma_start3A_57 = tpu.memref_squeeze %dma_start3A_56 : memref<1x128x16xf32, #tpu.memory_space<vmem>> -> memref<128x16xf32, #tpu.memory_space<vmem>>
      %dma_start3A_58 = arith.constant 0 : i32
      %dma_start3A_59 = tpu.memref_slice %arg16[%add3A_53, %dma_start3A_58] : memref<40x128xi32, #tpu.memory_space<vmem>> -> memref<1x128xi32, #tpu.memory_space<vmem>>
      %dma_start3A_60 = tpu.memref_squeeze %dma_start3A_59 : memref<1x128xi32, #tpu.memory_space<vmem>> -> memref<128xi32, #tpu.memory_space<vmem>>
      %dma_start3A_61 = arith.constant 0 : i32
      %dma_start3A_62 = arith.constant 0 : i32
      %dma_start3A_63 = tpu.memref_slice %arg6[%dma_start3A_61, %dma_start3A_62] : memref<2000x16xf32, #tpu.memory_space<hbm>> -> memref<2000x16xf32, #tpu.memory_space<hbm>>
      tpu.enqueue_indirect_dma source(%dma_start3A_63 : memref<2000x16xf32, #tpu.memory_space<hbm>>) target(%dma_start3A_57 : memref<128x16xf32, #tpu.memory_space<vmem>>) offsets(%dma_start3A_60 : memref<128xi32, #tpu.memory_space<vmem>>) semaphore(%arg19 : memref<!tpu.dma_semaphore, #tpu.memory_space<semaphore_mem>>)
      %add3A_64 = arith.constant 1 : i32
      %add3A_65 = arith.addi %mul3A_51, %add3A_64 : i32
      %dma_start3A_66 = arith.constant 1 : i32
      %dma_start3A_67 = arith.constant 0 : i32
      %dma_start3A_68 = arith.constant 0 : i32
      %dma_start3A_69 = tpu.memref_slice %arg18[%dma_start3A_66, %dma_start3A_67, %dma_start3A_68] : memref<4x128x16xf32, #tpu.memory_space<vmem>> -> memref<1x128x16xf32, #tpu.memory_space<vmem>>
      %dma_start3A_70 = tpu.memref_squeeze %dma_start3A_69 : memref<1x128x16xf32, #tpu.memory_space<vmem>> -> memref<128x16xf32, #tpu.memory_space<vmem>>
      %dma_start3A_71 = arith.constant 0 : i32
      %dma_start3A_72 = tpu.memref_slice %arg16[%add3A_65, %dma_start3A_71] : memref<40x128xi32, #tpu.memory_space<vmem>> -> memref<1x128xi32, #tpu.memory_space<vmem>>
      %dma_start3A_73 = tpu.memref_squeeze %dma_start3A_72 : memref<1x128xi32, #tpu.memory_space<vmem>> -> memref<128xi32, #tpu.memory_space<vmem>>
      %dma_start3A_74 = arith.constant 0 : i32
      %dma_start3A_75 = arith.constant 0 : i32
      %dma_start3A_76 = tpu.memref_slice %arg6[%dma_start3A_74, %dma_start3A_75] : memref<2000x16xf32, #tpu.memory_space<hbm>> -> memref<2000x16xf32, #tpu.memory_space<hbm>>
      tpu.enqueue_indirect_dma source(%dma_start3A_76 : memref<2000x16xf32, #tpu.memory_space<hbm>>) target(%dma_start3A_70 : memref<128x16xf32, #tpu.memory_space<vmem>>) offsets(%dma_start3A_73 : memref<128xi32, #tpu.memory_space<vmem>>) semaphore(%arg19 : memref<!tpu.dma_semaphore, #tpu.memory_space<semaphore_mem>>)
      %add3A_77 = arith.constant 2 : i32
      %add3A_78 = arith.addi %mul3A_51, %add3A_77 : i32
      %dma_start3A_79 = arith.constant 2 : i32
      %dma_start3A_80 = arith.constant 0 : i32
      %dma_start3A_81 = arith.constant 0 : i32
      %dma_start3A_82 = tpu.memref_slice %arg18[%dma_start3A_79, %dma_start3A_80, %dma_start3A_81] : memref<4x128x16xf32, #tpu.memory_space<vmem>> -> memref<1x128x16xf32, #tpu.memory_space<vmem>>
      %dma_start3A_83 = tpu.memref_squeeze %dma_start3A_82 : memref<1x128x16xf32, #tpu.memory_space<vmem>> -> memref<128x16xf32, #tpu.memory_space<vmem>>
      %dma_start3A_84 = arith.constant 0 : i32
      %dma_start3A_85 = tpu.memref_slice %arg16[%add3A_78, %dma_start3A_84] : memref<40x128xi32, #tpu.memory_space<vmem>> -> memref<1x128xi32, #tpu.memory_space<vmem>>
      %dma_start3A_86 = tpu.memref_squeeze %dma_start3A_85 : memref<1x128xi32, #tpu.memory_space<vmem>> -> memref<128xi32, #tpu.memory_space<vmem>>
      %dma_start3A_87 = arith.constant 0 : i32
      %dma_start3A_88 = arith.constant 0 : i32
      %dma_start3A_89 = tpu.memref_slice %arg6[%dma_start3A_87, %dma_start3A_88] : memref<2000x16xf32, #tpu.memory_space<hbm>> -> memref<2000x16xf32, #tpu.memory_space<hbm>>
      tpu.enqueue_indirect_dma source(%dma_start3A_89 : memref<2000x16xf32, #tpu.memory_space<hbm>>) target(%dma_start3A_83 : memref<128x16xf32, #tpu.memory_space<vmem>>) offsets(%dma_start3A_86 : memref<128xi32, #tpu.memory_space<vmem>>) semaphore(%arg19 : memref<!tpu.dma_semaphore, #tpu.memory_space<semaphore_mem>>)
      %add3A_90 = arith.constant 3 : i32
      %add3A_91 = arith.addi %mul3A_51, %add3A_90 : i32
      %dma_start3A_92 = arith.constant 3 : i32
      %dma_start3A_93 = arith.constant 0 : i32
      %dma_start3A_94 = arith.constant 0 : i32
      %dma_start3A_95 = tpu.memref_slice %arg18[%dma_start3A_92, %dma_start3A_93, %dma_start3A_94] : memref<4x128x16xf32, #tpu.memory_space<vmem>> -> memref<1x128x16xf32, #tpu.memory_space<vmem>>
      %dma_start3A_96 = tpu.memref_squeeze %dma_start3A_95 : memref<1x128x16xf32, #tpu.memory_space<vmem>> -> memref<128x16xf32, #tpu.memory_space<vmem>>
      %dma_start3A_97 = arith.constant 0 : i32
      %dma_start3A_98 = tpu.memref_slice %arg16[%add3A_91, %dma_start3A_97] : memref<40x128xi32, #tpu.memory_space<vmem>> -> memref<1x128xi32, #tpu.memory_space<vmem>>
      %dma_start3A_99 = tpu.memref_squeeze %dma_start3A_98 : memref<1x128xi32, #tpu.memory_space<vmem>> -> memref<128xi32, #tpu.memory_space<vmem>>
      %dma_start3A_100 = arith.constant 0 : i32
      %dma_start3A_101 = arith.constant 0 : i32
      %dma_start3A_102 = tpu.memref_slice %arg6[%dma_start3A_100, %dma_start3A_101] : memref<2000x16xf32, #tpu.memory_space<hbm>> -> memref<2000x16xf32, #tpu.memory_space<hbm>>
      tpu.enqueue_indirect_dma source(%dma_start3A_102 : memref<2000x16xf32, #tpu.memory_space<hbm>>) target(%dma_start3A_96 : memref<128x16xf32, #tpu.memory_space<vmem>>) offsets(%dma_start3A_99 : memref<128xi32, #tpu.memory_space<vmem>>) semaphore(%arg19 : memref<!tpu.dma_semaphore, #tpu.memory_space<semaphore_mem>>)
      %add3A_103 = arith.constant 0 : i32
      %add3A_104 = arith.addi %mul3A_51, %add3A_103 : i32
      %dma_wait3A = arith.constant 0 : i32
      %dma_wait3A_105 = arith.constant 0 : i32
      %dma_wait3A_106 = arith.constant 0 : i32
      %dma_wait3A_107 = tpu.memref_slice %arg18[%dma_wait3A, %dma_wait3A_105, %dma_wait3A_106] : memref<4x128x16xf32, #tpu.memory_space<vmem>> -> memref<1x128x16xf32, #tpu.memory_space<vmem>>
      %dma_wait3A_108 = tpu.memref_squeeze %dma_wait3A_107 : memref<1x128x16xf32, #tpu.memory_space<vmem>> -> memref<128x16xf32, #tpu.memory_space<vmem>>
      %dma_wait3A_109 = arith.constant 0 : i32
      %dma_wait3A_110 = tpu.memref_slice %arg16[%add3A_104, %dma_wait3A_109] : memref<40x128xi32, #tpu.memory_space<vmem>> -> memref<1x128xi32, #tpu.memory_space<vmem>>
      %dma_wait3A_111 = tpu.memref_squeeze %dma_wait3A_110 : memref<1x128xi32, #tpu.memory_space<vmem>> -> memref<128xi32, #tpu.memory_space<vmem>>
      %dma_wait3A_112 = arith.constant 0 : i32
      %dma_wait3A_113 = arith.constant 0 : i32
      %dma_wait3A_114 = tpu.memref_slice %arg6[%dma_wait3A_112, %dma_wait3A_113] : memref<2000x16xf32, #tpu.memory_space<hbm>> -> memref<2000x16xf32, #tpu.memory_space<hbm>>
      tpu.wait_indirect_dma semaphore(%arg19 : memref<!tpu.dma_semaphore, #tpu.memory_space<semaphore_mem>>) src(%dma_wait3A_114 : memref<2000x16xf32, #tpu.memory_space<hbm>>) dst(%dma_wait3A_108 : memref<128x16xf32, #tpu.memory_space<vmem>>)
      %add3A_115 = arith.addi %mul3A_2, %mul3A_51 : i32
      %add3A_116 = arith.constant 0 : i32
      %add3A_117 = arith.addi %add3A_115, %add3A_116 : i32
      %mul3A_118 = arith.constant 128 : i32
      %mul3A_119 = arith.muli %add3A_117, %mul3A_118 : i32
      %dma_start3A_120 = arith.constant 0 : i32
      %dma_start3A_121 = arith.constant 0 : i32
      %dma_start3A_122 = arith.constant 0 : i32
      %dma_start3A_123 = tpu.memref_slice %arg18[%dma_start3A_120, %dma_start3A_121, %dma_start3A_122] : memref<4x128x16xf32, #tpu.memory_space<vmem>> -> memref<1x128x16xf32, #tpu.memory_space<vmem>>
      %dma_start3A_124 = tpu.memref_squeeze %dma_start3A_123 : memref<1x128x16xf32, #tpu.memory_space<vmem>> -> memref<128x16xf32, #tpu.memory_space<vmem>>
      %dma_start3A_125 = arith.constant 0 : i32
      %dma_start3A_126 = tpu.memref_slice %arg12[%mul3A_119, %dma_start3A_125] : memref<163840x16xf32, #tpu.memory_space<hbm>> -> memref<128x16xf32, #tpu.memory_space<hbm>>
      %dma_start3A_127 = arith.constant 0 : i32
      %dma_start3A_128 = tpu.memref_slice %arg12[%mul3A_119, %dma_start3A_127] : memref<163840x16xf32, #tpu.memory_space<hbm>> -> memref<128x16xf32, #tpu.memory_space<hbm>>
      %dma_start3A_129 = arith.constant 0 : i32
      %dma_start3A_130 = arith.constant 0 : i32
      %dma_start3A_131 = tpu.memref_slice %arg18[%dma_start3A_120, %dma_start3A_129, %dma_start3A_130] : memref<4x128x16xf32, #tpu.memory_space<vmem>> -> memref<1x128x16xf32, #tpu.memory_space<vmem>>
      %dma_start3A_132 = tpu.memref_squeeze %dma_start3A_131 : memref<1x128x16xf32, #tpu.memory_space<vmem>> -> memref<128x16xf32, #tpu.memory_space<vmem>>
      tpu.enqueue_dma source(%dma_start3A_132 : memref<128x16xf32, #tpu.memory_space<vmem>>) target(%dma_start3A_128 : memref<128x16xf32, #tpu.memory_space<hbm>>) target_semaphore(%arg20 : memref<!tpu.dma_semaphore, #tpu.memory_space<semaphore_mem>>)
      %add3A_133 = arith.constant 1 : i32
      %add3A_134 = arith.addi %mul3A_51, %add3A_133 : i32
      %dma_wait3A_135 = arith.constant 1 : i32
      %dma_wait3A_136 = arith.constant 0 : i32
      %dma_wait3A_137 = arith.constant 0 : i32
      %dma_wait3A_138 = tpu.memref_slice %arg18[%dma_wait3A_135, %dma_wait3A_136, %dma_wait3A_137] : memref<4x128x16xf32, #tpu.memory_space<vmem>> -> memref<1x128x16xf32, #tpu.memory_space<vmem>>
      %dma_wait3A_139 = tpu.memref_squeeze %dma_wait3A_138 : memref<1x128x16xf32, #tpu.memory_space<vmem>> -> memref<128x16xf32, #tpu.memory_space<vmem>>
      %dma_wait3A_140 = arith.constant 0 : i32
      %dma_wait3A_141 = tpu.memref_slice %arg16[%add3A_134, %dma_wait3A_140] : memref<40x128xi32, #tpu.memory_space<vmem>> -> memref<1x128xi32, #tpu.memory_space<vmem>>
      %dma_wait3A_142 = tpu.memref_squeeze %dma_wait3A_141 : memref<1x128xi32, #tpu.memory_space<vmem>> -> memref<128xi32, #tpu.memory_space<vmem>>
      %dma_wait3A_143 = arith.constant 0 : i32
      %dma_wait3A_144 = arith.constant 0 : i32
      %dma_wait3A_145 = tpu.memref_slice %arg6[%dma_wait3A_143, %dma_wait3A_144] : memref<2000x16xf32, #tpu.memory_space<hbm>> -> memref<2000x16xf32, #tpu.memory_space<hbm>>
      tpu.wait_indirect_dma semaphore(%arg19 : memref<!tpu.dma_semaphore, #tpu.memory_space<semaphore_mem>>) src(%dma_wait3A_145 : memref<2000x16xf32, #tpu.memory_space<hbm>>) dst(%dma_wait3A_139 : memref<128x16xf32, #tpu.memory_space<vmem>>)
      %add3A_146 = arith.addi %mul3A_2, %mul3A_51 : i32
      %add3A_147 = arith.constant 1 : i32
      %add3A_148 = arith.addi %add3A_146, %add3A_147 : i32
      %mul3A_149 = arith.constant 128 : i32
      %mul3A_150 = arith.muli %add3A_148, %mul3A_149 : i32
      %dma_start3A_151 = arith.constant 1 : i32
      %dma_start3A_152 = arith.constant 0 : i32
      %dma_start3A_153 = arith.constant 0 : i32
      %dma_start3A_154 = tpu.memref_slice %arg18[%dma_start3A_151, %dma_start3A_152, %dma_start3A_153] : memref<4x128x16xf32, #tpu.memory_space<vmem>> -> memref<1x128x16xf32, #tpu.memory_space<vmem>>
      %dma_start3A_155 = tpu.memref_squeeze %dma_start3A_154 : memref<1x128x16xf32, #tpu.memory_space<vmem>> -> memref<128x16xf32, #tpu.memory_space<vmem>>
      %dma_start3A_156 = arith.constant 0 : i32
      %dma_start3A_157 = tpu.memref_slice %arg12[%mul3A_150, %dma_start3A_156] : memref<163840x16xf32, #tpu.memory_space<hbm>> -> memref<128x16xf32, #tpu.memory_space<hbm>>
      %dma_start3A_158 = arith.constant 0 : i32
      %dma_start3A_159 = tpu.memref_slice %arg12[%mul3A_150, %dma_start3A_158] : memref<163840x16xf32, #tpu.memory_space<hbm>> -> memref<128x16xf32, #tpu.memory_space<hbm>>
      %dma_start3A_160 = arith.constant 0 : i32
      %dma_start3A_161 = arith.constant 0 : i32
      %dma_start3A_162 = tpu.memref_slice %arg18[%dma_start3A_151, %dma_start3A_160, %dma_start3A_161] : memref<4x128x16xf32, #tpu.memory_space<vmem>> -> memref<1x128x16xf32, #tpu.memory_space<vmem>>
      %dma_start3A_163 = tpu.memref_squeeze %dma_start3A_162 : memref<1x128x16xf32, #tpu.memory_space<vmem>> -> memref<128x16xf32, #tpu.memory_space<vmem>>
      tpu.enqueue_dma source(%dma_start3A_163 : memref<128x16xf32, #tpu.memory_space<vmem>>) target(%dma_start3A_159 : memref<128x16xf32, #tpu.memory_space<hbm>>) target_semaphore(%arg20 : memref<!tpu.dma_semaphore, #tpu.memory_space<semaphore_mem>>)
      %add3A_164 = arith.constant 2 : i32
      %add3A_165 = arith.addi %mul3A_51, %add3A_164 : i32
      %dma_wait3A_166 = arith.constant 2 : i32
      %dma_wait3A_167 = arith.constant 0 : i32
      %dma_wait3A_168 = arith.constant 0 : i32
      %dma_wait3A_169 = tpu.memref_slice %arg18[%dma_wait3A_166, %dma_wait3A_167, %dma_wait3A_168] : memref<4x128x16xf32, #tpu.memory_space<vmem>> -> memref<1x128x16xf32, #tpu.memory_space<vmem>>
      %dma_wait3A_170 = tpu.memref_squeeze %dma_wait3A_169 : memref<1x128x16xf32, #tpu.memory_space<vmem>> -> memref<128x16xf32, #tpu.memory_space<vmem>>
      %dma_wait3A_171 = arith.constant 0 : i32
      %dma_wait3A_172 = tpu.memref_slice %arg16[%add3A_165, %dma_wait3A_171] : memref<40x128xi32, #tpu.memory_space<vmem>> -> memref<1x128xi32, #tpu.memory_space<vmem>>
      %dma_wait3A_173 = tpu.memref_squeeze %dma_wait3A_172 : memref<1x128xi32, #tpu.memory_space<vmem>> -> memref<128xi32, #tpu.memory_space<vmem>>
      %dma_wait3A_174 = arith.constant 0 : i32
      %dma_wait3A_175 = arith.constant 0 : i32
      %dma_wait3A_176 = tpu.memref_slice %arg6[%dma_wait3A_174, %dma_wait3A_175] : memref<2000x16xf32, #tpu.memory_space<hbm>> -> memref<2000x16xf32, #tpu.memory_space<hbm>>
      tpu.wait_indirect_dma semaphore(%arg19 : memref<!tpu.dma_semaphore, #tpu.memory_space<semaphore_mem>>) src(%dma_wait3A_176 : memref<2000x16xf32, #tpu.memory_space<hbm>>) dst(%dma_wait3A_170 : memref<128x16xf32, #tpu.memory_space<vmem>>)
      %add3A_177 = arith.addi %mul3A_2, %mul3A_51 : i32
      %add3A_178 = arith.constant 2 : i32
      %add3A_179 = arith.addi %add3A_177, %add3A_178 : i32
      %mul3A_180 = arith.constant 128 : i32
      %mul3A_181 = arith.muli %add3A_179, %mul3A_180 : i32
      %dma_start3A_182 = arith.constant 2 : i32
      %dma_start3A_183 = arith.constant 0 : i32
      %dma_start3A_184 = arith.constant 0 : i32
      %dma_start3A_185 = tpu.memref_slice %arg18[%dma_start3A_182, %dma_start3A_183, %dma_start3A_184] : memref<4x128x16xf32, #tpu.memory_space<vmem>> -> memref<1x128x16xf32, #tpu.memory_space<vmem>>
      %dma_start3A_186 = tpu.memref_squeeze %dma_start3A_185 : memref<1x128x16xf32, #tpu.memory_space<vmem>> -> memref<128x16xf32, #tpu.memory_space<vmem>>
      %dma_start3A_187 = arith.constant 0 : i32
      %dma_start3A_188 = tpu.memref_slice %arg12[%mul3A_181, %dma_start3A_187] : memref<163840x16xf32, #tpu.memory_space<hbm>> -> memref<128x16xf32, #tpu.memory_space<hbm>>
      %dma_start3A_189 = arith.constant 0 : i32
      %dma_start3A_190 = tpu.memref_slice %arg12[%mul3A_181, %dma_start3A_189] : memref<163840x16xf32, #tpu.memory_space<hbm>> -> memref<128x16xf32, #tpu.memory_space<hbm>>
      %dma_start3A_191 = arith.constant 0 : i32
      %dma_start3A_192 = arith.constant 0 : i32
      %dma_start3A_193 = tpu.memref_slice %arg18[%dma_start3A_182, %dma_start3A_191, %dma_start3A_192] : memref<4x128x16xf32, #tpu.memory_space<vmem>> -> memref<1x128x16xf32, #tpu.memory_space<vmem>>
      %dma_start3A_194 = tpu.memref_squeeze %dma_start3A_193 : memref<1x128x16xf32, #tpu.memory_space<vmem>> -> memref<128x16xf32, #tpu.memory_space<vmem>>
      tpu.enqueue_dma source(%dma_start3A_194 : memref<128x16xf32, #tpu.memory_space<vmem>>) target(%dma_start3A_190 : memref<128x16xf32, #tpu.memory_space<hbm>>) target_semaphore(%arg20 : memref<!tpu.dma_semaphore, #tpu.memory_space<semaphore_mem>>)
      %add3A_195 = arith.constant 3 : i32
      %add3A_196 = arith.addi %mul3A_51, %add3A_195 : i32
      %dma_wait3A_197 = arith.constant 3 : i32
      %dma_wait3A_198 = arith.constant 0 : i32
      %dma_wait3A_199 = arith.constant 0 : i32
      %dma_wait3A_200 = tpu.memref_slice %arg18[%dma_wait3A_197, %dma_wait3A_198, %dma_wait3A_199] : memref<4x128x16xf32, #tpu.memory_space<vmem>> -> memref<1x128x16xf32, #tpu.memory_space<vmem>>
      %dma_wait3A_201 = tpu.memref_squeeze %dma_wait3A_200 : memref<1x128x16xf32, #tpu.memory_space<vmem>> -> memref<128x16xf32, #tpu.memory_space<vmem>>
      %dma_wait3A_202 = arith.constant 0 : i32
      %dma_wait3A_203 = tpu.memref_slice %arg16[%add3A_196, %dma_wait3A_202] : memref<40x128xi32, #tpu.memory_space<vmem>> -> memref<1x128xi32, #tpu.memory_space<vmem>>
      %dma_wait3A_204 = tpu.memref_squeeze %dma_wait3A_203 : memref<1x128xi32, #tpu.memory_space<vmem>> -> memref<128xi32, #tpu.memory_space<vmem>>
      %dma_wait3A_205 = arith.constant 0 : i32
      %dma_wait3A_206 = arith.constant 0 : i32
      %dma_wait3A_207 = tpu.memref_slice %arg6[%dma_wait3A_205, %dma_wait3A_206] : memref<2000x16xf32, #tpu.memory_space<hbm>> -> memref<2000x16xf32, #tpu.memory_space<hbm>>
      tpu.wait_indirect_dma semaphore(%arg19 : memref<!tpu.dma_semaphore, #tpu.memory_space<semaphore_mem>>) src(%dma_wait3A_207 : memref<2000x16xf32, #tpu.memory_space<hbm>>) dst(%dma_wait3A_201 : memref<128x16xf32, #tpu.memory_space<vmem>>)
      %add3A_208 = arith.addi %mul3A_2, %mul3A_51 : i32
      %add3A_209 = arith.constant 3 : i32
      %add3A_210 = arith.addi %add3A_208, %add3A_209 : i32
      %mul3A_211 = arith.constant 128 : i32
      %mul3A_212 = arith.muli %add3A_210, %mul3A_211 : i32
      %dma_start3A_213 = arith.constant 3 : i32
      %dma_start3A_214 = arith.constant 0 : i32
      %dma_start3A_215 = arith.constant 0 : i32
      %dma_start3A_216 = tpu.memref_slice %arg18[%dma_start3A_213, %dma_start3A_214, %dma_start3A_215] : memref<4x128x16xf32, #tpu.memory_space<vmem>> -> memref<1x128x16xf32, #tpu.memory_space<vmem>>
      %dma_start3A_217 = tpu.memref_squeeze %dma_start3A_216 : memref<1x128x16xf32, #tpu.memory_space<vmem>> -> memref<128x16xf32, #tpu.memory_space<vmem>>
      %dma_start3A_218 = arith.constant 0 : i32
      %dma_start3A_219 = tpu.memref_slice %arg12[%mul3A_212, %dma_start3A_218] : memref<163840x16xf32, #tpu.memory_space<hbm>> -> memref<128x16xf32, #tpu.memory_space<hbm>>
      %dma_start3A_220 = arith.constant 0 : i32
      %dma_start3A_221 = tpu.memref_slice %arg12[%mul3A_212, %dma_start3A_220] : memref<163840x16xf32, #tpu.memory_space<hbm>> -> memref<128x16xf32, #tpu.memory_space<hbm>>
      %dma_start3A_222 = arith.constant 0 : i32
      %dma_start3A_223 = arith.constant 0 : i32
      %dma_start3A_224 = tpu.memref_slice %arg18[%dma_start3A_213, %dma_start3A_222, %dma_start3A_223] : memref<4x128x16xf32, #tpu.memory_space<vmem>> -> memref<1x128x16xf32, #tpu.memory_space<vmem>>
      %dma_start3A_225 = tpu.memref_squeeze %dma_start3A_224 : memref<1x128x16xf32, #tpu.memory_space<vmem>> -> memref<128x16xf32, #tpu.memory_space<vmem>>
      tpu.enqueue_dma source(%dma_start3A_225 : memref<128x16xf32, #tpu.memory_space<vmem>>) target(%dma_start3A_221 : memref<128x16xf32, #tpu.memory_space<hbm>>) target_semaphore(%arg20 : memref<!tpu.dma_semaphore, #tpu.memory_space<semaphore_mem>>)
      %dma_wait3A_226 = arith.constant 0 : i32
      %dma_wait3A_227 = arith.constant 0 : i32
      %dma_wait3A_228 = arith.constant 0 : i32
      %dma_wait3A_229 = tpu.memref_slice %arg18[%dma_wait3A_226, %dma_wait3A_227, %dma_wait3A_228] : memref<4x128x16xf32, #tpu.memory_space<vmem>> -> memref<1x128x16xf32, #tpu.memory_space<vmem>>
      %dma_wait3A_230 = tpu.memref_squeeze %dma_wait3A_229 : memref<1x128x16xf32, #tpu.memory_space<vmem>> -> memref<128x16xf32, #tpu.memory_space<vmem>>
      %dma_wait3A_231 = arith.constant 0 : i32
      %dma_wait3A_232 = arith.constant 0 : i32
      %dma_wait3A_233 = tpu.memref_slice %arg12[%dma_wait3A_231, %dma_wait3A_232] : memref<163840x16xf32, #tpu.memory_space<hbm>> -> memref<128x16xf32, #tpu.memory_space<hbm>>
      %dma_wait3A_234 = arith.constant 0 : i32
      %dma_wait3A_235 = arith.constant 0 : i32
      %dma_wait3A_236 = tpu.memref_slice %arg12[%dma_wait3A_234, %dma_wait3A_235] : memref<163840x16xf32, #tpu.memory_space<hbm>> -> memref<128x16xf32, #tpu.memory_space<hbm>>
      %dma_wait3A_237 = arith.constant 0 : i32
      %dma_wait3A_238 = arith.constant 0 : i32
      %dma_wait3A_239 = tpu.memref_slice %arg18[%dma_wait3A_226, %dma_wait3A_237, %dma_wait3A_238] : memref<4x128x16xf32, #tpu.memory_space<vmem>> -> memref<1x128x16xf32, #tpu.memory_space<vmem>>
      %dma_wait3A_240 = tpu.memref_squeeze %dma_wait3A_239 : memref<1x128x16xf32, #tpu.memory_space<vmem>> -> memref<128x16xf32, #tpu.memory_space<vmem>>
      tpu.wait_dma2 semaphore(%arg20 : memref<!tpu.dma_semaphore, #tpu.memory_space<semaphore_mem>>) src(%dma_wait3A_240 : memref<128x16xf32, #tpu.memory_space<vmem>>) dst(%dma_wait3A_236 : memref<128x16xf32, #tpu.memory_space<hbm>>)
      %dma_wait3A_241 = arith.constant 1 : i32
      %dma_wait3A_242 = arith.constant 0 : i32
      %dma_wait3A_243 = arith.constant 0 : i32
      %dma_wait3A_244 = tpu.memref_slice %arg18[%dma_wait3A_241, %dma_wait3A_242, %dma_wait3A_243] : memref<4x128x16xf32, #tpu.memory_space<vmem>> -> memref<1x128x16xf32, #tpu.memory_space<vmem>>
      %dma_wait3A_245 = tpu.memref_squeeze %dma_wait3A_244 : memref<1x128x16xf32, #tpu.memory_space<vmem>> -> memref<128x16xf32, #tpu.memory_space<vmem>>
      %dma_wait3A_246 = arith.constant 0 : i32
      %dma_wait3A_247 = arith.constant 0 : i32
      %dma_wait3A_248 = tpu.memref_slice %arg12[%dma_wait3A_246, %dma_wait3A_247] : memref<163840x16xf32, #tpu.memory_space<hbm>> -> memref<128x16xf32, #tpu.memory_space<hbm>>
      %dma_wait3A_249 = arith.constant 0 : i32
      %dma_wait3A_250 = arith.constant 0 : i32
      %dma_wait3A_251 = tpu.memref_slice %arg12[%dma_wait3A_249, %dma_wait3A_250] : memref<163840x16xf32, #tpu.memory_space<hbm>> -> memref<128x16xf32, #tpu.memory_space<hbm>>
      %dma_wait3A_252 = arith.constant 0 : i32
      %dma_wait3A_253 = arith.constant 0 : i32
      %dma_wait3A_254 = tpu.memref_slice %arg18[%dma_wait3A_241, %dma_wait3A_252, %dma_wait3A_253] : memref<4x128x16xf32, #tpu.memory_space<vmem>> -> memref<1x128x16xf32, #tpu.memory_space<vmem>>
      %dma_wait3A_255 = tpu.memref_squeeze %dma_wait3A_254 : memref<1x128x16xf32, #tpu.memory_space<vmem>> -> memref<128x16xf32, #tpu.memory_space<vmem>>
      tpu.wait_dma2 semaphore(%arg20 : memref<!tpu.dma_semaphore, #tpu.memory_space<semaphore_mem>>) src(%dma_wait3A_255 : memref<128x16xf32, #tpu.memory_space<vmem>>) dst(%dma_wait3A_251 : memref<128x16xf32, #tpu.memory_space<hbm>>)
      %dma_wait3A_256 = arith.constant 2 : i32
      %dma_wait3A_257 = arith.constant 0 : i32
      %dma_wait3A_258 = arith.constant 0 : i32
      %dma_wait3A_259 = tpu.memref_slice %arg18[%dma_wait3A_256, %dma_wait3A_257, %dma_wait3A_258] : memref<4x128x16xf32, #tpu.memory_space<vmem>> -> memref<1x128x16xf32, #tpu.memory_space<vmem>>
      %dma_wait3A_260 = tpu.memref_squeeze %dma_wait3A_259 : memref<1x128x16xf32, #tpu.memory_space<vmem>> -> memref<128x16xf32, #tpu.memory_space<vmem>>
      %dma_wait3A_261 = arith.constant 0 : i32
      %dma_wait3A_262 = arith.constant 0 : i32
      %dma_wait3A_263 = tpu.memref_slice %arg12[%dma_wait3A_261, %dma_wait3A_262] : memref<163840x16xf32, #tpu.memory_space<hbm>> -> memref<128x16xf32, #tpu.memory_space<hbm>>
      %dma_wait3A_264 = arith.constant 0 : i32
      %dma_wait3A_265 = arith.constant 0 : i32
      %dma_wait3A_266 = tpu.memref_slice %arg12[%dma_wait3A_264, %dma_wait3A_265] : memref<163840x16xf32, #tpu.memory_space<hbm>> -> memref<128x16xf32, #tpu.memory_space<hbm>>
      %dma_wait3A_267 = arith.constant 0 : i32
      %dma_wait3A_268 = arith.constant 0 : i32
      %dma_wait3A_269 = tpu.memref_slice %arg18[%dma_wait3A_256, %dma_wait3A_267, %dma_wait3A_268] : memref<4x128x16xf32, #tpu.memory_space<vmem>> -> memref<1x128x16xf32, #tpu.memory_space<vmem>>
      %dma_wait3A_270 = tpu.memref_squeeze %dma_wait3A_269 : memref<1x128x16xf32, #tpu.memory_space<vmem>> -> memref<128x16xf32, #tpu.memory_space<vmem>>
      tpu.wait_dma2 semaphore(%arg20 : memref<!tpu.dma_semaphore, #tpu.memory_space<semaphore_mem>>) src(%dma_wait3A_270 : memref<128x16xf32, #tpu.memory_space<vmem>>) dst(%dma_wait3A_266 : memref<128x16xf32, #tpu.memory_space<hbm>>)
      %dma_wait3A_271 = arith.constant 3 : i32
      %dma_wait3A_272 = arith.constant 0 : i32
      %dma_wait3A_273 = arith.constant 0 : i32
      %dma_wait3A_274 = tpu.memref_slice %arg18[%dma_wait3A_271, %dma_wait3A_272, %dma_wait3A_273] : memref<4x128x16xf32, #tpu.memory_space<vmem>> -> memref<1x128x16xf32, #tpu.memory_space<vmem>>
      %dma_wait3A_275 = tpu.memref_squeeze %dma_wait3A_274 : memref<1x128x16xf32, #tpu.memory_space<vmem>> -> memref<128x16xf32, #tpu.memory_space<vmem>>
      %dma_wait3A_276 = arith.constant 0 : i32
      %dma_wait3A_277 = arith.constant 0 : i32
      %dma_wait3A_278 = tpu.memref_slice %arg12[%dma_wait3A_276, %dma_wait3A_277] : memref<163840x16xf32, #tpu.memory_space<hbm>> -> memref<128x16xf32, #tpu.memory_space<hbm>>
      %dma_wait3A_279 = arith.constant 0 : i32
      %dma_wait3A_280 = arith.constant 0 : i32
      %dma_wait3A_281 = tpu.memref_slice %arg12[%dma_wait3A_279, %dma_wait3A_280] : memref<163840x16xf32, #tpu.memory_space<hbm>> -> memref<128x16xf32, #tpu.memory_space<hbm>>
      %dma_wait3A_282 = arith.constant 0 : i32
      %dma_wait3A_283 = arith.constant 0 : i32
      %dma_wait3A_284 = tpu.memref_slice %arg18[%dma_wait3A_271, %dma_wait3A_282, %dma_wait3A_283] : memref<4x128x16xf32, #tpu.memory_space<vmem>> -> memref<1x128x16xf32, #tpu.memory_space<vmem>>
      %dma_wait3A_285 = tpu.memref_squeeze %dma_wait3A_284 : memref<1x128x16xf32, #tpu.memory_space<vmem>> -> memref<128x16xf32, #tpu.memory_space<vmem>>
      tpu.wait_dma2 semaphore(%arg20 : memref<!tpu.dma_semaphore, #tpu.memory_space<semaphore_mem>>) src(%dma_wait3A_285 : memref<128x16xf32, #tpu.memory_space<vmem>>) dst(%dma_wait3A_281 : memref<128x16xf32, #tpu.memory_space<hbm>>)
    }
    %scan3A_47 = arith.constant 10 : i32
    %barrier3A_48 = arith.constant 0 : index
    tpu.barrier barrier_id(%barrier3A_48)
    "tpu.region"() ({
      %run_scoped3A = tpu.sem_alloc : memref<!tpu.dma_semaphore, #tpu.memory_space<semaphore_mem>>
      %dma_start3A = arith.constant 0 : i32
      %dma_start3A_49 = tpu.memref_slice %arg9[%arg0, %mul3A_4, %dma_start3A] : memref<2x10240x16xf32, #tpu.memory_space<hbm>> -> memref<1x640x16xf32, #tpu.memory_space<hbm>>
      %dma_start3A_50 = tpu.memref_squeeze %dma_start3A_49 : memref<1x640x16xf32, #tpu.memory_space<hbm>> -> memref<640x16xf32, #tpu.memory_space<hbm>>
      %dma_start3A_51 = arith.constant 0 : i32
      %dma_start3A_52 = tpu.memref_slice %arg21[%mul3A_4, %dma_start3A_51] : memref<10240x16xf32, #tpu.memory_space<vmem_shared>> -> memref<640x16xf32, #tpu.memory_space<vmem_shared>>
      tpu.enqueue_dma source(%dma_start3A_52 : memref<640x16xf32, #tpu.memory_space<vmem_shared>>) target(%dma_start3A_50 : memref<640x16xf32, #tpu.memory_space<hbm>>) target_semaphore(%run_scoped3A : memref<!tpu.dma_semaphore, #tpu.memory_space<semaphore_mem>>)
      %dma_wait3A = arith.constant 0 : i32
      %dma_wait3A_53 = tpu.memref_slice %arg9[%arg0, %mul3A_4, %dma_wait3A] : memref<2x10240x16xf32, #tpu.memory_space<hbm>> -> memref<1x640x16xf32, #tpu.memory_space<hbm>>
      %dma_wait3A_54 = tpu.memref_squeeze %dma_wait3A_53 : memref<1x640x16xf32, #tpu.memory_space<hbm>> -> memref<640x16xf32, #tpu.memory_space<hbm>>
      %dma_wait3A_55 = arith.constant 0 : i32
      %dma_wait3A_56 = tpu.memref_slice %arg21[%mul3A_4, %dma_wait3A_55] : memref<10240x16xf32, #tpu.memory_space<vmem_shared>> -> memref<640x16xf32, #tpu.memory_space<vmem_shared>>
      tpu.wait_dma2 semaphore(%run_scoped3A : memref<!tpu.dma_semaphore, #tpu.memory_space<semaphore_mem>>) src(%dma_wait3A_56 : memref<640x16xf32, #tpu.memory_space<vmem_shared>>) dst(%dma_wait3A_54 : memref<640x16xf32, #tpu.memory_space<hbm>>)
      tpu.yield
    }) : () -> ()
    "tpu.region"() ({
      %run_scoped3A = tpu.sem_alloc : memref<!tpu.dma_semaphore, #tpu.memory_space<semaphore_mem>>
      %dma_start3A = arith.constant 0 : i32
      %dma_start3A_49 = tpu.memref_slice %arg11[%arg0, %mul3A_4, %dma_start3A] : memref<2x10240x16xf32, #tpu.memory_space<hbm>> -> memref<1x640x16xf32, #tpu.memory_space<hbm>>
      %dma_start3A_50 = tpu.memref_squeeze %dma_start3A_49 : memref<1x640x16xf32, #tpu.memory_space<hbm>> -> memref<640x16xf32, #tpu.memory_space<hbm>>
      %dma_start3A_51 = arith.constant 0 : i32
      %dma_start3A_52 = tpu.memref_slice %arg23[%mul3A_4, %dma_start3A_51] : memref<10240x16xf32, #tpu.memory_space<vmem_shared>> -> memref<640x16xf32, #tpu.memory_space<vmem_shared>>
      tpu.enqueue_dma source(%dma_start3A_52 : memref<640x16xf32, #tpu.memory_space<vmem_shared>>) target(%dma_start3A_50 : memref<640x16xf32, #tpu.memory_space<hbm>>) target_semaphore(%run_scoped3A : memref<!tpu.dma_semaphore, #tpu.memory_space<semaphore_mem>>)
      %dma_wait3A = arith.constant 0 : i32
      %dma_wait3A_53 = tpu.memref_slice %arg11[%arg0, %mul3A_4, %dma_wait3A] : memref<2x10240x16xf32, #tpu.memory_space<hbm>> -> memref<1x640x16xf32, #tpu.memory_space<hbm>>
      %dma_wait3A_54 = tpu.memref_squeeze %dma_wait3A_53 : memref<1x640x16xf32, #tpu.memory_space<hbm>> -> memref<640x16xf32, #tpu.memory_space<hbm>>
      %dma_wait3A_55 = arith.constant 0 : i32
      %dma_wait3A_56 = tpu.memref_slice %arg23[%mul3A_4, %dma_wait3A_55] : memref<10240x16xf32, #tpu.memory_space<vmem_shared>> -> memref<640x16xf32, #tpu.memory_space<vmem_shared>>
      tpu.wait_dma2 semaphore(%run_scoped3A : memref<!tpu.dma_semaphore, #tpu.memory_space<semaphore_mem>>) src(%dma_wait3A_56 : memref<640x16xf32, #tpu.memory_space<vmem_shared>>) dst(%dma_wait3A_54 : memref<640x16xf32, #tpu.memory_space<hbm>>)
      tpu.yield
    }) : () -> ()
    "tpu.region"() ({
      %run_scoped3A = tpu.sem_alloc : memref<!tpu.dma_semaphore, #tpu.memory_space<semaphore_mem>>
      %dma_start3A = arith.constant 0 : i32
      %dma_start3A_49 = tpu.memref_slice %arg10[%arg0, %mul3A_6, %dma_start3A] : memref<2x2048x16xf32, #tpu.memory_space<hbm>> -> memref<1x128x16xf32, #tpu.memory_space<hbm>>
      %dma_start3A_50 = tpu.memref_squeeze %dma_start3A_49 : memref<1x128x16xf32, #tpu.memory_space<hbm>> -> memref<128x16xf32, #tpu.memory_space<hbm>>
      %dma_start3A_51 = arith.constant 0 : i32
      %dma_start3A_52 = tpu.memref_slice %arg22[%mul3A_6, %dma_start3A_51] : memref<2048x16xf32, #tpu.memory_space<vmem_shared>> -> memref<128x16xf32, #tpu.memory_space<vmem_shared>>
      tpu.enqueue_dma source(%dma_start3A_52 : memref<128x16xf32, #tpu.memory_space<vmem_shared>>) target(%dma_start3A_50 : memref<128x16xf32, #tpu.memory_space<hbm>>) target_semaphore(%run_scoped3A : memref<!tpu.dma_semaphore, #tpu.memory_space<semaphore_mem>>)
      %dma_wait3A = arith.constant 0 : i32
      %dma_wait3A_53 = tpu.memref_slice %arg10[%arg0, %mul3A_6, %dma_wait3A] : memref<2x2048x16xf32, #tpu.memory_space<hbm>> -> memref<1x128x16xf32, #tpu.memory_space<hbm>>
      %dma_wait3A_54 = tpu.memref_squeeze %dma_wait3A_53 : memref<1x128x16xf32, #tpu.memory_space<hbm>> -> memref<128x16xf32, #tpu.memory_space<hbm>>
      %dma_wait3A_55 = arith.constant 0 : i32
      %dma_wait3A_56 = tpu.memref_slice %arg22[%mul3A_6, %dma_wait3A_55] : memref<2048x16xf32, #tpu.memory_space<vmem_shared>> -> memref<128x16xf32, #tpu.memory_space<vmem_shared>>
      tpu.wait_dma2 semaphore(%run_scoped3A : memref<!tpu.dma_semaphore, #tpu.memory_space<semaphore_mem>>) src(%dma_wait3A_56 : memref<128x16xf32, #tpu.memory_space<vmem_shared>>) dst(%dma_wait3A_54 : memref<128x16xf32, #tpu.memory_space<hbm>>)
      tpu.yield
    }) : () -> ()
    return
  }
}

#map = affine_map<(d0, d1) -> (0, 0)>
#map1 = affine_map<(d0, d1) -> (0, 0, 0)>
module attributes {stable_mosaic.version = 14 : i64} {
  func.func @_sc2_body(%arg0: i32, %arg1: i32, %arg2: memref<10000x128xf32, #tpu.memory_space<hbm>>, %arg3: memref<163840x16xf32, #tpu.memory_space<hbm>>, %arg4: memref<1280x128xi32, #tpu.memory_space<hbm>>, %arg5: memref<1280x128xi32, #tpu.memory_space<hbm>>, %arg6: memref<1280x128xi32, #tpu.memory_space<hbm>>, %arg7: memref<2048x128xf32, #tpu.memory_space<hbm>>, %arg8: memref<10240x16xf32, #tpu.memory_space<hbm>>, %arg9: memref<2x2048x128xf32, #tpu.memory_space<hbm>>, %arg10: memref<2x10240x16xf32, #tpu.memory_space<hbm>>, %arg11: memref<40x128xi32, #tpu.memory_space<vmem>>, %arg12: memref<40x128xi32, #tpu.memory_space<vmem>>, %arg13: memref<40x128xi32, #tpu.memory_space<vmem>>, %arg14: memref<4x128x128xf32, #tpu.memory_space<vmem>>, %arg15: memref<4x128x16xf32, #tpu.memory_space<vmem>>, %arg16: memref<!tpu.dma_semaphore, #tpu.memory_space<semaphore_mem>>, %arg17: memref<!tpu.dma_semaphore, #tpu.memory_space<semaphore_mem>>, %arg18: memref<!tpu.dma_semaphore, #tpu.memory_space<semaphore_mem>>, %arg19: memref<2048x128xf32, #tpu.memory_space<vmem_shared>>, %arg20: memref<10240x16xf32, #tpu.memory_space<vmem_shared>>) attributes {dimension_semantics = [#tpu.dimension_semantics<core_parallel>, #tpu.dimension_semantics<subcore_parallel>], iteration_bounds = array<i64: 2, 16>, scalar_prefetch = 0 : i64, scratch_operands = 10 : i64, tpu.core_type = #tpu.core_type<sc_vector_subcore>, window_params = [{transform_indices = #map}, {transform_indices = #map}, {transform_indices = #map}, {transform_indices = #map}, {transform_indices = #map}, {transform_indices = #map}, {transform_indices = #map}, {transform_indices = #map1}, {transform_indices = #map1}]} {
    %mul3A = arith.constant 16 : i32
    %mul3A_0 = arith.muli %arg0, %mul3A : i32
    %add3A = arith.addi %mul3A_0, %arg1 : i32
    %mul3A_1 = arith.constant 40 : i32
    %mul3A_2 = arith.muli %add3A, %mul3A_1 : i32
    %mul3A_3 = arith.constant 128 : i32
    %mul3A_4 = arith.muli %arg1, %mul3A_3 : i32
    "tpu.region"() ({
      %run_scoped3A = tpu.sem_alloc : memref<!tpu.dma_semaphore, #tpu.memory_space<semaphore_mem>>
      %dma_start3A = arith.constant 0 : i32
      %dma_start3A_13 = tpu.memref_slice %arg19[%mul3A_4, %dma_start3A] : memref<2048x128xf32, #tpu.memory_space<vmem_shared>> -> memref<128x128xf32, #tpu.memory_space<vmem_shared>>
      %dma_start3A_14 = arith.constant 0 : i32
      %dma_start3A_15 = tpu.memref_slice %arg7[%mul3A_4, %dma_start3A_14] : memref<2048x128xf32, #tpu.memory_space<hbm>> -> memref<128x128xf32, #tpu.memory_space<hbm>>
      tpu.enqueue_dma source(%dma_start3A_15 : memref<128x128xf32, #tpu.memory_space<hbm>>) target(%dma_start3A_13 : memref<128x128xf32, #tpu.memory_space<vmem_shared>>) target_semaphore(%run_scoped3A : memref<!tpu.dma_semaphore, #tpu.memory_space<semaphore_mem>>)
      %dma_wait3A = arith.constant 0 : i32
      %dma_wait3A_16 = tpu.memref_slice %arg19[%mul3A_4, %dma_wait3A] : memref<2048x128xf32, #tpu.memory_space<vmem_shared>> -> memref<128x128xf32, #tpu.memory_space<vmem_shared>>
      %dma_wait3A_17 = arith.constant 0 : i32
      %dma_wait3A_18 = tpu.memref_slice %arg7[%mul3A_4, %dma_wait3A_17] : memref<2048x128xf32, #tpu.memory_space<hbm>> -> memref<128x128xf32, #tpu.memory_space<hbm>>
      tpu.wait_dma2 semaphore(%run_scoped3A : memref<!tpu.dma_semaphore, #tpu.memory_space<semaphore_mem>>) src(%dma_wait3A_18 : memref<128x128xf32, #tpu.memory_space<hbm>>) dst(%dma_wait3A_16 : memref<128x128xf32, #tpu.memory_space<vmem_shared>>)
      tpu.yield
    }) : () -> ()
    %mul3A_5 = arith.constant 640 : i32
    %mul3A_6 = arith.muli %arg1, %mul3A_5 : i32
    "tpu.region"() ({
      %run_scoped3A = tpu.sem_alloc : memref<!tpu.dma_semaphore, #tpu.memory_space<semaphore_mem>>
      %dma_start3A = arith.constant 0 : i32
      %dma_start3A_13 = tpu.memref_slice %arg20[%mul3A_6, %dma_start3A] : memref<10240x16xf32, #tpu.memory_space<vmem_shared>> -> memref<640x16xf32, #tpu.memory_space<vmem_shared>>
      %dma_start3A_14 = arith.constant 0 : i32
      %dma_start3A_15 = tpu.memref_slice %arg8[%mul3A_6, %dma_start3A_14] : memref<10240x16xf32, #tpu.memory_space<hbm>> -> memref<640x16xf32, #tpu.memory_space<hbm>>
      tpu.enqueue_dma source(%dma_start3A_15 : memref<640x16xf32, #tpu.memory_space<hbm>>) target(%dma_start3A_13 : memref<640x16xf32, #tpu.memory_space<vmem_shared>>) target_semaphore(%run_scoped3A : memref<!tpu.dma_semaphore, #tpu.memory_space<semaphore_mem>>)
      %dma_wait3A = arith.constant 0 : i32
      %dma_wait3A_16 = tpu.memref_slice %arg20[%mul3A_6, %dma_wait3A] : memref<10240x16xf32, #tpu.memory_space<vmem_shared>> -> memref<640x16xf32, #tpu.memory_space<vmem_shared>>
      %dma_wait3A_17 = arith.constant 0 : i32
      %dma_wait3A_18 = tpu.memref_slice %arg8[%mul3A_6, %dma_wait3A_17] : memref<10240x16xf32, #tpu.memory_space<hbm>> -> memref<640x16xf32, #tpu.memory_space<hbm>>
      tpu.wait_dma2 semaphore(%run_scoped3A : memref<!tpu.dma_semaphore, #tpu.memory_space<semaphore_mem>>) src(%dma_wait3A_18 : memref<640x16xf32, #tpu.memory_space<hbm>>) dst(%dma_wait3A_16 : memref<640x16xf32, #tpu.memory_space<vmem_shared>>)
      tpu.yield
    }) : () -> ()
    "tpu.region"() ({
      %run_scoped3A = tpu.sem_alloc : memref<!tpu.dma_semaphore, #tpu.memory_space<semaphore_mem>>
      %dma_start3A = arith.constant 0 : i32
      %dma_start3A_13 = tpu.memref_slice %arg4[%mul3A_2, %dma_start3A] : memref<1280x128xi32, #tpu.memory_space<hbm>> -> memref<40x128xi32, #tpu.memory_space<hbm>>
      %dma_start3A_14 = arith.constant 0 : i32
      %dma_start3A_15 = tpu.memref_slice %arg4[%mul3A_2, %dma_start3A_14] : memref<1280x128xi32, #tpu.memory_space<hbm>> -> memref<40x128xi32, #tpu.memory_space<hbm>>
      tpu.enqueue_dma source(%dma_start3A_15 : memref<40x128xi32, #tpu.memory_space<hbm>>) target(%arg11 : memref<40x128xi32, #tpu.memory_space<vmem>>) target_semaphore(%run_scoped3A : memref<!tpu.dma_semaphore, #tpu.memory_space<semaphore_mem>>)
      %dma_wait3A = arith.constant 0 : i32
      %dma_wait3A_16 = tpu.memref_slice %arg4[%mul3A_2, %dma_wait3A] : memref<1280x128xi32, #tpu.memory_space<hbm>> -> memref<40x128xi32, #tpu.memory_space<hbm>>
      %dma_wait3A_17 = arith.constant 0 : i32
      %dma_wait3A_18 = tpu.memref_slice %arg4[%mul3A_2, %dma_wait3A_17] : memref<1280x128xi32, #tpu.memory_space<hbm>> -> memref<40x128xi32, #tpu.memory_space<hbm>>
      tpu.wait_dma2 semaphore(%run_scoped3A : memref<!tpu.dma_semaphore, #tpu.memory_space<semaphore_mem>>) src(%dma_wait3A_18 : memref<40x128xi32, #tpu.memory_space<hbm>>) dst(%arg11 : memref<40x128xi32, #tpu.memory_space<vmem>>)
      tpu.yield
    }) : () -> ()
    "tpu.region"() ({
      %run_scoped3A = tpu.sem_alloc : memref<!tpu.dma_semaphore, #tpu.memory_space<semaphore_mem>>
      %dma_start3A = arith.constant 0 : i32
      %dma_start3A_13 = tpu.memref_slice %arg5[%mul3A_2, %dma_start3A] : memref<1280x128xi32, #tpu.memory_space<hbm>> -> memref<40x128xi32, #tpu.memory_space<hbm>>
      %dma_start3A_14 = arith.constant 0 : i32
      %dma_start3A_15 = tpu.memref_slice %arg5[%mul3A_2, %dma_start3A_14] : memref<1280x128xi32, #tpu.memory_space<hbm>> -> memref<40x128xi32, #tpu.memory_space<hbm>>
      tpu.enqueue_dma source(%dma_start3A_15 : memref<40x128xi32, #tpu.memory_space<hbm>>) target(%arg12 : memref<40x128xi32, #tpu.memory_space<vmem>>) target_semaphore(%run_scoped3A : memref<!tpu.dma_semaphore, #tpu.memory_space<semaphore_mem>>)
      %dma_wait3A = arith.constant 0 : i32
      %dma_wait3A_16 = tpu.memref_slice %arg5[%mul3A_2, %dma_wait3A] : memref<1280x128xi32, #tpu.memory_space<hbm>> -> memref<40x128xi32, #tpu.memory_space<hbm>>
      %dma_wait3A_17 = arith.constant 0 : i32
      %dma_wait3A_18 = tpu.memref_slice %arg5[%mul3A_2, %dma_wait3A_17] : memref<1280x128xi32, #tpu.memory_space<hbm>> -> memref<40x128xi32, #tpu.memory_space<hbm>>
      tpu.wait_dma2 semaphore(%run_scoped3A : memref<!tpu.dma_semaphore, #tpu.memory_space<semaphore_mem>>) src(%dma_wait3A_18 : memref<40x128xi32, #tpu.memory_space<hbm>>) dst(%arg12 : memref<40x128xi32, #tpu.memory_space<vmem>>)
      tpu.yield
    }) : () -> ()
    "tpu.region"() ({
      %run_scoped3A = tpu.sem_alloc : memref<!tpu.dma_semaphore, #tpu.memory_space<semaphore_mem>>
      %dma_start3A = arith.constant 0 : i32
      %dma_start3A_13 = tpu.memref_slice %arg6[%mul3A_2, %dma_start3A] : memref<1280x128xi32, #tpu.memory_space<hbm>> -> memref<40x128xi32, #tpu.memory_space<hbm>>
      %dma_start3A_14 = arith.constant 0 : i32
      %dma_start3A_15 = tpu.memref_slice %arg6[%mul3A_2, %dma_start3A_14] : memref<1280x128xi32, #tpu.memory_space<hbm>> -> memref<40x128xi32, #tpu.memory_space<hbm>>
      tpu.enqueue_dma source(%dma_start3A_15 : memref<40x128xi32, #tpu.memory_space<hbm>>) target(%arg13 : memref<40x128xi32, #tpu.memory_space<vmem>>) target_semaphore(%run_scoped3A : memref<!tpu.dma_semaphore, #tpu.memory_space<semaphore_mem>>)
      %dma_wait3A = arith.constant 0 : i32
      %dma_wait3A_16 = tpu.memref_slice %arg6[%mul3A_2, %dma_wait3A] : memref<1280x128xi32, #tpu.memory_space<hbm>> -> memref<40x128xi32, #tpu.memory_space<hbm>>
      %dma_wait3A_17 = arith.constant 0 : i32
      %dma_wait3A_18 = tpu.memref_slice %arg6[%mul3A_2, %dma_wait3A_17] : memref<1280x128xi32, #tpu.memory_space<hbm>> -> memref<40x128xi32, #tpu.memory_space<hbm>>
      tpu.wait_dma2 semaphore(%run_scoped3A : memref<!tpu.dma_semaphore, #tpu.memory_space<semaphore_mem>>) src(%dma_wait3A_18 : memref<40x128xi32, #tpu.memory_space<hbm>>) dst(%arg13 : memref<40x128xi32, #tpu.memory_space<vmem>>)
      tpu.yield
    }) : () -> ()
    %barrier3A = arith.constant 0 : index
    tpu.barrier barrier_id(%barrier3A)
    %scan3A = arith.constant 0 : i32
    %scan3A_7 = arith.constant 0 : i32
    %scan3A_8 = arith.constant 10 : i32
    %scan3A_9 = arith.addi %scan3A_7, %scan3A_8 : i32
    %scan3A_10 = arith.constant 1 : i32
    scf.for %scan3A_13 = %scan3A_7 to %scan3A_9 step %scan3A_10  : i32 {
      %mul3A_14 = arith.constant 4 : i32
      %mul3A_15 = arith.muli %scan3A_13, %mul3A_14 : i32
      %add3A_16 = arith.constant 0 : i32
      %add3A_17 = arith.addi %mul3A_15, %add3A_16 : i32
      %dma_start3A = arith.constant 0 : i32
      %dma_start3A_18 = arith.constant 0 : i32
      %dma_start3A_19 = arith.constant 0 : i32
      %dma_start3A_20 = tpu.memref_slice %arg14[%dma_start3A, %dma_start3A_18, %dma_start3A_19] : memref<4x128x128xf32, #tpu.memory_space<vmem>> -> memref<1x128x128xf32, #tpu.memory_space<vmem>>
      %dma_start3A_21 = tpu.memref_squeeze %dma_start3A_20 : memref<1x128x128xf32, #tpu.memory_space<vmem>> -> memref<128x128xf32, #tpu.memory_space<vmem>>
      %dma_start3A_22 = arith.constant 0 : i32
      %dma_start3A_23 = tpu.memref_slice %arg11[%add3A_17, %dma_start3A_22] : memref<40x128xi32, #tpu.memory_space<vmem>> -> memref<1x128xi32, #tpu.memory_space<vmem>>
      %dma_start3A_24 = tpu.memref_squeeze %dma_start3A_23 : memref<1x128xi32, #tpu.memory_space<vmem>> -> memref<128xi32, #tpu.memory_space<vmem>>
      %dma_start3A_25 = arith.constant 0 : i32
      %dma_start3A_26 = arith.constant 0 : i32
      %dma_start3A_27 = tpu.memref_slice %arg2[%dma_start3A_25, %dma_start3A_26] : memref<10000x128xf32, #tpu.memory_space<hbm>> -> memref<10000x128xf32, #tpu.memory_space<hbm>>
      tpu.enqueue_indirect_dma source(%dma_start3A_27 : memref<10000x128xf32, #tpu.memory_space<hbm>>) target(%dma_start3A_21 : memref<128x128xf32, #tpu.memory_space<vmem>>) offsets(%dma_start3A_24 : memref<128xi32, #tpu.memory_space<vmem>>) semaphore(%arg16 : memref<!tpu.dma_semaphore, #tpu.memory_space<semaphore_mem>>)
      %add3A_28 = arith.addi %mul3A_2, %mul3A_15 : i32
      %add3A_29 = arith.constant 0 : i32
      %add3A_30 = arith.addi %add3A_28, %add3A_29 : i32
      %mul3A_31 = arith.constant 128 : i32
      %mul3A_32 = arith.muli %add3A_30, %mul3A_31 : i32
      %dma_start3A_33 = arith.constant 0 : i32
      %dma_start3A_34 = arith.constant 0 : i32
      %dma_start3A_35 = arith.constant 0 : i32
      %dma_start3A_36 = tpu.memref_slice %arg15[%dma_start3A_33, %dma_start3A_34, %dma_start3A_35] : memref<4x128x16xf32, #tpu.memory_space<vmem>> -> memref<1x128x16xf32, #tpu.memory_space<vmem>>
      %dma_start3A_37 = tpu.memref_squeeze %dma_start3A_36 : memref<1x128x16xf32, #tpu.memory_space<vmem>> -> memref<128x16xf32, #tpu.memory_space<vmem>>
      %dma_start3A_38 = arith.constant 0 : i32
      %dma_start3A_39 = tpu.memref_slice %arg3[%mul3A_32, %dma_start3A_38] : memref<163840x16xf32, #tpu.memory_space<hbm>> -> memref<128x16xf32, #tpu.memory_space<hbm>>
      %dma_start3A_40 = arith.constant 0 : i32
      %dma_start3A_41 = arith.constant 0 : i32
      %dma_start3A_42 = tpu.memref_slice %arg15[%dma_start3A_33, %dma_start3A_40, %dma_start3A_41] : memref<4x128x16xf32, #tpu.memory_space<vmem>> -> memref<1x128x16xf32, #tpu.memory_space<vmem>>
      %dma_start3A_43 = tpu.memref_squeeze %dma_start3A_42 : memref<1x128x16xf32, #tpu.memory_space<vmem>> -> memref<128x16xf32, #tpu.memory_space<vmem>>
      %dma_start3A_44 = arith.constant 0 : i32
      %dma_start3A_45 = tpu.memref_slice %arg3[%mul3A_32, %dma_start3A_44] : memref<163840x16xf32, #tpu.memory_space<hbm>> -> memref<128x16xf32, #tpu.memory_space<hbm>>
      tpu.enqueue_dma source(%dma_start3A_45 : memref<128x16xf32, #tpu.memory_space<hbm>>) target(%dma_start3A_43 : memref<128x16xf32, #tpu.memory_space<vmem>>) target_semaphore(%arg17 : memref<!tpu.dma_semaphore, #tpu.memory_space<semaphore_mem>>)
      %add3A_46 = arith.constant 1 : i32
      %add3A_47 = arith.addi %mul3A_15, %add3A_46 : i32
      %dma_start3A_48 = arith.constant 1 : i32
      %dma_start3A_49 = arith.constant 0 : i32
      %dma_start3A_50 = arith.constant 0 : i32
      %dma_start3A_51 = tpu.memref_slice %arg14[%dma_start3A_48, %dma_start3A_49, %dma_start3A_50] : memref<4x128x128xf32, #tpu.memory_space<vmem>> -> memref<1x128x128xf32, #tpu.memory_space<vmem>>
      %dma_start3A_52 = tpu.memref_squeeze %dma_start3A_51 : memref<1x128x128xf32, #tpu.memory_space<vmem>> -> memref<128x128xf32, #tpu.memory_space<vmem>>
      %dma_start3A_53 = arith.constant 0 : i32
      %dma_start3A_54 = tpu.memref_slice %arg11[%add3A_47, %dma_start3A_53] : memref<40x128xi32, #tpu.memory_space<vmem>> -> memref<1x128xi32, #tpu.memory_space<vmem>>
      %dma_start3A_55 = tpu.memref_squeeze %dma_start3A_54 : memref<1x128xi32, #tpu.memory_space<vmem>> -> memref<128xi32, #tpu.memory_space<vmem>>
      %dma_start3A_56 = arith.constant 0 : i32
      %dma_start3A_57 = arith.constant 0 : i32
      %dma_start3A_58 = tpu.memref_slice %arg2[%dma_start3A_56, %dma_start3A_57] : memref<10000x128xf32, #tpu.memory_space<hbm>> -> memref<10000x128xf32, #tpu.memory_space<hbm>>
      tpu.enqueue_indirect_dma source(%dma_start3A_58 : memref<10000x128xf32, #tpu.memory_space<hbm>>) target(%dma_start3A_52 : memref<128x128xf32, #tpu.memory_space<vmem>>) offsets(%dma_start3A_55 : memref<128xi32, #tpu.memory_space<vmem>>) semaphore(%arg16 : memref<!tpu.dma_semaphore, #tpu.memory_space<semaphore_mem>>)
      %add3A_59 = arith.addi %mul3A_2, %mul3A_15 : i32
      %add3A_60 = arith.constant 1 : i32
      %add3A_61 = arith.addi %add3A_59, %add3A_60 : i32
      %mul3A_62 = arith.constant 128 : i32
      %mul3A_63 = arith.muli %add3A_61, %mul3A_62 : i32
      %dma_start3A_64 = arith.constant 1 : i32
      %dma_start3A_65 = arith.constant 0 : i32
      %dma_start3A_66 = arith.constant 0 : i32
      %dma_start3A_67 = tpu.memref_slice %arg15[%dma_start3A_64, %dma_start3A_65, %dma_start3A_66] : memref<4x128x16xf32, #tpu.memory_space<vmem>> -> memref<1x128x16xf32, #tpu.memory_space<vmem>>
      %dma_start3A_68 = tpu.memref_squeeze %dma_start3A_67 : memref<1x128x16xf32, #tpu.memory_space<vmem>> -> memref<128x16xf32, #tpu.memory_space<vmem>>
      %dma_start3A_69 = arith.constant 0 : i32
      %dma_start3A_70 = tpu.memref_slice %arg3[%mul3A_63, %dma_start3A_69] : memref<163840x16xf32, #tpu.memory_space<hbm>> -> memref<128x16xf32, #tpu.memory_space<hbm>>
      %dma_start3A_71 = arith.constant 0 : i32
      %dma_start3A_72 = arith.constant 0 : i32
      %dma_start3A_73 = tpu.memref_slice %arg15[%dma_start3A_64, %dma_start3A_71, %dma_start3A_72] : memref<4x128x16xf32, #tpu.memory_space<vmem>> -> memref<1x128x16xf32, #tpu.memory_space<vmem>>
      %dma_start3A_74 = tpu.memref_squeeze %dma_start3A_73 : memref<1x128x16xf32, #tpu.memory_space<vmem>> -> memref<128x16xf32, #tpu.memory_space<vmem>>
      %dma_start3A_75 = arith.constant 0 : i32
      %dma_start3A_76 = tpu.memref_slice %arg3[%mul3A_63, %dma_start3A_75] : memref<163840x16xf32, #tpu.memory_space<hbm>> -> memref<128x16xf32, #tpu.memory_space<hbm>>
      tpu.enqueue_dma source(%dma_start3A_76 : memref<128x16xf32, #tpu.memory_space<hbm>>) target(%dma_start3A_74 : memref<128x16xf32, #tpu.memory_space<vmem>>) target_semaphore(%arg17 : memref<!tpu.dma_semaphore, #tpu.memory_space<semaphore_mem>>)
      %add3A_77 = arith.constant 2 : i32
      %add3A_78 = arith.addi %mul3A_15, %add3A_77 : i32
      %dma_start3A_79 = arith.constant 2 : i32
      %dma_start3A_80 = arith.constant 0 : i32
      %dma_start3A_81 = arith.constant 0 : i32
      %dma_start3A_82 = tpu.memref_slice %arg14[%dma_start3A_79, %dma_start3A_80, %dma_start3A_81] : memref<4x128x128xf32, #tpu.memory_space<vmem>> -> memref<1x128x128xf32, #tpu.memory_space<vmem>>
      %dma_start3A_83 = tpu.memref_squeeze %dma_start3A_82 : memref<1x128x128xf32, #tpu.memory_space<vmem>> -> memref<128x128xf32, #tpu.memory_space<vmem>>
      %dma_start3A_84 = arith.constant 0 : i32
      %dma_start3A_85 = tpu.memref_slice %arg11[%add3A_78, %dma_start3A_84] : memref<40x128xi32, #tpu.memory_space<vmem>> -> memref<1x128xi32, #tpu.memory_space<vmem>>
      %dma_start3A_86 = tpu.memref_squeeze %dma_start3A_85 : memref<1x128xi32, #tpu.memory_space<vmem>> -> memref<128xi32, #tpu.memory_space<vmem>>
      %dma_start3A_87 = arith.constant 0 : i32
      %dma_start3A_88 = arith.constant 0 : i32
      %dma_start3A_89 = tpu.memref_slice %arg2[%dma_start3A_87, %dma_start3A_88] : memref<10000x128xf32, #tpu.memory_space<hbm>> -> memref<10000x128xf32, #tpu.memory_space<hbm>>
      tpu.enqueue_indirect_dma source(%dma_start3A_89 : memref<10000x128xf32, #tpu.memory_space<hbm>>) target(%dma_start3A_83 : memref<128x128xf32, #tpu.memory_space<vmem>>) offsets(%dma_start3A_86 : memref<128xi32, #tpu.memory_space<vmem>>) semaphore(%arg16 : memref<!tpu.dma_semaphore, #tpu.memory_space<semaphore_mem>>)
      %add3A_90 = arith.addi %mul3A_2, %mul3A_15 : i32
      %add3A_91 = arith.constant 2 : i32
      %add3A_92 = arith.addi %add3A_90, %add3A_91 : i32
      %mul3A_93 = arith.constant 128 : i32
      %mul3A_94 = arith.muli %add3A_92, %mul3A_93 : i32
      %dma_start3A_95 = arith.constant 2 : i32
      %dma_start3A_96 = arith.constant 0 : i32
      %dma_start3A_97 = arith.constant 0 : i32
      %dma_start3A_98 = tpu.memref_slice %arg15[%dma_start3A_95, %dma_start3A_96, %dma_start3A_97] : memref<4x128x16xf32, #tpu.memory_space<vmem>> -> memref<1x128x16xf32, #tpu.memory_space<vmem>>
      %dma_start3A_99 = tpu.memref_squeeze %dma_start3A_98 : memref<1x128x16xf32, #tpu.memory_space<vmem>> -> memref<128x16xf32, #tpu.memory_space<vmem>>
      %dma_start3A_100 = arith.constant 0 : i32
      %dma_start3A_101 = tpu.memref_slice %arg3[%mul3A_94, %dma_start3A_100] : memref<163840x16xf32, #tpu.memory_space<hbm>> -> memref<128x16xf32, #tpu.memory_space<hbm>>
      %dma_start3A_102 = arith.constant 0 : i32
      %dma_start3A_103 = arith.constant 0 : i32
      %dma_start3A_104 = tpu.memref_slice %arg15[%dma_start3A_95, %dma_start3A_102, %dma_start3A_103] : memref<4x128x16xf32, #tpu.memory_space<vmem>> -> memref<1x128x16xf32, #tpu.memory_space<vmem>>
      %dma_start3A_105 = tpu.memref_squeeze %dma_start3A_104 : memref<1x128x16xf32, #tpu.memory_space<vmem>> -> memref<128x16xf32, #tpu.memory_space<vmem>>
      %dma_start3A_106 = arith.constant 0 : i32
      %dma_start3A_107 = tpu.memref_slice %arg3[%mul3A_94, %dma_start3A_106] : memref<163840x16xf32, #tpu.memory_space<hbm>> -> memref<128x16xf32, #tpu.memory_space<hbm>>
      tpu.enqueue_dma source(%dma_start3A_107 : memref<128x16xf32, #tpu.memory_space<hbm>>) target(%dma_start3A_105 : memref<128x16xf32, #tpu.memory_space<vmem>>) target_semaphore(%arg17 : memref<!tpu.dma_semaphore, #tpu.memory_space<semaphore_mem>>)
      %add3A_108 = arith.constant 3 : i32
      %add3A_109 = arith.addi %mul3A_15, %add3A_108 : i32
      %dma_start3A_110 = arith.constant 3 : i32
      %dma_start3A_111 = arith.constant 0 : i32
      %dma_start3A_112 = arith.constant 0 : i32
      %dma_start3A_113 = tpu.memref_slice %arg14[%dma_start3A_110, %dma_start3A_111, %dma_start3A_112] : memref<4x128x128xf32, #tpu.memory_space<vmem>> -> memref<1x128x128xf32, #tpu.memory_space<vmem>>
      %dma_start3A_114 = tpu.memref_squeeze %dma_start3A_113 : memref<1x128x128xf32, #tpu.memory_space<vmem>> -> memref<128x128xf32, #tpu.memory_space<vmem>>
      %dma_start3A_115 = arith.constant 0 : i32
      %dma_start3A_116 = tpu.memref_slice %arg11[%add3A_109, %dma_start3A_115] : memref<40x128xi32, #tpu.memory_space<vmem>> -> memref<1x128xi32, #tpu.memory_space<vmem>>
      %dma_start3A_117 = tpu.memref_squeeze %dma_start3A_116 : memref<1x128xi32, #tpu.memory_space<vmem>> -> memref<128xi32, #tpu.memory_space<vmem>>
      %dma_start3A_118 = arith.constant 0 : i32
      %dma_start3A_119 = arith.constant 0 : i32
      %dma_start3A_120 = tpu.memref_slice %arg2[%dma_start3A_118, %dma_start3A_119] : memref<10000x128xf32, #tpu.memory_space<hbm>> -> memref<10000x128xf32, #tpu.memory_space<hbm>>
      tpu.enqueue_indirect_dma source(%dma_start3A_120 : memref<10000x128xf32, #tpu.memory_space<hbm>>) target(%dma_start3A_114 : memref<128x128xf32, #tpu.memory_space<vmem>>) offsets(%dma_start3A_117 : memref<128xi32, #tpu.memory_space<vmem>>) semaphore(%arg16 : memref<!tpu.dma_semaphore, #tpu.memory_space<semaphore_mem>>)
      %add3A_121 = arith.addi %mul3A_2, %mul3A_15 : i32
      %add3A_122 = arith.constant 3 : i32
      %add3A_123 = arith.addi %add3A_121, %add3A_122 : i32
      %mul3A_124 = arith.constant 128 : i32
      %mul3A_125 = arith.muli %add3A_123, %mul3A_124 : i32
      %dma_start3A_126 = arith.constant 3 : i32
      %dma_start3A_127 = arith.constant 0 : i32
      %dma_start3A_128 = arith.constant 0 : i32
      %dma_start3A_129 = tpu.memref_slice %arg15[%dma_start3A_126, %dma_start3A_127, %dma_start3A_128] : memref<4x128x16xf32, #tpu.memory_space<vmem>> -> memref<1x128x16xf32, #tpu.memory_space<vmem>>
      %dma_start3A_130 = tpu.memref_squeeze %dma_start3A_129 : memref<1x128x16xf32, #tpu.memory_space<vmem>> -> memref<128x16xf32, #tpu.memory_space<vmem>>
      %dma_start3A_131 = arith.constant 0 : i32
      %dma_start3A_132 = tpu.memref_slice %arg3[%mul3A_125, %dma_start3A_131] : memref<163840x16xf32, #tpu.memory_space<hbm>> -> memref<128x16xf32, #tpu.memory_space<hbm>>
      %dma_start3A_133 = arith.constant 0 : i32
      %dma_start3A_134 = arith.constant 0 : i32
      %dma_start3A_135 = tpu.memref_slice %arg15[%dma_start3A_126, %dma_start3A_133, %dma_start3A_134] : memref<4x128x16xf32, #tpu.memory_space<vmem>> -> memref<1x128x16xf32, #tpu.memory_space<vmem>>
      %dma_start3A_136 = tpu.memref_squeeze %dma_start3A_135 : memref<1x128x16xf32, #tpu.memory_space<vmem>> -> memref<128x16xf32, #tpu.memory_space<vmem>>
      %dma_start3A_137 = arith.constant 0 : i32
      %dma_start3A_138 = tpu.memref_slice %arg3[%mul3A_125, %dma_start3A_137] : memref<163840x16xf32, #tpu.memory_space<hbm>> -> memref<128x16xf32, #tpu.memory_space<hbm>>
      tpu.enqueue_dma source(%dma_start3A_138 : memref<128x16xf32, #tpu.memory_space<hbm>>) target(%dma_start3A_136 : memref<128x16xf32, #tpu.memory_space<vmem>>) target_semaphore(%arg17 : memref<!tpu.dma_semaphore, #tpu.memory_space<semaphore_mem>>)
      %add3A_139 = arith.constant 0 : i32
      %add3A_140 = arith.addi %mul3A_15, %add3A_139 : i32
      %dma_wait3A = arith.constant 0 : i32
      %dma_wait3A_141 = arith.constant 0 : i32
      %dma_wait3A_142 = arith.constant 0 : i32
      %dma_wait3A_143 = tpu.memref_slice %arg14[%dma_wait3A, %dma_wait3A_141, %dma_wait3A_142] : memref<4x128x128xf32, #tpu.memory_space<vmem>> -> memref<1x128x128xf32, #tpu.memory_space<vmem>>
      %dma_wait3A_144 = tpu.memref_squeeze %dma_wait3A_143 : memref<1x128x128xf32, #tpu.memory_space<vmem>> -> memref<128x128xf32, #tpu.memory_space<vmem>>
      %dma_wait3A_145 = arith.constant 0 : i32
      %dma_wait3A_146 = tpu.memref_slice %arg11[%add3A_140, %dma_wait3A_145] : memref<40x128xi32, #tpu.memory_space<vmem>> -> memref<1x128xi32, #tpu.memory_space<vmem>>
      %dma_wait3A_147 = tpu.memref_squeeze %dma_wait3A_146 : memref<1x128xi32, #tpu.memory_space<vmem>> -> memref<128xi32, #tpu.memory_space<vmem>>
      %dma_wait3A_148 = arith.constant 0 : i32
      %dma_wait3A_149 = arith.constant 0 : i32
      %dma_wait3A_150 = tpu.memref_slice %arg2[%dma_wait3A_148, %dma_wait3A_149] : memref<10000x128xf32, #tpu.memory_space<hbm>> -> memref<10000x128xf32, #tpu.memory_space<hbm>>
      tpu.wait_indirect_dma semaphore(%arg16 : memref<!tpu.dma_semaphore, #tpu.memory_space<semaphore_mem>>) src(%dma_wait3A_150 : memref<10000x128xf32, #tpu.memory_space<hbm>>) dst(%dma_wait3A_144 : memref<128x128xf32, #tpu.memory_space<vmem>>)
      %add3A_151 = arith.constant 0 : i32
      %add3A_152 = arith.addi %mul3A_15, %add3A_151 : i32
      %dma_start3A_153 = arith.constant 0 : i32
      %dma_start3A_154 = arith.constant 0 : i32
      %dma_start3A_155 = arith.constant 0 : i32
      %dma_start3A_156 = tpu.memref_slice %arg14[%dma_start3A_153, %dma_start3A_154, %dma_start3A_155] : memref<4x128x128xf32, #tpu.memory_space<vmem>> -> memref<1x128x128xf32, #tpu.memory_space<vmem>>
      %dma_start3A_157 = tpu.memref_squeeze %dma_start3A_156 : memref<1x128x128xf32, #tpu.memory_space<vmem>> -> memref<128x128xf32, #tpu.memory_space<vmem>>
      %dma_start3A_158 = arith.constant 0 : i32
      %dma_start3A_159 = tpu.memref_slice %arg12[%add3A_152, %dma_start3A_158] : memref<40x128xi32, #tpu.memory_space<vmem>> -> memref<1x128xi32, #tpu.memory_space<vmem>>
      %dma_start3A_160 = tpu.memref_squeeze %dma_start3A_159 : memref<1x128xi32, #tpu.memory_space<vmem>> -> memref<128xi32, #tpu.memory_space<vmem>>
      %dma_start3A_161 = arith.constant 0 : i32
      %dma_start3A_162 = arith.constant 0 : i32
      %dma_start3A_163 = tpu.memref_slice %arg19[%dma_start3A_161, %dma_start3A_162] : memref<2048x128xf32, #tpu.memory_space<vmem_shared>> -> memref<2048x128xf32, #tpu.memory_space<vmem_shared>>
      tpu.enqueue_indirect_dma source(%dma_start3A_157 : memref<128x128xf32, #tpu.memory_space<vmem>>) target(%dma_start3A_163 : memref<2048x128xf32, #tpu.memory_space<vmem_shared>>) offsets(%dma_start3A_160 : memref<128xi32, #tpu.memory_space<vmem>>) semaphore(%arg18 : memref<!tpu.dma_semaphore, #tpu.memory_space<semaphore_mem>>) {add = true}
      %add3A_164 = arith.constant 1 : i32
      %add3A_165 = arith.addi %mul3A_15, %add3A_164 : i32
      %dma_wait3A_166 = arith.constant 1 : i32
      %dma_wait3A_167 = arith.constant 0 : i32
      %dma_wait3A_168 = arith.constant 0 : i32
      %dma_wait3A_169 = tpu.memref_slice %arg14[%dma_wait3A_166, %dma_wait3A_167, %dma_wait3A_168] : memref<4x128x128xf32, #tpu.memory_space<vmem>> -> memref<1x128x128xf32, #tpu.memory_space<vmem>>
      %dma_wait3A_170 = tpu.memref_squeeze %dma_wait3A_169 : memref<1x128x128xf32, #tpu.memory_space<vmem>> -> memref<128x128xf32, #tpu.memory_space<vmem>>
      %dma_wait3A_171 = arith.constant 0 : i32
      %dma_wait3A_172 = tpu.memref_slice %arg11[%add3A_165, %dma_wait3A_171] : memref<40x128xi32, #tpu.memory_space<vmem>> -> memref<1x128xi32, #tpu.memory_space<vmem>>
      %dma_wait3A_173 = tpu.memref_squeeze %dma_wait3A_172 : memref<1x128xi32, #tpu.memory_space<vmem>> -> memref<128xi32, #tpu.memory_space<vmem>>
      %dma_wait3A_174 = arith.constant 0 : i32
      %dma_wait3A_175 = arith.constant 0 : i32
      %dma_wait3A_176 = tpu.memref_slice %arg2[%dma_wait3A_174, %dma_wait3A_175] : memref<10000x128xf32, #tpu.memory_space<hbm>> -> memref<10000x128xf32, #tpu.memory_space<hbm>>
      tpu.wait_indirect_dma semaphore(%arg16 : memref<!tpu.dma_semaphore, #tpu.memory_space<semaphore_mem>>) src(%dma_wait3A_176 : memref<10000x128xf32, #tpu.memory_space<hbm>>) dst(%dma_wait3A_170 : memref<128x128xf32, #tpu.memory_space<vmem>>)
      %add3A_177 = arith.constant 1 : i32
      %add3A_178 = arith.addi %mul3A_15, %add3A_177 : i32
      %dma_start3A_179 = arith.constant 1 : i32
      %dma_start3A_180 = arith.constant 0 : i32
      %dma_start3A_181 = arith.constant 0 : i32
      %dma_start3A_182 = tpu.memref_slice %arg14[%dma_start3A_179, %dma_start3A_180, %dma_start3A_181] : memref<4x128x128xf32, #tpu.memory_space<vmem>> -> memref<1x128x128xf32, #tpu.memory_space<vmem>>
      %dma_start3A_183 = tpu.memref_squeeze %dma_start3A_182 : memref<1x128x128xf32, #tpu.memory_space<vmem>> -> memref<128x128xf32, #tpu.memory_space<vmem>>
      %dma_start3A_184 = arith.constant 0 : i32
      %dma_start3A_185 = tpu.memref_slice %arg12[%add3A_178, %dma_start3A_184] : memref<40x128xi32, #tpu.memory_space<vmem>> -> memref<1x128xi32, #tpu.memory_space<vmem>>
      %dma_start3A_186 = tpu.memref_squeeze %dma_start3A_185 : memref<1x128xi32, #tpu.memory_space<vmem>> -> memref<128xi32, #tpu.memory_space<vmem>>
      %dma_start3A_187 = arith.constant 0 : i32
      %dma_start3A_188 = arith.constant 0 : i32
      %dma_start3A_189 = tpu.memref_slice %arg19[%dma_start3A_187, %dma_start3A_188] : memref<2048x128xf32, #tpu.memory_space<vmem_shared>> -> memref<2048x128xf32, #tpu.memory_space<vmem_shared>>
      tpu.enqueue_indirect_dma source(%dma_start3A_183 : memref<128x128xf32, #tpu.memory_space<vmem>>) target(%dma_start3A_189 : memref<2048x128xf32, #tpu.memory_space<vmem_shared>>) offsets(%dma_start3A_186 : memref<128xi32, #tpu.memory_space<vmem>>) semaphore(%arg18 : memref<!tpu.dma_semaphore, #tpu.memory_space<semaphore_mem>>) {add = true}
      %add3A_190 = arith.constant 2 : i32
      %add3A_191 = arith.addi %mul3A_15, %add3A_190 : i32
      %dma_wait3A_192 = arith.constant 2 : i32
      %dma_wait3A_193 = arith.constant 0 : i32
      %dma_wait3A_194 = arith.constant 0 : i32
      %dma_wait3A_195 = tpu.memref_slice %arg14[%dma_wait3A_192, %dma_wait3A_193, %dma_wait3A_194] : memref<4x128x128xf32, #tpu.memory_space<vmem>> -> memref<1x128x128xf32, #tpu.memory_space<vmem>>
      %dma_wait3A_196 = tpu.memref_squeeze %dma_wait3A_195 : memref<1x128x128xf32, #tpu.memory_space<vmem>> -> memref<128x128xf32, #tpu.memory_space<vmem>>
      %dma_wait3A_197 = arith.constant 0 : i32
      %dma_wait3A_198 = tpu.memref_slice %arg11[%add3A_191, %dma_wait3A_197] : memref<40x128xi32, #tpu.memory_space<vmem>> -> memref<1x128xi32, #tpu.memory_space<vmem>>
      %dma_wait3A_199 = tpu.memref_squeeze %dma_wait3A_198 : memref<1x128xi32, #tpu.memory_space<vmem>> -> memref<128xi32, #tpu.memory_space<vmem>>
      %dma_wait3A_200 = arith.constant 0 : i32
      %dma_wait3A_201 = arith.constant 0 : i32
      %dma_wait3A_202 = tpu.memref_slice %arg2[%dma_wait3A_200, %dma_wait3A_201] : memref<10000x128xf32, #tpu.memory_space<hbm>> -> memref<10000x128xf32, #tpu.memory_space<hbm>>
      tpu.wait_indirect_dma semaphore(%arg16 : memref<!tpu.dma_semaphore, #tpu.memory_space<semaphore_mem>>) src(%dma_wait3A_202 : memref<10000x128xf32, #tpu.memory_space<hbm>>) dst(%dma_wait3A_196 : memref<128x128xf32, #tpu.memory_space<vmem>>)
      %add3A_203 = arith.constant 2 : i32
      %add3A_204 = arith.addi %mul3A_15, %add3A_203 : i32
      %dma_start3A_205 = arith.constant 2 : i32
      %dma_start3A_206 = arith.constant 0 : i32
      %dma_start3A_207 = arith.constant 0 : i32
      %dma_start3A_208 = tpu.memref_slice %arg14[%dma_start3A_205, %dma_start3A_206, %dma_start3A_207] : memref<4x128x128xf32, #tpu.memory_space<vmem>> -> memref<1x128x128xf32, #tpu.memory_space<vmem>>
      %dma_start3A_209 = tpu.memref_squeeze %dma_start3A_208 : memref<1x128x128xf32, #tpu.memory_space<vmem>> -> memref<128x128xf32, #tpu.memory_space<vmem>>
      %dma_start3A_210 = arith.constant 0 : i32
      %dma_start3A_211 = tpu.memref_slice %arg12[%add3A_204, %dma_start3A_210] : memref<40x128xi32, #tpu.memory_space<vmem>> -> memref<1x128xi32, #tpu.memory_space<vmem>>
      %dma_start3A_212 = tpu.memref_squeeze %dma_start3A_211 : memref<1x128xi32, #tpu.memory_space<vmem>> -> memref<128xi32, #tpu.memory_space<vmem>>
      %dma_start3A_213 = arith.constant 0 : i32
      %dma_start3A_214 = arith.constant 0 : i32
      %dma_start3A_215 = tpu.memref_slice %arg19[%dma_start3A_213, %dma_start3A_214] : memref<2048x128xf32, #tpu.memory_space<vmem_shared>> -> memref<2048x128xf32, #tpu.memory_space<vmem_shared>>
      tpu.enqueue_indirect_dma source(%dma_start3A_209 : memref<128x128xf32, #tpu.memory_space<vmem>>) target(%dma_start3A_215 : memref<2048x128xf32, #tpu.memory_space<vmem_shared>>) offsets(%dma_start3A_212 : memref<128xi32, #tpu.memory_space<vmem>>) semaphore(%arg18 : memref<!tpu.dma_semaphore, #tpu.memory_space<semaphore_mem>>) {add = true}
      %add3A_216 = arith.constant 3 : i32
      %add3A_217 = arith.addi %mul3A_15, %add3A_216 : i32
      %dma_wait3A_218 = arith.constant 3 : i32
      %dma_wait3A_219 = arith.constant 0 : i32
      %dma_wait3A_220 = arith.constant 0 : i32
      %dma_wait3A_221 = tpu.memref_slice %arg14[%dma_wait3A_218, %dma_wait3A_219, %dma_wait3A_220] : memref<4x128x128xf32, #tpu.memory_space<vmem>> -> memref<1x128x128xf32, #tpu.memory_space<vmem>>
      %dma_wait3A_222 = tpu.memref_squeeze %dma_wait3A_221 : memref<1x128x128xf32, #tpu.memory_space<vmem>> -> memref<128x128xf32, #tpu.memory_space<vmem>>
      %dma_wait3A_223 = arith.constant 0 : i32
      %dma_wait3A_224 = tpu.memref_slice %arg11[%add3A_217, %dma_wait3A_223] : memref<40x128xi32, #tpu.memory_space<vmem>> -> memref<1x128xi32, #tpu.memory_space<vmem>>
      %dma_wait3A_225 = tpu.memref_squeeze %dma_wait3A_224 : memref<1x128xi32, #tpu.memory_space<vmem>> -> memref<128xi32, #tpu.memory_space<vmem>>
      %dma_wait3A_226 = arith.constant 0 : i32
      %dma_wait3A_227 = arith.constant 0 : i32
      %dma_wait3A_228 = tpu.memref_slice %arg2[%dma_wait3A_226, %dma_wait3A_227] : memref<10000x128xf32, #tpu.memory_space<hbm>> -> memref<10000x128xf32, #tpu.memory_space<hbm>>
      tpu.wait_indirect_dma semaphore(%arg16 : memref<!tpu.dma_semaphore, #tpu.memory_space<semaphore_mem>>) src(%dma_wait3A_228 : memref<10000x128xf32, #tpu.memory_space<hbm>>) dst(%dma_wait3A_222 : memref<128x128xf32, #tpu.memory_space<vmem>>)
      %add3A_229 = arith.constant 3 : i32
      %add3A_230 = arith.addi %mul3A_15, %add3A_229 : i32
      %dma_start3A_231 = arith.constant 3 : i32
      %dma_start3A_232 = arith.constant 0 : i32
      %dma_start3A_233 = arith.constant 0 : i32
      %dma_start3A_234 = tpu.memref_slice %arg14[%dma_start3A_231, %dma_start3A_232, %dma_start3A_233] : memref<4x128x128xf32, #tpu.memory_space<vmem>> -> memref<1x128x128xf32, #tpu.memory_space<vmem>>
      %dma_start3A_235 = tpu.memref_squeeze %dma_start3A_234 : memref<1x128x128xf32, #tpu.memory_space<vmem>> -> memref<128x128xf32, #tpu.memory_space<vmem>>
      %dma_start3A_236 = arith.constant 0 : i32
      %dma_start3A_237 = tpu.memref_slice %arg12[%add3A_230, %dma_start3A_236] : memref<40x128xi32, #tpu.memory_space<vmem>> -> memref<1x128xi32, #tpu.memory_space<vmem>>
      %dma_start3A_238 = tpu.memref_squeeze %dma_start3A_237 : memref<1x128xi32, #tpu.memory_space<vmem>> -> memref<128xi32, #tpu.memory_space<vmem>>
      %dma_start3A_239 = arith.constant 0 : i32
      %dma_start3A_240 = arith.constant 0 : i32
      %dma_start3A_241 = tpu.memref_slice %arg19[%dma_start3A_239, %dma_start3A_240] : memref<2048x128xf32, #tpu.memory_space<vmem_shared>> -> memref<2048x128xf32, #tpu.memory_space<vmem_shared>>
      tpu.enqueue_indirect_dma source(%dma_start3A_235 : memref<128x128xf32, #tpu.memory_space<vmem>>) target(%dma_start3A_241 : memref<2048x128xf32, #tpu.memory_space<vmem_shared>>) offsets(%dma_start3A_238 : memref<128xi32, #tpu.memory_space<vmem>>) semaphore(%arg18 : memref<!tpu.dma_semaphore, #tpu.memory_space<semaphore_mem>>) {add = true}
      %dma_wait3A_242 = arith.constant 0 : i32
      %dma_wait3A_243 = arith.constant 0 : i32
      %dma_wait3A_244 = arith.constant 0 : i32
      %dma_wait3A_245 = tpu.memref_slice %arg15[%dma_wait3A_242, %dma_wait3A_243, %dma_wait3A_244] : memref<4x128x16xf32, #tpu.memory_space<vmem>> -> memref<1x128x16xf32, #tpu.memory_space<vmem>>
      %dma_wait3A_246 = tpu.memref_squeeze %dma_wait3A_245 : memref<1x128x16xf32, #tpu.memory_space<vmem>> -> memref<128x16xf32, #tpu.memory_space<vmem>>
      %dma_wait3A_247 = arith.constant 0 : i32
      %dma_wait3A_248 = arith.constant 0 : i32
      %dma_wait3A_249 = tpu.memref_slice %arg3[%dma_wait3A_247, %dma_wait3A_248] : memref<163840x16xf32, #tpu.memory_space<hbm>> -> memref<128x16xf32, #tpu.memory_space<hbm>>
      %dma_wait3A_250 = arith.constant 0 : i32
      %dma_wait3A_251 = arith.constant 0 : i32
      %dma_wait3A_252 = tpu.memref_slice %arg15[%dma_wait3A_242, %dma_wait3A_250, %dma_wait3A_251] : memref<4x128x16xf32, #tpu.memory_space<vmem>> -> memref<1x128x16xf32, #tpu.memory_space<vmem>>
      %dma_wait3A_253 = tpu.memref_squeeze %dma_wait3A_252 : memref<1x128x16xf32, #tpu.memory_space<vmem>> -> memref<128x16xf32, #tpu.memory_space<vmem>>
      %dma_wait3A_254 = arith.constant 0 : i32
      %dma_wait3A_255 = arith.constant 0 : i32
      %dma_wait3A_256 = tpu.memref_slice %arg3[%dma_wait3A_254, %dma_wait3A_255] : memref<163840x16xf32, #tpu.memory_space<hbm>> -> memref<128x16xf32, #tpu.memory_space<hbm>>
      tpu.wait_dma2 semaphore(%arg17 : memref<!tpu.dma_semaphore, #tpu.memory_space<semaphore_mem>>) src(%dma_wait3A_256 : memref<128x16xf32, #tpu.memory_space<hbm>>) dst(%dma_wait3A_253 : memref<128x16xf32, #tpu.memory_space<vmem>>)
      %add3A_257 = arith.constant 0 : i32
      %add3A_258 = arith.addi %mul3A_15, %add3A_257 : i32
      %dma_start3A_259 = arith.constant 0 : i32
      %dma_start3A_260 = arith.constant 0 : i32
      %dma_start3A_261 = arith.constant 0 : i32
      %dma_start3A_262 = tpu.memref_slice %arg15[%dma_start3A_259, %dma_start3A_260, %dma_start3A_261] : memref<4x128x16xf32, #tpu.memory_space<vmem>> -> memref<1x128x16xf32, #tpu.memory_space<vmem>>
      %dma_start3A_263 = tpu.memref_squeeze %dma_start3A_262 : memref<1x128x16xf32, #tpu.memory_space<vmem>> -> memref<128x16xf32, #tpu.memory_space<vmem>>
      %dma_start3A_264 = arith.constant 0 : i32
      %dma_start3A_265 = tpu.memref_slice %arg13[%add3A_258, %dma_start3A_264] : memref<40x128xi32, #tpu.memory_space<vmem>> -> memref<1x128xi32, #tpu.memory_space<vmem>>
      %dma_start3A_266 = tpu.memref_squeeze %dma_start3A_265 : memref<1x128xi32, #tpu.memory_space<vmem>> -> memref<128xi32, #tpu.memory_space<vmem>>
      %dma_start3A_267 = arith.constant 0 : i32
      %dma_start3A_268 = arith.constant 0 : i32
      %dma_start3A_269 = tpu.memref_slice %arg20[%dma_start3A_267, %dma_start3A_268] : memref<10240x16xf32, #tpu.memory_space<vmem_shared>> -> memref<10240x16xf32, #tpu.memory_space<vmem_shared>>
      tpu.enqueue_indirect_dma source(%dma_start3A_263 : memref<128x16xf32, #tpu.memory_space<vmem>>) target(%dma_start3A_269 : memref<10240x16xf32, #tpu.memory_space<vmem_shared>>) offsets(%dma_start3A_266 : memref<128xi32, #tpu.memory_space<vmem>>) semaphore(%arg18 : memref<!tpu.dma_semaphore, #tpu.memory_space<semaphore_mem>>) {add = true}
      %dma_wait3A_270 = arith.constant 1 : i32
      %dma_wait3A_271 = arith.constant 0 : i32
      %dma_wait3A_272 = arith.constant 0 : i32
      %dma_wait3A_273 = tpu.memref_slice %arg15[%dma_wait3A_270, %dma_wait3A_271, %dma_wait3A_272] : memref<4x128x16xf32, #tpu.memory_space<vmem>> -> memref<1x128x16xf32, #tpu.memory_space<vmem>>
      %dma_wait3A_274 = tpu.memref_squeeze %dma_wait3A_273 : memref<1x128x16xf32, #tpu.memory_space<vmem>> -> memref<128x16xf32, #tpu.memory_space<vmem>>
      %dma_wait3A_275 = arith.constant 0 : i32
      %dma_wait3A_276 = arith.constant 0 : i32
      %dma_wait3A_277 = tpu.memref_slice %arg3[%dma_wait3A_275, %dma_wait3A_276] : memref<163840x16xf32, #tpu.memory_space<hbm>> -> memref<128x16xf32, #tpu.memory_space<hbm>>
      %dma_wait3A_278 = arith.constant 0 : i32
      %dma_wait3A_279 = arith.constant 0 : i32
      %dma_wait3A_280 = tpu.memref_slice %arg15[%dma_wait3A_270, %dma_wait3A_278, %dma_wait3A_279] : memref<4x128x16xf32, #tpu.memory_space<vmem>> -> memref<1x128x16xf32, #tpu.memory_space<vmem>>
      %dma_wait3A_281 = tpu.memref_squeeze %dma_wait3A_280 : memref<1x128x16xf32, #tpu.memory_space<vmem>> -> memref<128x16xf32, #tpu.memory_space<vmem>>
      %dma_wait3A_282 = arith.constant 0 : i32
      %dma_wait3A_283 = arith.constant 0 : i32
      %dma_wait3A_284 = tpu.memref_slice %arg3[%dma_wait3A_282, %dma_wait3A_283] : memref<163840x16xf32, #tpu.memory_space<hbm>> -> memref<128x16xf32, #tpu.memory_space<hbm>>
      tpu.wait_dma2 semaphore(%arg17 : memref<!tpu.dma_semaphore, #tpu.memory_space<semaphore_mem>>) src(%dma_wait3A_284 : memref<128x16xf32, #tpu.memory_space<hbm>>) dst(%dma_wait3A_281 : memref<128x16xf32, #tpu.memory_space<vmem>>)
      %add3A_285 = arith.constant 1 : i32
      %add3A_286 = arith.addi %mul3A_15, %add3A_285 : i32
      %dma_start3A_287 = arith.constant 1 : i32
      %dma_start3A_288 = arith.constant 0 : i32
      %dma_start3A_289 = arith.constant 0 : i32
      %dma_start3A_290 = tpu.memref_slice %arg15[%dma_start3A_287, %dma_start3A_288, %dma_start3A_289] : memref<4x128x16xf32, #tpu.memory_space<vmem>> -> memref<1x128x16xf32, #tpu.memory_space<vmem>>
      %dma_start3A_291 = tpu.memref_squeeze %dma_start3A_290 : memref<1x128x16xf32, #tpu.memory_space<vmem>> -> memref<128x16xf32, #tpu.memory_space<vmem>>
      %dma_start3A_292 = arith.constant 0 : i32
      %dma_start3A_293 = tpu.memref_slice %arg13[%add3A_286, %dma_start3A_292] : memref<40x128xi32, #tpu.memory_space<vmem>> -> memref<1x128xi32, #tpu.memory_space<vmem>>
      %dma_start3A_294 = tpu.memref_squeeze %dma_start3A_293 : memref<1x128xi32, #tpu.memory_space<vmem>> -> memref<128xi32, #tpu.memory_space<vmem>>
      %dma_start3A_295 = arith.constant 0 : i32
      %dma_start3A_296 = arith.constant 0 : i32
      %dma_start3A_297 = tpu.memref_slice %arg20[%dma_start3A_295, %dma_start3A_296] : memref<10240x16xf32, #tpu.memory_space<vmem_shared>> -> memref<10240x16xf32, #tpu.memory_space<vmem_shared>>
      tpu.enqueue_indirect_dma source(%dma_start3A_291 : memref<128x16xf32, #tpu.memory_space<vmem>>) target(%dma_start3A_297 : memref<10240x16xf32, #tpu.memory_space<vmem_shared>>) offsets(%dma_start3A_294 : memref<128xi32, #tpu.memory_space<vmem>>) semaphore(%arg18 : memref<!tpu.dma_semaphore, #tpu.memory_space<semaphore_mem>>) {add = true}
      %dma_wait3A_298 = arith.constant 2 : i32
      %dma_wait3A_299 = arith.constant 0 : i32
      %dma_wait3A_300 = arith.constant 0 : i32
      %dma_wait3A_301 = tpu.memref_slice %arg15[%dma_wait3A_298, %dma_wait3A_299, %dma_wait3A_300] : memref<4x128x16xf32, #tpu.memory_space<vmem>> -> memref<1x128x16xf32, #tpu.memory_space<vmem>>
      %dma_wait3A_302 = tpu.memref_squeeze %dma_wait3A_301 : memref<1x128x16xf32, #tpu.memory_space<vmem>> -> memref<128x16xf32, #tpu.memory_space<vmem>>
      %dma_wait3A_303 = arith.constant 0 : i32
      %dma_wait3A_304 = arith.constant 0 : i32
      %dma_wait3A_305 = tpu.memref_slice %arg3[%dma_wait3A_303, %dma_wait3A_304] : memref<163840x16xf32, #tpu.memory_space<hbm>> -> memref<128x16xf32, #tpu.memory_space<hbm>>
      %dma_wait3A_306 = arith.constant 0 : i32
      %dma_wait3A_307 = arith.constant 0 : i32
      %dma_wait3A_308 = tpu.memref_slice %arg15[%dma_wait3A_298, %dma_wait3A_306, %dma_wait3A_307] : memref<4x128x16xf32, #tpu.memory_space<vmem>> -> memref<1x128x16xf32, #tpu.memory_space<vmem>>
      %dma_wait3A_309 = tpu.memref_squeeze %dma_wait3A_308 : memref<1x128x16xf32, #tpu.memory_space<vmem>> -> memref<128x16xf32, #tpu.memory_space<vmem>>
      %dma_wait3A_310 = arith.constant 0 : i32
      %dma_wait3A_311 = arith.constant 0 : i32
      %dma_wait3A_312 = tpu.memref_slice %arg3[%dma_wait3A_310, %dma_wait3A_311] : memref<163840x16xf32, #tpu.memory_space<hbm>> -> memref<128x16xf32, #tpu.memory_space<hbm>>
      tpu.wait_dma2 semaphore(%arg17 : memref<!tpu.dma_semaphore, #tpu.memory_space<semaphore_mem>>) src(%dma_wait3A_312 : memref<128x16xf32, #tpu.memory_space<hbm>>) dst(%dma_wait3A_309 : memref<128x16xf32, #tpu.memory_space<vmem>>)
      %add3A_313 = arith.constant 2 : i32
      %add3A_314 = arith.addi %mul3A_15, %add3A_313 : i32
      %dma_start3A_315 = arith.constant 2 : i32
      %dma_start3A_316 = arith.constant 0 : i32
      %dma_start3A_317 = arith.constant 0 : i32
      %dma_start3A_318 = tpu.memref_slice %arg15[%dma_start3A_315, %dma_start3A_316, %dma_start3A_317] : memref<4x128x16xf32, #tpu.memory_space<vmem>> -> memref<1x128x16xf32, #tpu.memory_space<vmem>>
      %dma_start3A_319 = tpu.memref_squeeze %dma_start3A_318 : memref<1x128x16xf32, #tpu.memory_space<vmem>> -> memref<128x16xf32, #tpu.memory_space<vmem>>
      %dma_start3A_320 = arith.constant 0 : i32
      %dma_start3A_321 = tpu.memref_slice %arg13[%add3A_314, %dma_start3A_320] : memref<40x128xi32, #tpu.memory_space<vmem>> -> memref<1x128xi32, #tpu.memory_space<vmem>>
      %dma_start3A_322 = tpu.memref_squeeze %dma_start3A_321 : memref<1x128xi32, #tpu.memory_space<vmem>> -> memref<128xi32, #tpu.memory_space<vmem>>
      %dma_start3A_323 = arith.constant 0 : i32
      %dma_start3A_324 = arith.constant 0 : i32
      %dma_start3A_325 = tpu.memref_slice %arg20[%dma_start3A_323, %dma_start3A_324] : memref<10240x16xf32, #tpu.memory_space<vmem_shared>> -> memref<10240x16xf32, #tpu.memory_space<vmem_shared>>
      tpu.enqueue_indirect_dma source(%dma_start3A_319 : memref<128x16xf32, #tpu.memory_space<vmem>>) target(%dma_start3A_325 : memref<10240x16xf32, #tpu.memory_space<vmem_shared>>) offsets(%dma_start3A_322 : memref<128xi32, #tpu.memory_space<vmem>>) semaphore(%arg18 : memref<!tpu.dma_semaphore, #tpu.memory_space<semaphore_mem>>) {add = true}
      %dma_wait3A_326 = arith.constant 3 : i32
      %dma_wait3A_327 = arith.constant 0 : i32
      %dma_wait3A_328 = arith.constant 0 : i32
      %dma_wait3A_329 = tpu.memref_slice %arg15[%dma_wait3A_326, %dma_wait3A_327, %dma_wait3A_328] : memref<4x128x16xf32, #tpu.memory_space<vmem>> -> memref<1x128x16xf32, #tpu.memory_space<vmem>>
      %dma_wait3A_330 = tpu.memref_squeeze %dma_wait3A_329 : memref<1x128x16xf32, #tpu.memory_space<vmem>> -> memref<128x16xf32, #tpu.memory_space<vmem>>
      %dma_wait3A_331 = arith.constant 0 : i32
      %dma_wait3A_332 = arith.constant 0 : i32
      %dma_wait3A_333 = tpu.memref_slice %arg3[%dma_wait3A_331, %dma_wait3A_332] : memref<163840x16xf32, #tpu.memory_space<hbm>> -> memref<128x16xf32, #tpu.memory_space<hbm>>
      %dma_wait3A_334 = arith.constant 0 : i32
      %dma_wait3A_335 = arith.constant 0 : i32
      %dma_wait3A_336 = tpu.memref_slice %arg15[%dma_wait3A_326, %dma_wait3A_334, %dma_wait3A_335] : memref<4x128x16xf32, #tpu.memory_space<vmem>> -> memref<1x128x16xf32, #tpu.memory_space<vmem>>
      %dma_wait3A_337 = tpu.memref_squeeze %dma_wait3A_336 : memref<1x128x16xf32, #tpu.memory_space<vmem>> -> memref<128x16xf32, #tpu.memory_space<vmem>>
      %dma_wait3A_338 = arith.constant 0 : i32
      %dma_wait3A_339 = arith.constant 0 : i32
      %dma_wait3A_340 = tpu.memref_slice %arg3[%dma_wait3A_338, %dma_wait3A_339] : memref<163840x16xf32, #tpu.memory_space<hbm>> -> memref<128x16xf32, #tpu.memory_space<hbm>>
      tpu.wait_dma2 semaphore(%arg17 : memref<!tpu.dma_semaphore, #tpu.memory_space<semaphore_mem>>) src(%dma_wait3A_340 : memref<128x16xf32, #tpu.memory_space<hbm>>) dst(%dma_wait3A_337 : memref<128x16xf32, #tpu.memory_space<vmem>>)
      %add3A_341 = arith.constant 3 : i32
      %add3A_342 = arith.addi %mul3A_15, %add3A_341 : i32
      %dma_start3A_343 = arith.constant 3 : i32
      %dma_start3A_344 = arith.constant 0 : i32
      %dma_start3A_345 = arith.constant 0 : i32
      %dma_start3A_346 = tpu.memref_slice %arg15[%dma_start3A_343, %dma_start3A_344, %dma_start3A_345] : memref<4x128x16xf32, #tpu.memory_space<vmem>> -> memref<1x128x16xf32, #tpu.memory_space<vmem>>
      %dma_start3A_347 = tpu.memref_squeeze %dma_start3A_346 : memref<1x128x16xf32, #tpu.memory_space<vmem>> -> memref<128x16xf32, #tpu.memory_space<vmem>>
      %dma_start3A_348 = arith.constant 0 : i32
      %dma_start3A_349 = tpu.memref_slice %arg13[%add3A_342, %dma_start3A_348] : memref<40x128xi32, #tpu.memory_space<vmem>> -> memref<1x128xi32, #tpu.memory_space<vmem>>
      %dma_start3A_350 = tpu.memref_squeeze %dma_start3A_349 : memref<1x128xi32, #tpu.memory_space<vmem>> -> memref<128xi32, #tpu.memory_space<vmem>>
      %dma_start3A_351 = arith.constant 0 : i32
      %dma_start3A_352 = arith.constant 0 : i32
      %dma_start3A_353 = tpu.memref_slice %arg20[%dma_start3A_351, %dma_start3A_352] : memref<10240x16xf32, #tpu.memory_space<vmem_shared>> -> memref<10240x16xf32, #tpu.memory_space<vmem_shared>>
      tpu.enqueue_indirect_dma source(%dma_start3A_347 : memref<128x16xf32, #tpu.memory_space<vmem>>) target(%dma_start3A_353 : memref<10240x16xf32, #tpu.memory_space<vmem_shared>>) offsets(%dma_start3A_350 : memref<128xi32, #tpu.memory_space<vmem>>) semaphore(%arg18 : memref<!tpu.dma_semaphore, #tpu.memory_space<semaphore_mem>>) {add = true}
      %dma_wait3A_354 = arith.constant 0 : i32
      %dma_wait3A_355 = arith.constant 0 : i32
      %dma_wait3A_356 = arith.constant 0 : i32
      %dma_wait3A_357 = tpu.memref_slice %arg14[%dma_wait3A_354, %dma_wait3A_355, %dma_wait3A_356] : memref<4x128x128xf32, #tpu.memory_space<vmem>> -> memref<1x128x128xf32, #tpu.memory_space<vmem>>
      %dma_wait3A_358 = tpu.memref_squeeze %dma_wait3A_357 : memref<1x128x128xf32, #tpu.memory_space<vmem>> -> memref<128x128xf32, #tpu.memory_space<vmem>>
      %dma_wait3A_359 = arith.constant 0 : i32
      %dma_wait3A_360 = arith.constant 0 : i32
      %dma_wait3A_361 = tpu.memref_slice %arg19[%dma_wait3A_359, %dma_wait3A_360] : memref<2048x128xf32, #tpu.memory_space<vmem_shared>> -> memref<128x128xf32, #tpu.memory_space<vmem_shared>>
      %dma_wait3A_362 = arith.constant 0 : i32
      %dma_wait3A_363 = arith.constant 0 : i32
      %dma_wait3A_364 = tpu.memref_slice %arg19[%dma_wait3A_362, %dma_wait3A_363] : memref<2048x128xf32, #tpu.memory_space<vmem_shared>> -> memref<128x128xf32, #tpu.memory_space<vmem_shared>>
      %dma_wait3A_365 = arith.constant 0 : i32
      %dma_wait3A_366 = arith.constant 0 : i32
      %dma_wait3A_367 = tpu.memref_slice %arg14[%dma_wait3A_354, %dma_wait3A_365, %dma_wait3A_366] : memref<4x128x128xf32, #tpu.memory_space<vmem>> -> memref<1x128x128xf32, #tpu.memory_space<vmem>>
      %dma_wait3A_368 = tpu.memref_squeeze %dma_wait3A_367 : memref<1x128x128xf32, #tpu.memory_space<vmem>> -> memref<128x128xf32, #tpu.memory_space<vmem>>
      tpu.wait_dma2 semaphore(%arg18 : memref<!tpu.dma_semaphore, #tpu.memory_space<semaphore_mem>>) src(%dma_wait3A_368 : memref<128x128xf32, #tpu.memory_space<vmem>>) dst(%dma_wait3A_364 : memref<128x128xf32, #tpu.memory_space<vmem_shared>>)
      %dma_wait3A_369 = arith.constant 0 : i32
      %dma_wait3A_370 = arith.constant 0 : i32
      %dma_wait3A_371 = arith.constant 0 : i32
      %dma_wait3A_372 = tpu.memref_slice %arg15[%dma_wait3A_369, %dma_wait3A_370, %dma_wait3A_371] : memref<4x128x16xf32, #tpu.memory_space<vmem>> -> memref<1x128x16xf32, #tpu.memory_space<vmem>>
      %dma_wait3A_373 = tpu.memref_squeeze %dma_wait3A_372 : memref<1x128x16xf32, #tpu.memory_space<vmem>> -> memref<128x16xf32, #tpu.memory_space<vmem>>
      %dma_wait3A_374 = arith.constant 0 : i32
      %dma_wait3A_375 = arith.constant 0 : i32
      %dma_wait3A_376 = tpu.memref_slice %arg20[%dma_wait3A_374, %dma_wait3A_375] : memref<10240x16xf32, #tpu.memory_space<vmem_shared>> -> memref<128x16xf32, #tpu.memory_space<vmem_shared>>
      %dma_wait3A_377 = arith.constant 0 : i32
      %dma_wait3A_378 = arith.constant 0 : i32
      %dma_wait3A_379 = tpu.memref_slice %arg20[%dma_wait3A_377, %dma_wait3A_378] : memref<10240x16xf32, #tpu.memory_space<vmem_shared>> -> memref<128x16xf32, #tpu.memory_space<vmem_shared>>
      %dma_wait3A_380 = arith.constant 0 : i32
      %dma_wait3A_381 = arith.constant 0 : i32
      %dma_wait3A_382 = tpu.memref_slice %arg15[%dma_wait3A_369, %dma_wait3A_380, %dma_wait3A_381] : memref<4x128x16xf32, #tpu.memory_space<vmem>> -> memref<1x128x16xf32, #tpu.memory_space<vmem>>
      %dma_wait3A_383 = tpu.memref_squeeze %dma_wait3A_382 : memref<1x128x16xf32, #tpu.memory_space<vmem>> -> memref<128x16xf32, #tpu.memory_space<vmem>>
      tpu.wait_dma2 semaphore(%arg18 : memref<!tpu.dma_semaphore, #tpu.memory_space<semaphore_mem>>) src(%dma_wait3A_383 : memref<128x16xf32, #tpu.memory_space<vmem>>) dst(%dma_wait3A_379 : memref<128x16xf32, #tpu.memory_space<vmem_shared>>)
      %dma_wait3A_384 = arith.constant 1 : i32
      %dma_wait3A_385 = arith.constant 0 : i32
      %dma_wait3A_386 = arith.constant 0 : i32
      %dma_wait3A_387 = tpu.memref_slice %arg14[%dma_wait3A_384, %dma_wait3A_385, %dma_wait3A_386] : memref<4x128x128xf32, #tpu.memory_space<vmem>> -> memref<1x128x128xf32, #tpu.memory_space<vmem>>
      %dma_wait3A_388 = tpu.memref_squeeze %dma_wait3A_387 : memref<1x128x128xf32, #tpu.memory_space<vmem>> -> memref<128x128xf32, #tpu.memory_space<vmem>>
      %dma_wait3A_389 = arith.constant 0 : i32
      %dma_wait3A_390 = arith.constant 0 : i32
      %dma_wait3A_391 = tpu.memref_slice %arg19[%dma_wait3A_389, %dma_wait3A_390] : memref<2048x128xf32, #tpu.memory_space<vmem_shared>> -> memref<128x128xf32, #tpu.memory_space<vmem_shared>>
      %dma_wait3A_392 = arith.constant 0 : i32
      %dma_wait3A_393 = arith.constant 0 : i32
      %dma_wait3A_394 = tpu.memref_slice %arg19[%dma_wait3A_392, %dma_wait3A_393] : memref<2048x128xf32, #tpu.memory_space<vmem_shared>> -> memref<128x128xf32, #tpu.memory_space<vmem_shared>>
      %dma_wait3A_395 = arith.constant 0 : i32
      %dma_wait3A_396 = arith.constant 0 : i32
      %dma_wait3A_397 = tpu.memref_slice %arg14[%dma_wait3A_384, %dma_wait3A_395, %dma_wait3A_396] : memref<4x128x128xf32, #tpu.memory_space<vmem>> -> memref<1x128x128xf32, #tpu.memory_space<vmem>>
      %dma_wait3A_398 = tpu.memref_squeeze %dma_wait3A_397 : memref<1x128x128xf32, #tpu.memory_space<vmem>> -> memref<128x128xf32, #tpu.memory_space<vmem>>
      tpu.wait_dma2 semaphore(%arg18 : memref<!tpu.dma_semaphore, #tpu.memory_space<semaphore_mem>>) src(%dma_wait3A_398 : memref<128x128xf32, #tpu.memory_space<vmem>>) dst(%dma_wait3A_394 : memref<128x128xf32, #tpu.memory_space<vmem_shared>>)
      %dma_wait3A_399 = arith.constant 1 : i32
      %dma_wait3A_400 = arith.constant 0 : i32
      %dma_wait3A_401 = arith.constant 0 : i32
      %dma_wait3A_402 = tpu.memref_slice %arg15[%dma_wait3A_399, %dma_wait3A_400, %dma_wait3A_401] : memref<4x128x16xf32, #tpu.memory_space<vmem>> -> memref<1x128x16xf32, #tpu.memory_space<vmem>>
      %dma_wait3A_403 = tpu.memref_squeeze %dma_wait3A_402 : memref<1x128x16xf32, #tpu.memory_space<vmem>> -> memref<128x16xf32, #tpu.memory_space<vmem>>
      %dma_wait3A_404 = arith.constant 0 : i32
      %dma_wait3A_405 = arith.constant 0 : i32
      %dma_wait3A_406 = tpu.memref_slice %arg20[%dma_wait3A_404, %dma_wait3A_405] : memref<10240x16xf32, #tpu.memory_space<vmem_shared>> -> memref<128x16xf32, #tpu.memory_space<vmem_shared>>
      %dma_wait3A_407 = arith.constant 0 : i32
      %dma_wait3A_408 = arith.constant 0 : i32
      %dma_wait3A_409 = tpu.memref_slice %arg20[%dma_wait3A_407, %dma_wait3A_408] : memref<10240x16xf32, #tpu.memory_space<vmem_shared>> -> memref<128x16xf32, #tpu.memory_space<vmem_shared>>
      %dma_wait3A_410 = arith.constant 0 : i32
      %dma_wait3A_411 = arith.constant 0 : i32
      %dma_wait3A_412 = tpu.memref_slice %arg15[%dma_wait3A_399, %dma_wait3A_410, %dma_wait3A_411] : memref<4x128x16xf32, #tpu.memory_space<vmem>> -> memref<1x128x16xf32, #tpu.memory_space<vmem>>
      %dma_wait3A_413 = tpu.memref_squeeze %dma_wait3A_412 : memref<1x128x16xf32, #tpu.memory_space<vmem>> -> memref<128x16xf32, #tpu.memory_space<vmem>>
      tpu.wait_dma2 semaphore(%arg18 : memref<!tpu.dma_semaphore, #tpu.memory_space<semaphore_mem>>) src(%dma_wait3A_413 : memref<128x16xf32, #tpu.memory_space<vmem>>) dst(%dma_wait3A_409 : memref<128x16xf32, #tpu.memory_space<vmem_shared>>)
      %dma_wait3A_414 = arith.constant 2 : i32
      %dma_wait3A_415 = arith.constant 0 : i32
      %dma_wait3A_416 = arith.constant 0 : i32
      %dma_wait3A_417 = tpu.memref_slice %arg14[%dma_wait3A_414, %dma_wait3A_415, %dma_wait3A_416] : memref<4x128x128xf32, #tpu.memory_space<vmem>> -> memref<1x128x128xf32, #tpu.memory_space<vmem>>
      %dma_wait3A_418 = tpu.memref_squeeze %dma_wait3A_417 : memref<1x128x128xf32, #tpu.memory_space<vmem>> -> memref<128x128xf32, #tpu.memory_space<vmem>>
      %dma_wait3A_419 = arith.constant 0 : i32
      %dma_wait3A_420 = arith.constant 0 : i32
      %dma_wait3A_421 = tpu.memref_slice %arg19[%dma_wait3A_419, %dma_wait3A_420] : memref<2048x128xf32, #tpu.memory_space<vmem_shared>> -> memref<128x128xf32, #tpu.memory_space<vmem_shared>>
      %dma_wait3A_422 = arith.constant 0 : i32
      %dma_wait3A_423 = arith.constant 0 : i32
      %dma_wait3A_424 = tpu.memref_slice %arg19[%dma_wait3A_422, %dma_wait3A_423] : memref<2048x128xf32, #tpu.memory_space<vmem_shared>> -> memref<128x128xf32, #tpu.memory_space<vmem_shared>>
      %dma_wait3A_425 = arith.constant 0 : i32
      %dma_wait3A_426 = arith.constant 0 : i32
      %dma_wait3A_427 = tpu.memref_slice %arg14[%dma_wait3A_414, %dma_wait3A_425, %dma_wait3A_426] : memref<4x128x128xf32, #tpu.memory_space<vmem>> -> memref<1x128x128xf32, #tpu.memory_space<vmem>>
      %dma_wait3A_428 = tpu.memref_squeeze %dma_wait3A_427 : memref<1x128x128xf32, #tpu.memory_space<vmem>> -> memref<128x128xf32, #tpu.memory_space<vmem>>
      tpu.wait_dma2 semaphore(%arg18 : memref<!tpu.dma_semaphore, #tpu.memory_space<semaphore_mem>>) src(%dma_wait3A_428 : memref<128x128xf32, #tpu.memory_space<vmem>>) dst(%dma_wait3A_424 : memref<128x128xf32, #tpu.memory_space<vmem_shared>>)
      %dma_wait3A_429 = arith.constant 2 : i32
      %dma_wait3A_430 = arith.constant 0 : i32
      %dma_wait3A_431 = arith.constant 0 : i32
      %dma_wait3A_432 = tpu.memref_slice %arg15[%dma_wait3A_429, %dma_wait3A_430, %dma_wait3A_431] : memref<4x128x16xf32, #tpu.memory_space<vmem>> -> memref<1x128x16xf32, #tpu.memory_space<vmem>>
      %dma_wait3A_433 = tpu.memref_squeeze %dma_wait3A_432 : memref<1x128x16xf32, #tpu.memory_space<vmem>> -> memref<128x16xf32, #tpu.memory_space<vmem>>
      %dma_wait3A_434 = arith.constant 0 : i32
      %dma_wait3A_435 = arith.constant 0 : i32
      %dma_wait3A_436 = tpu.memref_slice %arg20[%dma_wait3A_434, %dma_wait3A_435] : memref<10240x16xf32, #tpu.memory_space<vmem_shared>> -> memref<128x16xf32, #tpu.memory_space<vmem_shared>>
      %dma_wait3A_437 = arith.constant 0 : i32
      %dma_wait3A_438 = arith.constant 0 : i32
      %dma_wait3A_439 = tpu.memref_slice %arg20[%dma_wait3A_437, %dma_wait3A_438] : memref<10240x16xf32, #tpu.memory_space<vmem_shared>> -> memref<128x16xf32, #tpu.memory_space<vmem_shared>>
      %dma_wait3A_440 = arith.constant 0 : i32
      %dma_wait3A_441 = arith.constant 0 : i32
      %dma_wait3A_442 = tpu.memref_slice %arg15[%dma_wait3A_429, %dma_wait3A_440, %dma_wait3A_441] : memref<4x128x16xf32, #tpu.memory_space<vmem>> -> memref<1x128x16xf32, #tpu.memory_space<vmem>>
      %dma_wait3A_443 = tpu.memref_squeeze %dma_wait3A_442 : memref<1x128x16xf32, #tpu.memory_space<vmem>> -> memref<128x16xf32, #tpu.memory_space<vmem>>
      tpu.wait_dma2 semaphore(%arg18 : memref<!tpu.dma_semaphore, #tpu.memory_space<semaphore_mem>>) src(%dma_wait3A_443 : memref<128x16xf32, #tpu.memory_space<vmem>>) dst(%dma_wait3A_439 : memref<128x16xf32, #tpu.memory_space<vmem_shared>>)
      %dma_wait3A_444 = arith.constant 3 : i32
      %dma_wait3A_445 = arith.constant 0 : i32
      %dma_wait3A_446 = arith.constant 0 : i32
      %dma_wait3A_447 = tpu.memref_slice %arg14[%dma_wait3A_444, %dma_wait3A_445, %dma_wait3A_446] : memref<4x128x128xf32, #tpu.memory_space<vmem>> -> memref<1x128x128xf32, #tpu.memory_space<vmem>>
      %dma_wait3A_448 = tpu.memref_squeeze %dma_wait3A_447 : memref<1x128x128xf32, #tpu.memory_space<vmem>> -> memref<128x128xf32, #tpu.memory_space<vmem>>
      %dma_wait3A_449 = arith.constant 0 : i32
      %dma_wait3A_450 = arith.constant 0 : i32
      %dma_wait3A_451 = tpu.memref_slice %arg19[%dma_wait3A_449, %dma_wait3A_450] : memref<2048x128xf32, #tpu.memory_space<vmem_shared>> -> memref<128x128xf32, #tpu.memory_space<vmem_shared>>
      %dma_wait3A_452 = arith.constant 0 : i32
      %dma_wait3A_453 = arith.constant 0 : i32
      %dma_wait3A_454 = tpu.memref_slice %arg19[%dma_wait3A_452, %dma_wait3A_453] : memref<2048x128xf32, #tpu.memory_space<vmem_shared>> -> memref<128x128xf32, #tpu.memory_space<vmem_shared>>
      %dma_wait3A_455 = arith.constant 0 : i32
      %dma_wait3A_456 = arith.constant 0 : i32
      %dma_wait3A_457 = tpu.memref_slice %arg14[%dma_wait3A_444, %dma_wait3A_455, %dma_wait3A_456] : memref<4x128x128xf32, #tpu.memory_space<vmem>> -> memref<1x128x128xf32, #tpu.memory_space<vmem>>
      %dma_wait3A_458 = tpu.memref_squeeze %dma_wait3A_457 : memref<1x128x128xf32, #tpu.memory_space<vmem>> -> memref<128x128xf32, #tpu.memory_space<vmem>>
      tpu.wait_dma2 semaphore(%arg18 : memref<!tpu.dma_semaphore, #tpu.memory_space<semaphore_mem>>) src(%dma_wait3A_458 : memref<128x128xf32, #tpu.memory_space<vmem>>) dst(%dma_wait3A_454 : memref<128x128xf32, #tpu.memory_space<vmem_shared>>)
      %dma_wait3A_459 = arith.constant 3 : i32
      %dma_wait3A_460 = arith.constant 0 : i32
      %dma_wait3A_461 = arith.constant 0 : i32
      %dma_wait3A_462 = tpu.memref_slice %arg15[%dma_wait3A_459, %dma_wait3A_460, %dma_wait3A_461] : memref<4x128x16xf32, #tpu.memory_space<vmem>> -> memref<1x128x16xf32, #tpu.memory_space<vmem>>
      %dma_wait3A_463 = tpu.memref_squeeze %dma_wait3A_462 : memref<1x128x16xf32, #tpu.memory_space<vmem>> -> memref<128x16xf32, #tpu.memory_space<vmem>>
      %dma_wait3A_464 = arith.constant 0 : i32
      %dma_wait3A_465 = arith.constant 0 : i32
      %dma_wait3A_466 = tpu.memref_slice %arg20[%dma_wait3A_464, %dma_wait3A_465] : memref<10240x16xf32, #tpu.memory_space<vmem_shared>> -> memref<128x16xf32, #tpu.memory_space<vmem_shared>>
      %dma_wait3A_467 = arith.constant 0 : i32
      %dma_wait3A_468 = arith.constant 0 : i32
      %dma_wait3A_469 = tpu.memref_slice %arg20[%dma_wait3A_467, %dma_wait3A_468] : memref<10240x16xf32, #tpu.memory_space<vmem_shared>> -> memref<128x16xf32, #tpu.memory_space<vmem_shared>>
      %dma_wait3A_470 = arith.constant 0 : i32
      %dma_wait3A_471 = arith.constant 0 : i32
      %dma_wait3A_472 = tpu.memref_slice %arg15[%dma_wait3A_459, %dma_wait3A_470, %dma_wait3A_471] : memref<4x128x16xf32, #tpu.memory_space<vmem>> -> memref<1x128x16xf32, #tpu.memory_space<vmem>>
      %dma_wait3A_473 = tpu.memref_squeeze %dma_wait3A_472 : memref<1x128x16xf32, #tpu.memory_space<vmem>> -> memref<128x16xf32, #tpu.memory_space<vmem>>
      tpu.wait_dma2 semaphore(%arg18 : memref<!tpu.dma_semaphore, #tpu.memory_space<semaphore_mem>>) src(%dma_wait3A_473 : memref<128x16xf32, #tpu.memory_space<vmem>>) dst(%dma_wait3A_469 : memref<128x16xf32, #tpu.memory_space<vmem_shared>>)
    }
    %scan3A_11 = arith.constant 10 : i32
    %barrier3A_12 = arith.constant 0 : index
    tpu.barrier barrier_id(%barrier3A_12)
    "tpu.region"() ({
      %run_scoped3A = tpu.sem_alloc : memref<!tpu.dma_semaphore, #tpu.memory_space<semaphore_mem>>
      %dma_start3A = arith.constant 0 : i32
      %dma_start3A_13 = tpu.memref_slice %arg9[%arg0, %mul3A_4, %dma_start3A] : memref<2x2048x128xf32, #tpu.memory_space<hbm>> -> memref<1x128x128xf32, #tpu.memory_space<hbm>>
      %dma_start3A_14 = tpu.memref_squeeze %dma_start3A_13 : memref<1x128x128xf32, #tpu.memory_space<hbm>> -> memref<128x128xf32, #tpu.memory_space<hbm>>
      %dma_start3A_15 = arith.constant 0 : i32
      %dma_start3A_16 = tpu.memref_slice %arg19[%mul3A_4, %dma_start3A_15] : memref<2048x128xf32, #tpu.memory_space<vmem_shared>> -> memref<128x128xf32, #tpu.memory_space<vmem_shared>>
      tpu.enqueue_dma source(%dma_start3A_16 : memref<128x128xf32, #tpu.memory_space<vmem_shared>>) target(%dma_start3A_14 : memref<128x128xf32, #tpu.memory_space<hbm>>) target_semaphore(%run_scoped3A : memref<!tpu.dma_semaphore, #tpu.memory_space<semaphore_mem>>)
      %dma_wait3A = arith.constant 0 : i32
      %dma_wait3A_17 = tpu.memref_slice %arg9[%arg0, %mul3A_4, %dma_wait3A] : memref<2x2048x128xf32, #tpu.memory_space<hbm>> -> memref<1x128x128xf32, #tpu.memory_space<hbm>>
      %dma_wait3A_18 = tpu.memref_squeeze %dma_wait3A_17 : memref<1x128x128xf32, #tpu.memory_space<hbm>> -> memref<128x128xf32, #tpu.memory_space<hbm>>
      %dma_wait3A_19 = arith.constant 0 : i32
      %dma_wait3A_20 = tpu.memref_slice %arg19[%mul3A_4, %dma_wait3A_19] : memref<2048x128xf32, #tpu.memory_space<vmem_shared>> -> memref<128x128xf32, #tpu.memory_space<vmem_shared>>
      tpu.wait_dma2 semaphore(%run_scoped3A : memref<!tpu.dma_semaphore, #tpu.memory_space<semaphore_mem>>) src(%dma_wait3A_20 : memref<128x128xf32, #tpu.memory_space<vmem_shared>>) dst(%dma_wait3A_18 : memref<128x128xf32, #tpu.memory_space<hbm>>)
      tpu.yield
    }) : () -> ()
    "tpu.region"() ({
      %run_scoped3A = tpu.sem_alloc : memref<!tpu.dma_semaphore, #tpu.memory_space<semaphore_mem>>
      %dma_start3A = arith.constant 0 : i32
      %dma_start3A_13 = tpu.memref_slice %arg10[%arg0, %mul3A_6, %dma_start3A] : memref<2x10240x16xf32, #tpu.memory_space<hbm>> -> memref<1x640x16xf32, #tpu.memory_space<hbm>>
      %dma_start3A_14 = tpu.memref_squeeze %dma_start3A_13 : memref<1x640x16xf32, #tpu.memory_space<hbm>> -> memref<640x16xf32, #tpu.memory_space<hbm>>
      %dma_start3A_15 = arith.constant 0 : i32
      %dma_start3A_16 = tpu.memref_slice %arg20[%mul3A_6, %dma_start3A_15] : memref<10240x16xf32, #tpu.memory_space<vmem_shared>> -> memref<640x16xf32, #tpu.memory_space<vmem_shared>>
      tpu.enqueue_dma source(%dma_start3A_16 : memref<640x16xf32, #tpu.memory_space<vmem_shared>>) target(%dma_start3A_14 : memref<640x16xf32, #tpu.memory_space<hbm>>) target_semaphore(%run_scoped3A : memref<!tpu.dma_semaphore, #tpu.memory_space<semaphore_mem>>)
      %dma_wait3A = arith.constant 0 : i32
      %dma_wait3A_17 = tpu.memref_slice %arg10[%arg0, %mul3A_6, %dma_wait3A] : memref<2x10240x16xf32, #tpu.memory_space<hbm>> -> memref<1x640x16xf32, #tpu.memory_space<hbm>>
      %dma_wait3A_18 = tpu.memref_squeeze %dma_wait3A_17 : memref<1x640x16xf32, #tpu.memory_space<hbm>> -> memref<640x16xf32, #tpu.memory_space<hbm>>
      %dma_wait3A_19 = arith.constant 0 : i32
      %dma_wait3A_20 = tpu.memref_slice %arg20[%mul3A_6, %dma_wait3A_19] : memref<10240x16xf32, #tpu.memory_space<vmem_shared>> -> memref<640x16xf32, #tpu.memory_space<vmem_shared>>
      tpu.wait_dma2 semaphore(%run_scoped3A : memref<!tpu.dma_semaphore, #tpu.memory_space<semaphore_mem>>) src(%dma_wait3A_20 : memref<640x16xf32, #tpu.memory_space<vmem_shared>>) dst(%dma_wait3A_18 : memref<640x16xf32, #tpu.memory_space<hbm>>)
      tpu.yield
    }) : () -> ()
    return
  }
}

module attributes {stable_mosaic.version = 14 : i64} {
  func.func @_m_body(%arg0: i32, %arg1: memref<2048x16xf32, #tpu.memory_space<vmem>>, %arg2: memref<2048x16xf32, #tpu.memory_space<vmem>>, %arg3: memref<16x256xf32, #tpu.memory_space<vmem>>, %arg4: memref<16x256xf32, #tpu.memory_space<vmem>>, %arg5: memref<256x16xf32, #tpu.memory_space<vmem>>, %arg6: memref<16x16xf32, #tpu.memory_space<vmem>>, %arg7: memref<2048x16xf32, #tpu.memory_space<vmem>>) attributes {dimension_semantics = [#tpu.dimension_semantics<arbitrary>], iteration_bounds = array<i64: 80>, scalar_prefetch = 0 : i64, scratch_operands = 0 : i64, tpu.core_type = #tpu.core_type<tc>, window_params = [{transform_indices = @transform_0, window_bounds = array<i64: 2048, 16>}, {transform_indices = @transform_1, window_bounds = array<i64: 2048, 16>}, {pipeline_mode = #tpu.pipeline_mode<synchronous>, transform_indices = @transform_2, window_bounds = array<i64: 16, 256>}, {pipeline_mode = #tpu.pipeline_mode<synchronous>, transform_indices = @transform_3, window_bounds = array<i64: 16, 256>}, {pipeline_mode = #tpu.pipeline_mode<synchronous>, transform_indices = @transform_4, window_bounds = array<i64: 256, 16>}, {pipeline_mode = #tpu.pipeline_mode<synchronous>, transform_indices = @transform_5, window_bounds = array<i64: 16, 16>}, {transform_indices = @transform_6, window_bounds = array<i64: 2048, 16>}]} {
    %get3A = arith.constant 0 : index
    %get3A_0 = arith.constant 0 : index
    %get3A_1 = vector.load %arg1[%get3A, %get3A_0] : memref<2048x16xf32, #tpu.memory_space<vmem>>, vector<2048x16xf32>
    %get3A_2 = arith.constant 0 : index
    %get3A_3 = arith.constant 0 : index
    %get3A_4 = vector.load %arg2[%get3A_2, %get3A_3] : memref<2048x16xf32, #tpu.memory_space<vmem>>, vector<2048x16xf32>
    %get3A_5 = arith.constant 0 : index
    %get3A_6 = arith.constant 0 : index
    %get3A_7 = vector.load %arg3[%get3A_5, %get3A_6] : memref<16x256xf32, #tpu.memory_space<vmem>>, vector<16x256xf32>
    %dot_general3A = arith.constant dense<0.000000e+00> : vector<2048x256xf32>
    %dot_general3A_8 = tpu.matmul %get3A_1, %get3A_7, %dot_general3A {dimension_numbers = #tpu.dot_dimension_numbers<[1], [0], [0], [1], [0, 0, 1, 1], [], []>, transpose_lhs_hint = false} : vector<2048x16xf32>, vector<16x256xf32>, vector<2048x256xf32> -> vector<2048x256xf32>
    %get3A_9 = arith.constant 0 : index
    %get3A_10 = arith.constant 0 : index
    %get3A_11 = vector.load %arg4[%get3A_9, %get3A_10] : memref<16x256xf32, #tpu.memory_space<vmem>>, vector<16x256xf32>
    %dot_general3A_12 = arith.constant dense<0.000000e+00> : vector<2048x256xf32>
    %dot_general3A_13 = tpu.matmul %get3A_4, %get3A_11, %dot_general3A_12 {dimension_numbers = #tpu.dot_dimension_numbers<[1], [0], [0], [1], [0, 0, 1, 1], [], []>, transpose_lhs_hint = false} : vector<2048x16xf32>, vector<16x256xf32>, vector<2048x256xf32> -> vector<2048x256xf32>
    %mul3A = arith.mulf %dot_general3A_8, %dot_general3A_13 : vector<2048x256xf32>
    %get3A_14 = arith.constant 0 : index
    %get3A_15 = arith.constant 0 : index
    %get3A_16 = vector.load %arg5[%get3A_14, %get3A_15] : memref<256x16xf32, #tpu.memory_space<vmem>>, vector<256x16xf32>
    %dot_general3A_17 = arith.constant dense<0.000000e+00> : vector<2048x16xf32>
    %dot_general3A_18 = tpu.matmul %mul3A, %get3A_16, %dot_general3A_17 {dimension_numbers = #tpu.dot_dimension_numbers<[1], [0], [0], [1], [0, 0, 1, 1], [], []>, transpose_lhs_hint = false} : vector<2048x256xf32>, vector<256x16xf32>, vector<2048x16xf32> -> vector<2048x16xf32>
    %get3A_19 = arith.constant 0 : index
    %get3A_20 = arith.constant 0 : index
    %get3A_21 = vector.load %arg6[%get3A_19, %get3A_20] : memref<16x16xf32, #tpu.memory_space<vmem>>, vector<16x16xf32>
    %dot_general3A_22 = arith.constant dense<0.000000e+00> : vector<2048x16xf32>
    %dot_general3A_23 = tpu.matmul %get3A_4, %get3A_21, %dot_general3A_22 {dimension_numbers = #tpu.dot_dimension_numbers<[1], [0], [0], [1], [0, 0, 1, 1], [], []>, transpose_lhs_hint = false} : vector<2048x16xf32>, vector<16x16xf32>, vector<2048x16xf32> -> vector<2048x16xf32>
    %add3A = arith.addf %dot_general3A_18, %dot_general3A_23 : vector<2048x16xf32>
    %swap3A = arith.constant 0 : index
    %swap3A_24 = arith.constant 0 : index
    %swap3A_25 = vector.load %arg7[%swap3A, %swap3A_24] : memref<2048x16xf32, #tpu.memory_space<vmem>>, vector<2048x16xf32>
    tpu.vector_store %arg7[%swap3A, %swap3A_24], %add3A {strides = array<i32>} : memref<2048x16xf32, #tpu.memory_space<vmem>>, vector<2048x16xf32>,
    return
  }
  func.func @transform_0(%arg0: i32) -> (i32, i32) {
    %c0_i32 = arith.constant 0 : i32
    %c0_i32_0 = arith.constant 0 : i32
    return %arg0, %c0_i32 : i32, i32
  }
  func.func @transform_1(%arg0: i32) -> (i32, i32) {
    %c0_i32 = arith.constant 0 : i32
    %c0_i32_0 = arith.constant 0 : i32
    return %arg0, %c0_i32 : i32, i32
  }
  func.func @transform_2(%arg0: i32) -> (i32, i32) {
    %c0_i32 = arith.constant 0 : i32
    %c0_i32_0 = arith.constant 0 : i32
    %c0_i32_1 = arith.constant 0 : i32
    return %c0_i32, %c0_i32_0 : i32, i32
  }
  func.func @transform_3(%arg0: i32) -> (i32, i32) {
    %c0_i32 = arith.constant 0 : i32
    %c0_i32_0 = arith.constant 0 : i32
    %c0_i32_1 = arith.constant 0 : i32
    return %c0_i32, %c0_i32_0 : i32, i32
  }
  func.func @transform_4(%arg0: i32) -> (i32, i32) {
    %c0_i32 = arith.constant 0 : i32
    %c0_i32_0 = arith.constant 0 : i32
    %c0_i32_1 = arith.constant 0 : i32
    return %c0_i32, %c0_i32_0 : i32, i32
  }
  func.func @transform_5(%arg0: i32) -> (i32, i32) {
    %c0_i32 = arith.constant 0 : i32
    %c0_i32_0 = arith.constant 0 : i32
    %c0_i32_1 = arith.constant 0 : i32
    return %c0_i32, %c0_i32_0 : i32, i32
  }
  func.func @transform_6(%arg0: i32) -> (i32, i32) {
    %c0_i32 = arith.constant 0 : i32
    %c0_i32_0 = arith.constant 0 : i32
    return %arg0, %c0_i32 : i32, i32
  }
}

module attributes {stable_mosaic.version = 14 : i64} {
  func.func @_h_body(%arg0: i32, %arg1: memref<1000x128xf32, #tpu.memory_space<vmem>>, %arg2: memref<1000x16xf32, #tpu.memory_space<vmem>>, %arg3: memref<1000x16xf32, #tpu.memory_space<vmem>>, %arg4: memref<128x128xf32, #tpu.memory_space<vmem>>, %arg5: memref<1000x128xf32, #tpu.memory_space<vmem>>) attributes {dimension_semantics = [#tpu.dimension_semantics<arbitrary>], iteration_bounds = array<i64: 10>, scalar_prefetch = 0 : i64, scratch_operands = 0 : i64, tpu.core_type = #tpu.core_type<tc>, window_params = [{transform_indices = @transform_0, window_bounds = array<i64: 1000, 128>}, {transform_indices = @transform_1, window_bounds = array<i64: 1000, 16>}, {transform_indices = @transform_2, window_bounds = array<i64: 1000, 16>}, {pipeline_mode = #tpu.pipeline_mode<synchronous>, transform_indices = @transform_3, window_bounds = array<i64: 128, 128>}, {transform_indices = @transform_4, window_bounds = array<i64: 1000, 128>}]} {
    %get3A = arith.constant 0 : index
    %get3A_0 = arith.constant 0 : index
    %get3A_1 = vector.load %arg2[%get3A, %get3A_0] : memref<1000x16xf32, #tpu.memory_space<vmem>>, vector<1000x16xf32>
    %slice3A = vector.extract_strided_slice %get3A_1 {offsets = [0, 0], sizes = [1000, 1], strides = [1, 1]} : vector<1000x16xf32> to vector<1000x1xf32>
    %get3A_2 = arith.constant 0 : index
    %get3A_3 = arith.constant 0 : index
    %get3A_4 = vector.load %arg3[%get3A_2, %get3A_3] : memref<1000x16xf32, #tpu.memory_space<vmem>>, vector<1000x16xf32>
    %slice3A_5 = vector.extract_strided_slice %get3A_4 {offsets = [0, 0], sizes = [1000, 1], strides = [1, 1]} : vector<1000x16xf32> to vector<1000x1xf32>
    %add3A = arith.addf %slice3A, %slice3A_5 : vector<1000x1xf32>
    %max3A = arith.constant 1.000000e+00 : f32
    %max3A_6 = vector.broadcast %max3A : f32 to vector<1000x1xf32>
    %max3A_7 = arith.maximumf %add3A, %max3A_6 : vector<1000x1xf32>
    %rsqrt3A = math.rsqrt %max3A_7 : vector<1000x1xf32>
    %get3A_8 = arith.constant 0 : index
    %get3A_9 = arith.constant 0 : index
    %get3A_10 = vector.load %arg1[%get3A_8, %get3A_9] : memref<1000x128xf32, #tpu.memory_space<vmem>>, vector<1000x128xf32>
    %mul3A = vector.broadcast %rsqrt3A : vector<1000x1xf32> to vector<1000x128xf32>
    %mul3A_11 = arith.mulf %get3A_10, %mul3A : vector<1000x128xf32>
    %get3A_12 = arith.constant 0 : index
    %get3A_13 = arith.constant 0 : index
    %get3A_14 = vector.load %arg4[%get3A_12, %get3A_13] : memref<128x128xf32, #tpu.memory_space<vmem>>, vector<128x128xf32>
    %dot_general3A = arith.constant dense<0.000000e+00> : vector<1000x128xf32>
    %dot_general3A_15 = tpu.matmul %mul3A_11, %get3A_14, %dot_general3A {dimension_numbers = #tpu.dot_dimension_numbers<[1], [0], [0], [1], [0, 0, 1, 1], [], []>, transpose_lhs_hint = false} : vector<1000x128xf32>, vector<128x128xf32>, vector<1000x128xf32> -> vector<1000x128xf32>
    %swap3A = arith.constant 0 : index
    %swap3A_16 = arith.constant 0 : index
    %swap3A_17 = vector.load %arg5[%swap3A, %swap3A_16] : memref<1000x128xf32, #tpu.memory_space<vmem>>, vector<1000x128xf32>
    tpu.vector_store %arg5[%swap3A, %swap3A_16], %dot_general3A_15 {strides = array<i32>} : memref<1000x128xf32, #tpu.memory_space<vmem>>, vector<1000x128xf32>,
    return
  }
  func.func @transform_0(%arg0: i32) -> (i32, i32) {
    %c0_i32 = arith.constant 0 : i32
    %c0_i32_0 = arith.constant 0 : i32
    return %arg0, %c0_i32 : i32, i32
  }
  func.func @transform_1(%arg0: i32) -> (i32, i32) {
    %c0_i32 = arith.constant 0 : i32
    %c0_i32_0 = arith.constant 0 : i32
    return %arg0, %c0_i32 : i32, i32
  }
  func.func @transform_2(%arg0: i32) -> (i32, i32) {
    %c0_i32 = arith.constant 0 : i32
    %c0_i32_0 = arith.constant 0 : i32
    return %arg0, %c0_i32 : i32, i32
  }
  func.func @transform_3(%arg0: i32) -> (i32, i32) {
    %c0_i32 = arith.constant 0 : i32
    %c0_i32_0 = arith.constant 0 : i32
    %c0_i32_1 = arith.constant 0 : i32
    return %c0_i32, %c0_i32_0 : i32, i32
  }
  func.func @transform_4(%arg0: i32) -> (i32, i32) {
    %c0_i32 = arith.constant 0 : i32
    %c0_i32_0 = arith.constant 0 : i32
    return %arg0, %c0_i32 : i32, i32
  }
}

module attributes {stable_mosaic.version = 14 : i64} {
  func.func @_node_body(%arg0: memref<10000x16xf32, #tpu.memory_space<vmem>>, %arg1: memref<10000x16xf32, #tpu.memory_space<vmem>>, %arg2: memref<10000x16xf32, #tpu.memory_space<vmem>>, %arg3: memref<10000x16xf32, #tpu.memory_space<vmem>>, %arg4: memref<1x16xf32, #tpu.memory_space<vmem>>, %arg5: memref<10000x16xf32, #tpu.memory_space<vmem>>) attributes {dimension_semantics = [], scalar_prefetch = 0 : i64, scratch_operands = 0 : i64, tpu.core_type = #tpu.core_type<tc>} {
    %get3A = arith.constant 0 : index
    %get3A_0 = arith.constant 0 : index
    %get3A_1 = vector.load %arg0[%get3A, %get3A_0] : memref<10000x16xf32, #tpu.memory_space<vmem>>, vector<10000x16xf32>
    %get3A_2 = arith.constant 0 : index
    %get3A_3 = arith.constant 0 : index
    %get3A_4 = vector.load %arg1[%get3A_2, %get3A_3] : memref<10000x16xf32, #tpu.memory_space<vmem>>, vector<10000x16xf32>
    %add3A = arith.addf %get3A_1, %get3A_4 : vector<10000x16xf32>
    %get3A_5 = arith.constant 0 : index
    %get3A_6 = arith.constant 0 : index
    %get3A_7 = vector.load %arg2[%get3A_5, %get3A_6] : memref<10000x16xf32, #tpu.memory_space<vmem>>, vector<10000x16xf32>
    %slice3A = vector.extract_strided_slice %get3A_7 {offsets = [0, 0], sizes = [10000, 1], strides = [1, 1]} : vector<10000x16xf32> to vector<10000x1xf32>
    %get3A_8 = arith.constant 0 : index
    %get3A_9 = arith.constant 0 : index
    %get3A_10 = vector.load %arg3[%get3A_8, %get3A_9] : memref<10000x16xf32, #tpu.memory_space<vmem>>, vector<10000x16xf32>
    %slice3A_11 = vector.extract_strided_slice %get3A_10 {offsets = [0, 0], sizes = [10000, 1], strides = [1, 1]} : vector<10000x16xf32> to vector<10000x1xf32>
    %add3A_12 = arith.addf %slice3A, %slice3A_11 : vector<10000x1xf32>
    %max3A = arith.constant 1.000000e+00 : f32
    %max3A_13 = vector.broadcast %max3A : f32 to vector<10000x1xf32>
    %max3A_14 = arith.maximumf %add3A_12, %max3A_13 : vector<10000x1xf32>
    %div3A = vector.broadcast %max3A_14 : vector<10000x1xf32> to vector<10000x16xf32>
    %div3A_15 = arith.divf %add3A, %div3A : vector<10000x16xf32>
    %get3A_16 = arith.constant 0 : index
    %get3A_17 = arith.constant 0 : index
    %get3A_18 = vector.load %arg4[%get3A_16, %get3A_17] : memref<1x16xf32, #tpu.memory_space<vmem>>, vector<1x16xf32>
    %add3A_19 = vector.broadcast %get3A_18 : vector<1x16xf32> to vector<10000x16xf32>
    %add3A_20 = arith.addf %div3A_15, %add3A_19 : vector<10000x16xf32>
    %swap3A = arith.constant 0 : index
    %swap3A_21 = arith.constant 0 : index
    %swap3A_22 = vector.load %arg5[%swap3A, %swap3A_21] : memref<10000x16xf32, #tpu.memory_space<vmem>>, vector<10000x16xf32>
    tpu.vector_store %arg5[%swap3A, %swap3A_21], %add3A_20 {strides = array<i32>} : memref<10000x16xf32, #tpu.memory_space<vmem>>, vector<10000x16xf32>,
    return
  }
}

module attributes {stable_mosaic.version = 14 : i64} {
  func.func @_net_body(%arg0: memref<2000x128xf32, #tpu.memory_space<vmem>>, %arg1: memref<2000x128xf32, #tpu.memory_space<vmem>>, %arg2: memref<2000x16xf32, #tpu.memory_space<vmem>>, %arg3: memref<2000x16xf32, #tpu.memory_space<vmem>>, %arg4: memref<1x128xf32, #tpu.memory_space<vmem>>, %arg5: memref<2000x128xf32, #tpu.memory_space<vmem>>) attributes {dimension_semantics = [], scalar_prefetch = 0 : i64, scratch_operands = 0 : i64, tpu.core_type = #tpu.core_type<tc>} {
    %get3A = arith.constant 0 : index
    %get3A_0 = arith.constant 0 : index
    %get3A_1 = vector.load %arg0[%get3A, %get3A_0] : memref<2000x128xf32, #tpu.memory_space<vmem>>, vector<2000x128xf32>
    %get3A_2 = arith.constant 0 : index
    %get3A_3 = arith.constant 0 : index
    %get3A_4 = vector.load %arg1[%get3A_2, %get3A_3] : memref<2000x128xf32, #tpu.memory_space<vmem>>, vector<2000x128xf32>
    %add3A = arith.addf %get3A_1, %get3A_4 : vector<2000x128xf32>
    %get3A_5 = arith.constant 0 : index
    %get3A_6 = arith.constant 0 : index
    %get3A_7 = vector.load %arg2[%get3A_5, %get3A_6] : memref<2000x16xf32, #tpu.memory_space<vmem>>, vector<2000x16xf32>
    %slice3A = vector.extract_strided_slice %get3A_7 {offsets = [0, 0], sizes = [2000, 1], strides = [1, 1]} : vector<2000x16xf32> to vector<2000x1xf32>
    %get3A_8 = arith.constant 0 : index
    %get3A_9 = arith.constant 0 : index
    %get3A_10 = vector.load %arg3[%get3A_8, %get3A_9] : memref<2000x16xf32, #tpu.memory_space<vmem>>, vector<2000x16xf32>
    %slice3A_11 = vector.extract_strided_slice %get3A_10 {offsets = [0, 0], sizes = [2000, 1], strides = [1, 1]} : vector<2000x16xf32> to vector<2000x1xf32>
    %add3A_12 = arith.addf %slice3A, %slice3A_11 : vector<2000x1xf32>
    %max3A = arith.constant 1.000000e+00 : f32
    %max3A_13 = vector.broadcast %max3A : f32 to vector<2000x1xf32>
    %max3A_14 = arith.maximumf %add3A_12, %max3A_13 : vector<2000x1xf32>
    %rsqrt3A = math.rsqrt %max3A_14 : vector<2000x1xf32>
    %mul3A = vector.broadcast %rsqrt3A : vector<2000x1xf32> to vector<2000x128xf32>
    %mul3A_15 = arith.mulf %add3A, %mul3A : vector<2000x128xf32>
    %get3A_16 = arith.constant 0 : index
    %get3A_17 = arith.constant 0 : index
    %get3A_18 = vector.load %arg4[%get3A_16, %get3A_17] : memref<1x128xf32, #tpu.memory_space<vmem>>, vector<1x128xf32>
    %add3A_19 = vector.broadcast %get3A_18 : vector<1x128xf32> to vector<2000x128xf32>
    %add3A_20 = arith.addf %mul3A_15, %add3A_19 : vector<2000x128xf32>
    %swap3A = arith.constant 0 : index
    %swap3A_21 = arith.constant 0 : index
    %swap3A_22 = vector.load %arg5[%swap3A, %swap3A_21] : memref<2000x128xf32, #tpu.memory_space<vmem>>, vector<2000x128xf32>
    tpu.vector_store %arg5[%swap3A, %swap3A_21], %add3A_20 {strides = array<i32>} : memref<2000x128xf32, #tpu.memory_space<vmem>>, vector<2000x128xf32>,
    return
  }
}

</mosaic_0001>

<sc_bundles>
// kernel: kernel.11.cloned.1.call-start
scs
__scs_entry_jumppad:
0x0: {  	(pc) =	sbr.rel $0x88, $3  }
0x1: {  	(tag) =	ssettag $0x0;
	lr =	simm.s32 $0x1  }
0x2: {  	[smem:$0x3F95] =	sst lr;
	_ =	strace $0xD0000000  }
0x3: {  	_ = 	snop  }
0x4: {  	_ = 	snop  }
0x5: {  	_ = 	snop  }
0x6: {  	_ = 	snop  }
0x7: {  	_ = 	snop  }
__scs_overlays_trampoline_lowered:
0x8: {  	[smem:$0x3FA4] =	sst s0  }
0x9: {  	[smem:$0x3FA5] =	sst s1  }
0xa: {  	[smem:$0x3FA6] =	sst s2  }
0xb: {  	[smem:$0x3FA7] =	sst s3  }
0xc: {  	[smem:$0x3FA8] =	sst s4  }
0xd: {  	[smem:$0x3FA9] =	sst s5  }
0xe: {  	[smem:$0x3FAA] =	sst s6  }
0xf: {  	[smem:$0x3FAB] =	sst s7  }
0x10: {  	[smem:$0x3FAC] =	sst s8  }
0x11: {  	[smem:$0x3FAD] =	sst s9;
	s0 =	simm.s32 @!p0 $0x0  }
0x12: {  	s1 =	sld [smem:$0x3F93];
	s0 =	simm.s32 @p0 $0x1  }
0x13: {  	[smem:$0x3FAE] =	sst s0;
	s0 =	simm.s32 @!p1 $0x0  }
0x14: {  	s2 =	sld [smem:$0x3F92];
	s0 =	simm.s32 @p1 $0x1  }
0x15: {  	[smem:$0x3FAF] =	sst s0;
	s0 =	simm.s32 @!p2 $0x0  }
0x16: {  	s3 =	sld [smem:$0x3FDB];
	s0 =	simm.s32 @p2 $0x1  }
0x17: {  	s4 =	simm.s32 $0x1BF5;
	[smem:$0x3FB1] =	sst s0  }
0x18: {  	s0 =	sld [smem:$0x3F94];
	_ =	swait.ge [sflag:s4], $0x0  }
0x19: {  	s7 =	sld [smem:$0x3F95]  }
0x1a: {  	s8 =	sadd.s32 $0xFFFFE003, lr  }
0x1b: {  	s9 =	sadd.s32 $0xFFFFFEF7, lr;
	s5 =	simm.s32 $0xFFFFFFFF;
	p2 =	slt.u32 s8, $0xFFFFF086  }
0x1c: {  	p1 =	slt.u32 s9, $0xF7A;
	s5 =	simm.s32 @!p2 $0x0  }
0x1d: {  	s5 =	simm.s32 @p1 $0x1;
	p0 =	seq.s32 s7, s2  }
0x1e: {  	s7 =	smul.u32 @!p0 $0xF7A, s2;
	p2 =	seq.s32 @!p0 s5, $0x0  }
0x1f: {  	s9 =	smul.u32 $0xF7A, s1;
	s8 =	simm.s32 @!p0 $0x1BF5;
	p2 =	por !p2, p0  }
0x20: {  	[sflag:s8] =	ssyncset.s32 @!p0 $0xFFFFF086;
	s6 =	sadd.s32 @!p0 s3, s7;
	s7 =	simm.s32 @!p0 $0x108  }
0x21: {  	s3 =	sadd.s32 s3, s9;
	s6 =	sadd.s32 @!p0 $0x88, s6;
	s7 =	simm.s32 @p2 $0x1082  }
0x22: {  	[simem:s7], [sflag:s8] =	dma.local @!p0 [hbm:s6], $0xF7A  }
0x23: {  	s9 =	sor.u32 $0xD0000000, s2;
	s6 =	simm.s32 $0x108;
	_ =	swait.ge @!p0 [sflag:s8], $0x0  }
0x24: {  	s3 =	sadd.s32 $0x88, s3;
	s6 =	simm.s32 @!p1 $0x1082;
	[sflag:s4] =	ssyncset.s32 $0xFFFFF086  }
0x25: {  	[simem:s6], [sflag:s4] =	dma.local [hbm:s3], $0xF7A  }
0x26: {  	[smem:$0x3F95] =	sst s1;
	(tag) =	ssettag s2;
	_ =	strace s9  }
0x27: {  	s1 =	sld [smem:$0x3FA5]  }
0x28: {  	s2 =	sld [smem:$0x3FA6]  }
0x29: {  	s4 =	sld [smem:$0x3FA8]  }
0x2a: {  	p0 =	seq.s32 s5, $0x0;
	s5 =	sld [smem:$0x3FA9]  }
0x2b: {  	s6 =	sld [smem:$0x3FAA]  }
0x2c: {  	s7 =	sld [smem:$0x3FAB]  }
0x2d: {  	s3 =	simm.s32 $0x108;
	s8 =	sld [smem:$0x3FAC]  }
0x2e: {  	s3 =	simm.s32 @!p0 $0x1082;
	s9 =	sld [smem:$0x3FAD]  }
0x2f: {  	lr =	sadd.s32 s0, s3;
	s0 =	sld [smem:$0x3FA4]  }
0x30: {  	s3 =	sld [smem:$0x3FA7]  }
0x31: {  	[smem:$0x3FB0] =	sst s10  }
0x32: {  	s10 =	sld [smem:$0x3FAE];
	_ =	sdelay $0x3  }
0x33: {  	p0 =	seq.s32 s10, $0x1;
	s10 =	sld [smem:$0x3FB0];
	_ =	sdelay $0x3  }
0x34: {  	[smem:$0x3FB0] =	sst s10  }
0x35: {  	s10 =	sld [smem:$0x3FAF];
	_ =	sdelay $0x3  }
0x36: {  	p1 =	seq.s32 s10, $0x1;
	s10 =	sld [smem:$0x3FB0];
	_ =	sdelay $0x3  }
0x37: {  	[smem:$0x3FB0] =	sst s10  }
0x38: {  	s10 =	sld [smem:$0x3FB1]  }
0x39: {  	_ = 	snop;
	(pc) =	sbr.ind lr, $3  }
0x3a: {  	_ = 	snop  }
0x3b: {  	_ = 	snop  }
0x3c: {  	p2 =	seq.s32 s10, $0x1;
	s10 =	sld [smem:$0x3FB0]  }
0x3d: {  	_ =	shalt  }
0x3e: {  	_ =	shalt  }
0x3f: {  	_ =	shalt  }
0x40: {  	_ =	shalt  }
0x41: {  	_ =	shalt  }
0x42: {  	_ =	shalt  }
0x43: {  	_ =	shalt  }
0x44: {  	_ =	shalt  }
0x45: {  	_ =	shalt  }
0x46: {  	_ =	shalt  }
0x47: {  	_ =	shalt  }
0x48: {  	_ =	shalt  }
0x49: {  	_ =	shalt  }
0x4a: {  	_ =	shalt  }
0x4b: {  	_ =	shalt  }
0x4c: {  	_ =	shalt  }
0x4d: {  	_ =	shalt  }
0x4e: {  	_ =	shalt  }
0x4f: {  	_ =	shalt  }
0x50: {  	_ =	shalt  }
0x51: {  	_ =	shalt  }
0x52: {  	_ =	shalt  }
0x53: {  	_ =	shalt  }
0x54: {  	_ =	shalt  }
0x55: {  	_ =	shalt  }
0x56: {  	_ =	shalt  }
0x57: {  	_ =	shalt  }
0x58: {  	_ =	shalt  }
0x59: {  	_ =	shalt  }
0x5a: {  	_ =	shalt  }
0x5b: {  	_ =	shalt  }
0x5c: {  	_ =	shalt  }
0x5d: {  	_ =	shalt  }
0x5e: {  	_ =	shalt  }
0x5f: {  	_ =	shalt  }
0x60: {  	_ =	shalt  }
0x61: {  	_ =	shalt  }
0x62: {  	_ =	shalt  }
0x63: {  	_ =	shalt  }
0x64: {  	_ =	shalt  }
0x65: {  	_ =	shalt  }
0x66: {  	_ =	shalt  }
0x67: {  	_ =	shalt  }
0x68: {  	_ =	shalt  }
0x69: {  	_ =	shalt  }
0x6a: {  	_ =	shalt  }
0x6b: {  	_ =	shalt  }
0x6c: {  	_ =	shalt  }
0x6d: {  	_ =	shalt  }
0x6e: {  	_ =	shalt  }
0x6f: {  	_ =	shalt  }
0x70: {  	_ =	shalt  }
0x71: {  	_ =	shalt  }
0x72: {  	_ =	shalt  }
0x73: {  	_ =	shalt  }
0x74: {  	_ =	shalt  }
0x75: {  	_ =	shalt  }
0x76: {  	_ =	shalt  }
0x77: {  	_ =	shalt  }
0x78: {  	_ =	shalt  }
0x79: {  	_ =	shalt  }
0x7a: {  	_ =	shalt  }
0x7b: {  	_ =	shalt  }
0x7c: {  	_ =	shalt  }
0x7d: {  	_ =	shalt  }
0x7e: {  	_ =	shalt  }
0x7f: {  	_ =	shalt  }
0x80: {  	_ =	shalt  }
0x81: {  	_ =	shalt  }
0x82: {  	_ =	shalt  }
0x83: {  	_ =	shalt  }
0x84: {  	_ =	shalt  }
0x85: {  	_ =	shalt  }
0x86: {  	_ =	shalt  }
0x87: {  	_ =	shalt  }
.Lfunc_end0:
.L_simem_size_0:
called_computation.1_lowered:
.L_overlay_start_0:
0x88: {  	s2 =	sld [smem:$0x3FD9]  }
0x89: {  	s3 =	sld [smem:$0x3FFE];
	_ =	sdelay $0x1  }
0x8a: {  	s1 =	srdreg.scid  }
0x8b: {  	s0 =	sand.u32 $0x1, s1  }
0x8c: {  	s14 =	sshll.u32 s0, $0xA;
	s2 =	sadd.s32 s3, s2  }
0x8d: {  	s2 =	sadd.s32 s2, s14  }
0x8e: {  	[smem:$0x3FBC] =	sst s2  }
0x8f: {  	_ = 	snop  }
0x90: {  	s2 =	sld [smem:$0x3FD0];
	_ =	sdelay $0x2  }
0x91: {  	s15 =	simm.s32 $0xA;
	s4 =	simm.s32 $0x10  }
0x92: {  	[smem:s4], [sflag:s15] =	dma.local [hbm:s2], $0x1  }
0x93: {  	_ =	swait.eq [sflag:s15], $0x1  }
0x94: {  	[sflag:s15] =	ssyncset.done $0x0  }
0x95: {  	[sflag:s15] =	ssyncadd.s32 $0xFFFFFFFF  }
0x96: {  	s16 =	sld [smem:$0x11];
	(tm) =	ssettm $0x1  }
0x97: {  	s17 =	sld [smem:$0x3FFB];
	_ =	sdelay $0x3  }
0x98: {  	_ =	strace s17  }
0x99: {  	s3 =	sld [smem:$0x3FFC];
	_ =	sdelay $0x3  }
0x9a: {  	_ =	strace s3  }
0x9b: {  	s3 =	sld [smem:$0x3FFD];
	_ =	sdelay $0x3  }
0x9c: {  	_ =	strace s3  }
0x9d: {  	_ =	strace $0x8FFFFFFF  }
0x9e: {  	s18 =	sld [smem:$0x3FDB];
	_ =	sdelay $0x1  }
0x9f: {  	s19 =	simm.s32 $_scs_section_size  }
0xa0: {  	s5 =	simm.s32 $_size__tile_overlayer_lowered;
	s6 =	simm.s32 $_tile_overlayer_lowered  }
0xa1: {  	s22 =	simm.s32 $0x1BFF;
	s21 =	sshll.u32 s6, $0x1;
	s3 =	sadd.s32 s19, s18  }
0xa2: {  	s7 =	simm.s32 $0x0;
	s20 =	sshll.u32 s5, $0x1;
	s5 =	sadd.s32 s21, s3  }
0xa3: {  	[timem:s7], [sflag:s22] =	dma.local [hbm:s5], s20  }
0xa4: {  	_ =	swait.ge [sflag:s22], s20  }
0xa5: {  	s4 =	ssub.s32 $0x0, s20;
	[sflag:s22] =	ssyncset.done $0x0  }
0xa6: {  	[sflag:s22] =	ssyncadd.s32 s4;
	_ =	sdelay $0x1  }
0xa7: {  	s23 =	simm.s32 $0x1B8B  }
0xa8: {  	_ =	swait.ge [sflag:s23], $0x1  }
0xa9: {  	[sflag:s23] =	ssyncset.done $0x0  }
0xaa: {  	s25 =	simm.s32 $0x1B8E;
	s24 =	sld [smem:$0x3FFE];
	[sflag:s23] =	ssyncadd.s32 $0xFFFFFFFF  }
0xab: {  	s26 =	simm.s32 $execute0_lowered;
	[smem:$0x3FD2] =	sst s25  }
0xac: {  	s5 =	sshll.u32 s26, $0x1;
	_ =	strace $0x80000049;
	[dreg:$0x1] =	wrdreg $0xFFFFFFFF  }
0xad: {  	s28 =	simm.s32 $_size_execute0_lowered;
	s3 =	sadd.s32 s3, s5;
	[dreg:$0x0] =	wrdreg $0x0  }
0xae: {  	s5 =	sshll.u32 s28, $0x1;
	[dreg:$0x2] =	wrdreg s3  }
0xaf: {  	[dreg:$0x3] =	wrdreg s5  }
0xb0: {  	[dreg:$0x4] =	wrdreg $0xC0  }
0xb1: {  	_ =	task [dreg:s7], $0x5FFFF  }
0xb2: {  	[dreg:$0x1] =	wrdreg $0xFFFFFFFF  }
0xb3: {  	[dreg:$0x0] =	wrdreg $0x60  }
0xb4: {  	[dreg:$0x2] =	wrdreg s24  }
0xb5: {  	[dreg:$0x3] =	wrdreg s16  }
0xb6: {  	[dreg:$0x4] =	wrdreg $0x15C000  }
0xb7: {  	[dreg:$0x5] =	wrdreg $0x19C000  }
0xb8: {  	[dreg:$0x6] =	wrdreg $0x9  }
0xb9: {  	_ =	task.clear_ibuf [dreg:s7], $0x7FFFF;
	_ =	strace $0x90000049  }
0xba: {  	s29 =	simm.s32 $0x9;
	_ =	strace $0x8000004B  }
0xbb: {  	_ =	swait.ge [sflag:s29], $0x1  }
0xbc: {  	[sflag:s29] =	ssyncadd.s32 $0xFFFFFFFF  }
0xbd: {  	_ =	strace $0x9000004B  }
0xbe: {  	_ =	sfence  }
0xbf: {  	s30 =	sld [smem:$0x0];
	_ =	sdelay $0x2  }
0xc0: {  	s31 =	sshll.u32 s1, $0xD;
	s1 =	sshrl.u32 s1, $0x2  }
0xc1: {  	s3 =	sand.u32 $0x4000, s31;
	s1 =	sadd.s32 s1, s30  }
0xc2: {  	s0 =	sor.u32 s3, s0;
	s1 =	sshll.u32 s1, $0x11  }
0xc3: {  	s0 =	sor.u32 s1, s0  }
0xc4: {  	s0 =	sadd.s32 $0x8F2B, s0  }
0xc5: {  	[sflag:s0] =	ssyncadd.remote.s32 $0x1  }
0xc6: {  	_ =	sfence.sel $0xFFFF  }
0xc7: {  	[dreg:$0x0] =	wrdreg $0xFFFFFFFF;
	(pc) =	sbr.abs _section_cstart, $3  }
0xc8: {  	[dreg:$0x1] =	wrdreg $0xFFFFFFFF  }
0xc9: {  	_ =	task.clear_ibuf [dreg:s7], $0x2FFFF;
	_ =	strace $0x9FFFFFFF  }
0xca: {  	(tm) =	ssettm $0x7FFFFFFF  }
0xcb: {  	_ =	shalt  }
tec
execute0_lowered:
.L_overlay_start_1:
0x0: {  	(tag) =	ssettag $0x1  }
0x1: {  	s0 =	rddreg [dreg:$0x0]  }
0x2: {  	s1 =	rddreg [dreg:$0x1]  }
0x3: {  	s2 =	rddreg [dreg:$0x2];
	s4 =	srdreg.scid  }
0x4: {  	s3 =	rddreg [dreg:$0x3];
	s17 =	stileid.u32  }
0x5: {  	s21 =	simm.s32 $0x80;
	s22 =	simm.s32 $0x3C00;
	s28 =	simm.s32 $0x14C00  }
0x6: {  	s29 =	simm.s32 $0xFC00;
	s30 =	simm.s32 $0x15400;
	s31 =	simm.s32 $0x1  }
0x7: {  	s19 =	simm.s32 $0x0;
	s6 =	sand.u32 $0x1, s4;
	s8 =	smul.u32 $0x2800, s17  }
0x8: {  	s4 =	simm.s32 $0x0;
	s12 =	sshll.u32 s17, $0xB;
	s13 =	sshll.u32 s17, $0xE  }
0x9: {  	s23 =	sshll.u32 s17, $0x6;
	s5 =	sshll.u32 s6, $0x4;
	s7 =	smul.u32 $0x28000, s6  }
0xa: {  	[smem:$0x7FF] =	sst s4;
	s14 =	sshll.u32 s6, $0x12;
	s12 =	sadd.s32 s12, s0  }
0xb: {  	s6 =	ssub.s32 $0x2, s6;
	s24 =	sadd.s32 s13, s2;
	s5 =	sor.u32 s17, s5  }
0xc: {  	_ =	strace $0x8000004A;
	s15 =	sshrl.u32 s8, $0x3;
	s14 =	sor.u32 s13, s14  }
0xd: {  	s16 =	sshrl.u32 s6, $0x1;
	s12 =	sadd.s32 $0x6E000, s12;
	s17 =	simm.s32 $0x4  }
0xe: {  	s9 =	smul.u32 $0x280, s5;
	s7 =	sadd.s32 s8, s7;
	s5 =	sadd.s32 $0x82200, s0  }
0xf: {  	s15 =	sadd.s32 s15, s0;
	s14 =	sshrl.u32 s14, $0x3;
	s6 =	ssub.s32 s6, s16  }
0x10: {  	[dreg:$0x5] =	wrdreg s12;
	s8 =	sadd.s32 s8, s3;
	s16 =	sshrl.u32 s24, $0x3  }
0x11: {  	s24 =	simm.s32 $0x7C00;
	s10 =	sadd.s32 s7, s0;
	s14 =	sadd.s32 s14, s0  }
0x12: {  	s7 =	sshrl.u32 s7, $0x3;
	s25 =	sadd.s32 $0x19000, s15;
	s18 =	sshrl.u32 s8, $0x3  }
0x13: {  	s11 =	sadd.s32 s9, s0;
	s0 =	sadd.s32 s7, s0;
	s7 =	sor.u32 $0x1C04, s23  }
0x14: {  	[dreg:$0x6] =	wrdreg s25;
	s1 =	sadd.s32 s1, s9;
	s12 =	sadd.s32 $0xB3400, s14  }
0x15: {  	s14 =	smax.u32 s6, $0x1;
	s15 =	sadd.s32 $0x1E300, s10;
	s23 =	simm.s32 $0x13C00  }
0x16: {  	s25 =	simm.s32 $0x14400;
	[dreg:$0x7] =	wrdreg s1;
	s26 =	sadd.s32 $0xF000, s11  }
0x17: {  	s11 =	sadd.s32 $0xA000, s11;
	s13 =	sadd.s32 $0xA9400, s0;
	s0 =	simm.s32 $0x2  }
0x18: {  	s1 =	simm.s32 $0x3;
	[dreg:$0x8] =	wrdreg s26;
	s26 =	simm.s32 $0xBC00  }
.LBB2_1:
0x19: {  	s6 =	rddreg [dreg:$0x5]  }
0x1a: {  	[spmem:s16], [sflag:s7] =	dma.local [hbm:s6], $0x800  }
0x1b: {  	_ =	swait.ge [sflag:s17], $0x800  }
0x1c: {  	[sflag:s17] =	ssyncset.done $0x0  }
0x1d: {  	s9 =	rddreg [dreg:$0x6];
	[sflag:s17] =	ssyncadd.s32 $0xFFFFF800  }
0x1e: {  	[spmem:s18], [sflag:s7] =	dma.local [hbm:s9], $0x500  }
0x1f: {  	_ =	swait.ge [sflag:s17], $0x500  }
0x20: {  	[sflag:s17] =	ssyncset.done $0x0  }
0x21: {  	s10 =	rddreg [dreg:$0x7];
	[sflag:s17] =	ssyncadd.s32 $0xFFFFFB00  }
0x22: {  	[tilespmem:s4], [sflag:$0x4] =	stream.linear.gather [hbm4b:s10+s4], $0x1400, $0x38;
	[tilespmem:$0x1C400] =	vst v63  }
0x23: {  	_ =	swait.ge [sflag:s17], $0x1400  }
0x24: {  	[sflag:s17] =	ssyncset.done $0x0  }
0x25: {  	s8 =	simm.s32 $0x1400;
	s20 =	rddreg [dreg:$0x8];
	[sflag:s17] =	ssyncadd.s32 $0xFFFFEC00  }
0x26: {  	[tilespmem:s8], [sflag:$0x4] =	stream.linear.gather [hbm4b:s20+s4], $0x1400, $0x38;
	[tilespmem:$0x1C400] =	vst v63  }
0x27: {  	_ =	swait.ge [sflag:s17], $0x1400  }
0x28: {  	[sflag:s17] =	ssyncset.done $0x0  }
0x29: {  	s8 =	simm.s32 $0x2800;
	[sflag:s17] =	ssyncadd.s32 $0xFFFFEC00  }
0x2a: {  	[tilespmem:s8], [sflag:$0x4] =	stream.linear.gather [hbm4b:s11+s4], $0x1400, $0x38;
	[tilespmem:$0x1C400] =	vst v63  }
0x2b: {  	_ =	swait.ge [sflag:s17], $0x1400  }
0x2c: {  	[sflag:s17] =	ssyncset.done $0x0  }
0x2d: {  	[sflag:s17] =	ssyncadd.s32 $0xFFFFEC00  }
0x2e: {  	s9 =	simm.s32 $0x0;
	[bflag:$0x0] =	sbarrier.arrive $0xFFFF  }
0x2f: {  	[tilespmem:s22], [sflag:$0x1] =	stream.indirect.gather [hbm4b:s5+s21], $0x80, s9, s21, $0xb8;
	[tilespmem:$0x1C400] =	vst v63  }
0x30: {  	s10 =	sadd.s32 $0xFFFFFD00, s15  }
0x31: {  	[tilespmem:s23], [sflag:$0x2] =	stream.linear.gather [hbm4b:s10+s4], $0x800, $0x38;
	[tilespmem:$0x1C400] =	vst v63  }
0x32: {  	s20 =	simm.s32 $0x80  }
0x33: {  	[tilespmem:s24], [sflag:$0x1] =	stream.indirect.gather [hbm4b:s5+s21], $0x80, s20, s21, $0xb8;
	[tilespmem:$0x1C400] =	vst v63  }
0x34: {  	s8 =	sadd.s32 $0xFFFFFE00, s15  }
0x35: {  	[tilespmem:s25], [sflag:$0x2] =	stream.linear.gather [hbm4b:s8+s4], $0x800, $0x38;
	[tilespmem:$0x1C400] =	vst v63  }
0x36: {  	s9 =	simm.s32 $0x100  }
0x37: {  	[tilespmem:s26], [sflag:$0x1] =	stream.indirect.gather [hbm4b:s5+s21], $0x80, s9, s21, $0xb8;
	[tilespmem:$0x1C400] =	vst v63  }
0x38: {  	s10 =	sadd.s32 $0xFFFFFF00, s15  }
0x39: {  	[tilespmem:s28], [sflag:$0x2] =	stream.linear.gather [hbm4b:s10+s4], $0x800, $0x38;
	[tilespmem:$0x1C400] =	vst v63  }
0x3a: {  	s20 =	simm.s32 $0x180  }
0x3b: {  	[tilespmem:s29], [sflag:$0x1] =	stream.indirect.gather [hbm4b:s5+s21], $0x80, s20, s21, $0xb8;
	[tilespmem:$0x1C400] =	vst v63  }
0x3c: {  	_ = 	snop  }
0x3d: {  	[tilespmem:s30], [sflag:$0x2] =	stream.linear.gather [hbm4b:s15+s4], $0x800, $0x38;
	[tilespmem:$0x1C400] =	vst v63  }
0x3e: {  	_ =	swait.ge [sflag:s31], $0x4000  }
0x3f: {  	[sflag:s31] =	ssyncset.done $0x0  }
0x40: {  	s8 =	simm.s32 $0x1400;
	[sflag:s31] =	ssyncadd.s32 $0xFFFFC000  }
0x41: {  	[spmem:s2] =	stream.indirect.scatter.add.f32 [tilespmem:s22], [sflag:$0x3], $0x80, s8, s21, $0xb8;
	[tilespmem:$0x1C400] =	vst v63  }
0x42: {  	_ =	swait.ge [sflag:s31], $0x4000  }
0x43: {  	[sflag:s31] =	ssyncset.done $0x0  }
0x44: {  	s9 =	simm.s32 $0x1480;
	[sflag:s31] =	ssyncadd.s32 $0xFFFFC000  }
0x45: {  	[spmem:s2] =	stream.indirect.scatter.add.f32 [tilespmem:s24], [sflag:$0x3], $0x80, s9, s21, $0xb8;
	[tilespmem:$0x1C400] =	vst v63  }
0x46: {  	_ =	swait.ge [sflag:s31], $0x4000  }
0x47: {  	[sflag:s31] =	ssyncset.done $0x0  }
0x48: {  	s10 =	simm.s32 $0x1500;
	[sflag:s31] =	ssyncadd.s32 $0xFFFFC000  }
0x49: {  	[spmem:s2] =	stream.indirect.scatter.add.f32 [tilespmem:s26], [sflag:$0x3], $0x80, s10, s21, $0xb8;
	[tilespmem:$0x1C400] =	vst v63  }
0x4a: {  	_ =	swait.ge [sflag:s31], $0x4000  }
0x4b: {  	[sflag:s31] =	ssyncset.done $0x0  }
0x4c: {  	s20 =	simm.s32 $0x1580;
	[sflag:s31] =	ssyncadd.s32 $0xFFFFC000  }
0x4d: {  	[spmem:s2] =	stream.indirect.scatter.add.f32 [tilespmem:s29], [sflag:$0x3], $0x80, s20, s21, $0xb8;
	[tilespmem:$0x1C400] =	vst v63  }
0x4e: {  	_ =	swait.ge [sflag:s0], $0x800  }
0x4f: {  	[sflag:s0] =	ssyncset.done $0x0  }
0x50: {  	s8 =	simm.s32 $0x2800;
	[sflag:s0] =	ssyncadd.s32 $0xFFFFF800  }
0x51: {  	[spmem:s3] =	stream.indirect.scatter.add.f32 [tilespmem:s23], [sflag:$0x3], $0x10, s8, s21, $0xb8;
	[tilespmem:$0x1C400] =	vst v63  }
0x52: {  	_ =	swait.ge [sflag:s0], $0x800  }
0x53: {  	[sflag:s0] =	ssyncset.done $0x0  }
0x54: {  	s9 =	simm.s32 $0x2880;
	[sflag:s0] =	ssyncadd.s32 $0xFFFFF800  }
0x55: {  	[spmem:s3] =	stream.indirect.scatter.add.f32 [tilespmem:s25], [sflag:$0x3], $0x10, s9, s21, $0xb8;
	[tilespmem:$0x1C400] =	vst v63  }
0x56: {  	_ =	swait.ge [sflag:s0], $0x800  }
0x57: {  	[sflag:s0] =	ssyncset.done $0x0  }
0x58: {  	s10 =	simm.s32 $0x2900;
	[sflag:s0] =	ssyncadd.s32 $0xFFFFF800  }
0x59: {  	[spmem:s3] =	stream.indirect.scatter.add.f32 [tilespmem:s28], [sflag:$0x3], $0x10, s10, s21, $0xb8;
	[tilespmem:$0x1C400] =	vst v63  }
0x5a: {  	_ =	swait.ge [sflag:s0], $0x800  }
0x5b: {  	[sflag:s0] =	ssyncset.done $0x0  }
0x5c: {  	s20 =	simm.s32 $0x2980;
	[sflag:s0] =	ssyncadd.s32 $0xFFFFF800  }
0x5d: {  	[spmem:s3] =	stream.indirect.scatter.add.f32 [tilespmem:s30], [sflag:$0x3], $0x10, s20, s21, $0xb8;
	[tilespmem:$0x1C400] =	vst v63  }
0x5e: {  	_ =	swait.ge [sflag:s1], $0x4000  }
0x5f: {  	[sflag:s1] =	ssyncset.done $0x0  }
0x60: {  	[sflag:s1] =	ssyncadd.s32 $0xFFFFC000  }
0x61: {  	_ =	swait.ge [sflag:s1], $0x800  }
0x62: {  	[sflag:s1] =	ssyncset.done $0x0  }
0x63: {  	[sflag:s1] =	ssyncadd.s32 $0xFFFFF800  }
0x64: {  	_ =	swait.ge [sflag:s1], $0x4000  }
0x65: {  	[sflag:s1] =	ssyncset.done $0x0  }
0x66: {  	[sflag:s1] =	ssyncadd.s32 $0xFFFFC000  }
0x67: {  	_ =	swait.ge [sflag:s1], $0x800  }
0x68: {  	[sflag:s1] =	ssyncset.done $0x0  }
0x69: {  	[sflag:s1] =	ssyncadd.s32 $0xFFFFF800  }
0x6a: {  	_ =	swait.ge [sflag:s1], $0x4000  }
0x6b: {  	[sflag:s1] =	ssyncset.done $0x0  }
0x6c: {  	[sflag:s1] =	ssyncadd.s32 $0xFFFFC000  }
0x6d: {  	_ =	swait.ge [sflag:s1], $0x800  }
0x6e: {  	[sflag:s1] =	ssyncset.done $0x0  }
0x6f: {  	[sflag:s1] =	ssyncadd.s32 $0xFFFFF800  }
0x70: {  	_ =	swait.ge [sflag:s1], $0x4000  }
0x71: {  	[sflag:s1] =	ssyncset.done $0x0  }
0x72: {  	[sflag:s1] =	ssyncadd.s32 $0xFFFFC000  }
0x73: {  	s6 =	simm.s32 $0x800;
	_ =	swait.ge [sflag:s1], $0x800  }
0x74: {  	s8 =	simm.s32 $0x1000;
	s20 =	sadd.s32 $0x400, s15;
	[sflag:s1] =	ssyncset.done $0x0  }
.LBB2_2:
0x75: {  	s9 =	sshra.s32 s6, $0x2  }
0x76: {  	[sflag:s1] =	ssyncadd.s32 $0xFFFFF800;
	s6 =	smov.u32 s8;
	s10 =	sadd.s32 $0x800, s8  }
0x77: {  	[tilespmem:s22], [sflag:$0x1] =	stream.indirect.gather [hbm4b:s5+s21], $0x80, s9, s21, $0xb8;
	[tilespmem:$0x1C400] =	vst v63  }
0x78: {  	p0 =	sne.s32 s8, $0x4800;
	s8 =	sadd.s32 $0xFFFFFD00, s20  }
0x79: {  	[tilespmem:s23], [sflag:$0x2] =	stream.linear.gather [hbm4b:s8+s4], $0x800, $0x38;
	[tilespmem:$0x1C400] =	vst v63  }
0x7a: {  	s8 =	sadd.s32 $0x80, s9  }
0x7b: {  	[tilespmem:s24], [sflag:$0x1] =	stream.indirect.gather [hbm4b:s5+s21], $0x80, s8, s21, $0xb8;
	[tilespmem:$0x1C400] =	vst v63  }
0x7c: {  	s8 =	sadd.s32 $0xFFFFFE00, s20  }
0x7d: {  	[tilespmem:s25], [sflag:$0x2] =	stream.linear.gather [hbm4b:s8+s4], $0x800, $0x38;
	[tilespmem:$0x1C400] =	vst v63  }
0x7e: {  	s8 =	sadd.s32 $0x100, s9  }
0x7f: {  	[tilespmem:s26], [sflag:$0x1] =	stream.indirect.gather [hbm4b:s5+s21], $0x80, s8, s21, $0xb8;
	[tilespmem:$0x1C400] =	vst v63  }
0x80: {  	s8 =	sadd.s32 $0xFFFFFF00, s20  }
0x81: {  	[tilespmem:s28], [sflag:$0x2] =	stream.linear.gather [hbm4b:s8+s4], $0x800, $0x38;
	[tilespmem:$0x1C400] =	vst v63  }
0x82: {  	s8 =	sadd.s32 $0x180, s9  }
0x83: {  	[tilespmem:s29], [sflag:$0x1] =	stream.indirect.gather [hbm4b:s5+s21], $0x80, s8, s21, $0xb8;
	[tilespmem:$0x1C400] =	vst v63  }
0x84: {  	_ = 	snop  }
0x85: {  	[tilespmem:s30], [sflag:$0x2] =	stream.linear.gather [hbm4b:s20+s4], $0x800, $0x38;
	[tilespmem:$0x1C400] =	vst v63  }
0x86: {  	_ =	swait.ge [sflag:s31], $0x4000  }
0x87: {  	[sflag:s31] =	ssyncset.done $0x0  }
0x88: {  	s8 =	sadd.s32 $0x1400, s9;
	[sflag:s31] =	ssyncadd.s32 $0xFFFFC000  }
0x89: {  	[spmem:s2] =	stream.indirect.scatter.add.f32 [tilespmem:s22], [sflag:$0x3], $0x80, s8, s21, $0xb8;
	[tilespmem:$0x1C400] =	vst v63  }
0x8a: {  	_ =	swait.ge [sflag:s31], $0x4000  }
0x8b: {  	[sflag:s31] =	ssyncset.done $0x0  }
0x8c: {  	s8 =	sadd.s32 $0x1480, s9;
	[sflag:s31] =	ssyncadd.s32 $0xFFFFC000  }
0x8d: {  	[spmem:s2] =	stream.indirect.scatter.add.f32 [tilespmem:s24], [sflag:$0x3], $0x80, s8, s21, $0xb8;
	[tilespmem:$0x1C400] =	vst v63  }
0x8e: {  	_ =	swait.ge [sflag:s31], $0x4000  }
0x8f: {  	[sflag:s31] =	ssyncset.done $0x0  }
0x90: {  	s8 =	sadd.s32 $0x1500, s9;
	[sflag:s31] =	ssyncadd.s32 $0xFFFFC000  }
0x91: {  	[spmem:s2] =	stream.indirect.scatter.add.f32 [tilespmem:s26], [sflag:$0x3], $0x80, s8, s21, $0xb8;
	[tilespmem:$0x1C400] =	vst v63  }
0x92: {  	_ =	swait.ge [sflag:s31], $0x4000  }
0x93: {  	[sflag:s31] =	ssyncset.done $0x0  }
0x94: {  	s8 =	sadd.s32 $0x1580, s9;
	[sflag:s31] =	ssyncadd.s32 $0xFFFFC000  }
0x95: {  	[spmem:s2] =	stream.indirect.scatter.add.f32 [tilespmem:s29], [sflag:$0x3], $0x80, s8, s21, $0xb8;
	[tilespmem:$0x1C400] =	vst v63  }
0x96: {  	_ =	swait.ge [sflag:s0], $0x800  }
0x97: {  	[sflag:s0] =	ssyncset.done $0x0  }
0x98: {  	s8 =	sadd.s32 $0x2800, s9;
	[sflag:s0] =	ssyncadd.s32 $0xFFFFF800  }
0x99: {  	[spmem:s3] =	stream.indirect.scatter.add.f32 [tilespmem:s23], [sflag:$0x3], $0x10, s8, s21, $0xb8;
	[tilespmem:$0x1C400] =	vst v63  }
0x9a: {  	_ =	swait.ge [sflag:s0], $0x800  }
0x9b: {  	[sflag:s0] =	ssyncset.done $0x0  }
0x9c: {  	s8 =	sadd.s32 $0x2880, s9;
	[sflag:s0] =	ssyncadd.s32 $0xFFFFF800  }
0x9d: {  	[spmem:s3] =	stream.indirect.scatter.add.f32 [tilespmem:s25], [sflag:$0x3], $0x10, s8, s21, $0xb8;
	[tilespmem:$0x1C400] =	vst v63  }
0x9e: {  	_ =	swait.ge [sflag:s0], $0x800  }
0x9f: {  	[sflag:s0] =	ssyncset.done $0x0  }
0xa0: {  	s8 =	sadd.s32 $0x2900, s9;
	[sflag:s0] =	ssyncadd.s32 $0xFFFFF800  }
0xa1: {  	[spmem:s3] =	stream.indirect.scatter.add.f32 [tilespmem:s28], [sflag:$0x3], $0x10, s8, s21, $0xb8;
	[tilespmem:$0x1C400] =	vst v63  }
0xa2: {  	_ =	swait.ge [sflag:s0], $0x800  }
0xa3: {  	[sflag:s0] =	ssyncset.done $0x0  }
0xa4: {  	s8 =	sadd.s32 $0x2980, s9;
	[sflag:s0] =	ssyncadd.s32 $0xFFFFF800  }
0xa5: {  	[spmem:s3] =	stream.indirect.scatter.add.f32 [tilespmem:s30], [sflag:$0x3], $0x10, s8, s21, $0xb8;
	[tilespmem:$0x1C400] =	vst v63  }
0xa6: {  	_ =	swait.ge [sflag:s1], $0x4000  }
0xa7: {  	[sflag:s1] =	ssyncset.done $0x0  }
0xa8: {  	[sflag:s1] =	ssyncadd.s32 $0xFFFFC000  }
0xa9: {  	_ =	swait.ge [sflag:s1], $0x800  }
0xaa: {  	[sflag:s1] =	ssyncset.done $0x0  }
0xab: {  	[sflag:s1] =	ssyncadd.s32 $0xFFFFF800  }
0xac: {  	_ =	swait.ge [sflag:s1], $0x4000  }
0xad: {  	[sflag:s1] =	ssyncset.done $0x0  }
0xae: {  	[sflag:s1] =	ssyncadd.s32 $0xFFFFC000  }
0xaf: {  	_ =	swait.ge [sflag:s1], $0x800  }
0xb0: {  	[sflag:s1] =	ssyncset.done $0x0  }
0xb1: {  	[sflag:s1] =	ssyncadd.s32 $0xFFFFF800  }
0xb2: {  	_ =	swait.ge [sflag:s1], $0x4000  }
0xb3: {  	[sflag:s1] =	ssyncset.done $0x0  }
0xb4: {  	[sflag:s1] =	ssyncadd.s32 $0xFFFFC000  }
0xb5: {  	_ =	swait.ge [sflag:s1], $0x800  }
0xb6: {  	[sflag:s1] =	ssyncset.done $0x0  }
0xb7: {  	[sflag:s1] =	ssyncadd.s32 $0xFFFFF800  }
.Ltmp0:
0xb8: {  	_ =	swait.ge [sflag:s1], $0x4000;
	(pc) =	sbr.rel @p0 .LBB2_2-.Ltmp0, $4  }
0xb9: {  	[sflag:s1] =	ssyncset.done $0x0  }
0xba: {  	[sflag:s1] =	ssyncadd.s32 $0xFFFFC000  }
0xbb: {  	_ =	swait.ge [sflag:s1], $0x800  }
0xbc: {  	s20 =	sadd.s32 $0x400, s20;
	s8 =	smov.u32 s10;
	[sflag:s1] =	ssyncset.done $0x0  }
0xbd: {  	s6 =	sshra.s32 s6, $0x2;
	[sflag:s1] =	ssyncadd.s32 $0xFFFFF800  }
0xbe: {  	[tilespmem:s22], [sflag:$0x1] =	stream.indirect.gather [hbm4b:s5+s21], $0x80, s6, s21, $0xb8;
	[tilespmem:$0x1C400] =	vst v63  }
0xbf: {  	s8 =	sadd.s32 $0xFFFFFD00, s20  }
0xc0: {  	[tilespmem:s23], [sflag:$0x2] =	stream.linear.gather [hbm4b:s8+s4], $0x800, $0x38;
	[tilespmem:$0x1C400] =	vst v63  }
0xc1: {  	s10 =	sadd.s32 $0x80, s6  }
0xc2: {  	[tilespmem:s24], [sflag:$0x1] =	stream.indirect.gather [hbm4b:s5+s21], $0x80, s10, s21, $0xb8;
	[tilespmem:$0x1C400] =	vst v63  }
0xc3: {  	s9 =	sadd.s32 $0xFFFFFE00, s20  }
0xc4: {  	[tilespmem:s25], [sflag:$0x2] =	stream.linear.gather [hbm4b:s9+s4], $0x800, $0x38;
	[tilespmem:$0x1C400] =	vst v63  }
0xc5: {  	s10 =	sadd.s32 $0x100, s6  }
0xc6: {  	[tilespmem:s26], [sflag:$0x1] =	stream.indirect.gather [hbm4b:s5+s21], $0x80, s10, s21, $0xb8;
	[tilespmem:$0x1C400] =	vst v63  }
0xc7: {  	s9 =	sadd.s32 $0xFFFFFF00, s20  }
0xc8: {  	[tilespmem:s28], [sflag:$0x2] =	stream.linear.gather [hbm4b:s9+s4], $0x800, $0x38;
	[tilespmem:$0x1C400] =	vst v63  }
0xc9: {  	s10 =	sadd.s32 $0x180, s6  }
0xca: {  	[tilespmem:s29], [sflag:$0x1] =	stream.indirect.gather [hbm4b:s5+s21], $0x80, s10, s21, $0xb8;
	[tilespmem:$0x1C400] =	vst v63  }
0xcb: {  	_ = 	snop  }
0xcc: {  	[tilespmem:s30], [sflag:$0x2] =	stream.linear.gather [hbm4b:s20+s4], $0x800, $0x38;
	[tilespmem:$0x1C400] =	vst v63  }
0xcd: {  	_ =	swait.ge [sflag:s31], $0x4000  }
0xce: {  	[sflag:s31] =	ssyncset.done $0x0  }
0xcf: {  	s20 =	sadd.s32 $0x1400, s6;
	[sflag:s31] =	ssyncadd.s32 $0xFFFFC000  }
0xd0: {  	[spmem:s2] =	stream.indirect.scatter.add.f32 [tilespmem:s22], [sflag:$0x3], $0x80, s20, s21, $0xb8;
	[tilespmem:$0x1C400] =	vst v63  }
0xd1: {  	_ =	swait.ge [sflag:s31], $0x4000  }
0xd2: {  	[sflag:s31] =	ssyncset.done $0x0  }
0xd3: {  	s9 =	sadd.s32 $0x1480, s6;
	[sflag:s31] =	ssyncadd.s32 $0xFFFFC000  }
0xd4: {  	[spmem:s2] =	stream.indirect.scatter.add.f32 [tilespmem:s24], [sflag:$0x3], $0x80, s9, s21, $0xb8;
	[tilespmem:$0x1C400] =	vst v63  }
0xd5: {  	_ =	swait.ge [sflag:s31], $0x4000  }
0xd6: {  	[sflag:s31] =	ssyncset.done $0x0  }
0xd7: {  	s10 =	sadd.s32 $0x1500, s6;
	[sflag:s31] =	ssyncadd.s32 $0xFFFFC000  }
0xd8: {  	[spmem:s2] =	stream.indirect.scatter.add.f32 [tilespmem:s26], [sflag:$0x3], $0x80, s10, s21, $0xb8;
	[tilespmem:$0x1C400] =	vst v63  }
0xd9: {  	_ =	swait.ge [sflag:s31], $0x4000  }
0xda: {  	[sflag:s31] =	ssyncset.done $0x0  }
0xdb: {  	s20 =	sadd.s32 $0x1580, s6;
	[sflag:s31] =	ssyncadd.s32 $0xFFFFC000  }
0xdc: {  	[spmem:s2] =	stream.indirect.scatter.add.f32 [tilespmem:s29], [sflag:$0x3], $0x80, s20, s21, $0xb8;
	[tilespmem:$0x1C400] =	vst v63  }
0xdd: {  	_ =	swait.ge [sflag:s0], $0x800  }
0xde: {  	[sflag:s0] =	ssyncset.done $0x0  }
0xdf: {  	s9 =	sadd.s32 $0x2800, s6;
	[sflag:s0] =	ssyncadd.s32 $0xFFFFF800  }
0xe0: {  	[spmem:s3] =	stream.indirect.scatter.add.f32 [tilespmem:s23], [sflag:$0x3], $0x10, s9, s21, $0xb8;
	[tilespmem:$0x1C400] =	vst v63  }
0xe1: {  	_ =	swait.ge [sflag:s0], $0x800  }
0xe2: {  	[sflag:s0] =	ssyncset.done $0x0  }
0xe3: {  	s10 =	sadd.s32 $0x2880, s6;
	[sflag:s0] =	ssyncadd.s32 $0xFFFFF800  }
0xe4: {  	[spmem:s3] =	stream.indirect.scatter.add.f32 [tilespmem:s25], [sflag:$0x3], $0x10, s10, s21, $0xb8;
	[tilespmem:$0x1C400] =	vst v63  }
0xe5: {  	_ =	swait.ge [sflag:s0], $0x800  }
0xe6: {  	[sflag:s0] =	ssyncset.done $0x0  }
0xe7: {  	s20 =	sadd.s32 $0x2900, s6;
	[sflag:s0] =	ssyncadd.s32 $0xFFFFF800  }
0xe8: {  	[spmem:s3] =	stream.indirect.scatter.add.f32 [tilespmem:s28], [sflag:$0x3], $0x10, s20, s21, $0xb8;
	[tilespmem:$0x1C400] =	vst v63  }
0xe9: {  	_ =	swait.ge [sflag:s0], $0x800  }
0xea: {  	[sflag:s0] =	ssyncset.done $0x0  }
0xeb: {  	s6 =	sadd.s32 $0x2980, s6;
	[sflag:s0] =	ssyncadd.s32 $0xFFFFF800  }
0xec: {  	[spmem:s3] =	stream.indirect.scatter.add.f32 [tilespmem:s30], [sflag:$0x3], $0x10, s6, s21, $0xb8;
	[tilespmem:$0x1C400] =	vst v63  }
0xed: {  	_ =	swait.ge [sflag:s1], $0x4000  }
0xee: {  	[sflag:s1] =	ssyncset.done $0x0  }
0xef: {  	[sflag:s1] =	ssyncadd.s32 $0xFFFFC000  }
0xf0: {  	_ =	swait.ge [sflag:s1], $0x800  }
0xf1: {  	[sflag:s1] =	ssyncset.done $0x0  }
0xf2: {  	[sflag:s1] =	ssyncadd.s32 $0xFFFFF800  }
0xf3: {  	_ =	swait.ge [sflag:s1], $0x4000  }
0xf4: {  	[sflag:s1] =	ssyncset.done $0x0  }
0xf5: {  	[sflag:s1] =	ssyncadd.s32 $0xFFFFC000  }
0xf6: {  	_ =	swait.ge [sflag:s1], $0x800  }
0xf7: {  	[sflag:s1] =	ssyncset.done $0x0  }
0xf8: {  	[sflag:s1] =	ssyncadd.s32 $0xFFFFF800  }
0xf9: {  	_ =	swait.ge [sflag:s1], $0x4000  }
0xfa: {  	[sflag:s1] =	ssyncset.done $0x0  }
0xfb: {  	[sflag:s1] =	ssyncadd.s32 $0xFFFFC000  }
0xfc: {  	_ =	swait.ge [sflag:s1], $0x800  }
0xfd: {  	[sflag:s1] =	ssyncset.done $0x0  }
0xfe: {  	[sflag:s1] =	ssyncadd.s32 $0xFFFFF800  }
0xff: {  	_ =	swait.ge [sflag:s1], $0x4000  }
0x100: {  	[sflag:s1] =	ssyncset.done $0x0  }
0x101: {  	[sflag:s1] =	ssyncadd.s32 $0xFFFFC000  }
0x102: {  	_ =	swait.ge [sflag:s1], $0x800  }
0x103: {  	[sflag:s1] =	ssyncset.done $0x0  }
0x104: {  	[sflag:s1] =	ssyncadd.s32 $0xFFFFF800  }
0x105: {  	[bflag:$0x0] =	sbarrier.arrive $0xFFFF  }
0x106: {  	[hbm:s12], [sflag:s7] =	dma.local [spmem:s16], $0x800  }
0x107: {  	s19 =	sadd.s32 $0x1, s19;
	_ =	swait.ge [sflag:s17], $0x800  }
0x108: {  	p0 =	sne.s32 s19, s14;
	[sflag:s17] =	ssyncset.done $0x0  }
.Ltmp1:
0x109: {  	[sflag:s17] =	ssyncadd.s32 $0xFFFFF800;
	(pc) =	sbr.rel @p0 .LBB2_1-.Ltmp1, $4  }
0x10a: {  	[hbm:s13], [sflag:s7] =	dma.local [spmem:s18], $0x500  }
0x10b: {  	_ =	swait.ge [sflag:s17], $0x500  }
0x10c: {  	[sflag:s17] =	ssyncset.done $0x0  }
0x10d: {  	[sflag:s17] =	ssyncadd.s32 $0xFFFFFB00  }
0x10e: {  	_ =	sfence.sel $0x180000  }
0x10f: {  	[bflag:$0x0] =	sbarrier.arrive $0xFFFF  }
0x110: {  	_ =	strace $0x9000004A  }
0x111: {  	s0 =	stileid.u32;
	[bflag:$0x2] =	sbarrier.arrive $0xFFFF  }
0x112: {  	p0 =	sne.s32 s0, $0x0;
	s0 =	rddreg [dreg:$0x4]  }
0x113: {  	s0 =	sadd.s32 @!p0 $0x100000, s0  }
0x114: {  	[sflag:s0] =	ssyncadd.tile.s32 @!p0 $0x1;
	_ =	shalt  }
.Lfunc_end2:
_tile_overlayer_lowered:
.L_overlay_start_2:
0x115: {  	(tag) =	ssettag $0x2  }
0x116: {  	s0 =	rddreg [dreg:$0x0];
	s2 =	stileid.u32  }
0x117: {  	s1 =	rddreg [dreg:$0x1];
	p0 =	sne.s32 s2, $0x0  }
0x118: {  	s3 =	rddreg [dreg:$0x2];
	[bflag:$0x3] =	sbarrier.arrive $0xFFFF;
	s2 =	simm.s32 @!p0 $0x1C04  }
0x119: {  	[timem:s3], [sflag:s2] =	dma.local @!p0 [hbm:s0], s1  }
0x11a: {  	s0 =	simm.s32 @!p0 $0x4  }
0x11b: {  	_ =	swait.ge @!p0 [sflag:s0], s1  }
0x11c: {  	s1 =	ssub.s32 @!p0 $0x0, s1;
	[sflag:s0] =	ssyncset.done @!p0 $0x0  }
0x11d: {  	[sflag:s0] =	ssyncadd.s32 @!p0 s1  }
0x11e: {  	[bflag:$0x3] =	sbarrier.arrive $0xFFFF  }
0x11f: {  	_ =	shalt  }

// kernel: kernel.8.cloned.1.call-start
scs
__scs_entry_jumppad:
0x0: {  	(pc) =	sbr.rel $0x88, $3  }
0x1: {  	(tag) =	ssettag $0x0;
	lr =	simm.s32 $0x1  }
0x2: {  	[smem:$0x3F95] =	sst lr;
	_ =	strace $0xD0000000  }
0x3: {  	_ = 	snop  }
0x4: {  	_ = 	snop  }
0x5: {  	_ = 	snop  }
0x6: {  	_ = 	snop  }
0x7: {  	_ = 	snop  }
__scs_overlays_trampoline_lowered:
0x8: {  	[smem:$0x3FA4] =	sst s0  }
0x9: {  	[smem:$0x3FA5] =	sst s1  }
0xa: {  	[smem:$0x3FA6] =	sst s2  }
0xb: {  	[smem:$0x3FA7] =	sst s3  }
0xc: {  	[smem:$0x3FA8] =	sst s4  }
0xd: {  	[smem:$0x3FA9] =	sst s5  }
0xe: {  	[smem:$0x3FAA] =	sst s6  }
0xf: {  	[smem:$0x3FAB] =	sst s7  }
0x10: {  	[smem:$0x3FAC] =	sst s8  }
0x11: {  	[smem:$0x3FAD] =	sst s9;
	s0 =	simm.s32 @!p0 $0x0  }
0x12: {  	s1 =	sld [smem:$0x3F93];
	s0 =	simm.s32 @p0 $0x1  }
0x13: {  	[smem:$0x3FAE] =	sst s0;
	s0 =	simm.s32 @!p1 $0x0  }
0x14: {  	s2 =	sld [smem:$0x3F92];
	s0 =	simm.s32 @p1 $0x1  }
0x15: {  	[smem:$0x3FAF] =	sst s0;
	s0 =	simm.s32 @!p2 $0x0  }
0x16: {  	s3 =	sld [smem:$0x3FDB];
	s0 =	simm.s32 @p2 $0x1  }
0x17: {  	s4 =	simm.s32 $0x1BF5;
	[smem:$0x3FB1] =	sst s0  }
0x18: {  	s0 =	sld [smem:$0x3F94];
	_ =	swait.ge [sflag:s4], $0x0  }
0x19: {  	s7 =	sld [smem:$0x3F95]  }
0x1a: {  	s8 =	sadd.s32 $0xFFFFE003, lr  }
0x1b: {  	s9 =	sadd.s32 $0xFFFFFEF7, lr;
	s5 =	simm.s32 $0xFFFFFFFF;
	p2 =	slt.u32 s8, $0xFFFFF086  }
0x1c: {  	p1 =	slt.u32 s9, $0xF7A;
	s5 =	simm.s32 @!p2 $0x0  }
0x1d: {  	s5 =	simm.s32 @p1 $0x1;
	p0 =	seq.s32 s7, s2  }
0x1e: {  	s7 =	smul.u32 @!p0 $0xF7A, s2;
	p2 =	seq.s32 @!p0 s5, $0x0  }
0x1f: {  	s9 =	smul.u32 $0xF7A, s1;
	s8 =	simm.s32 @!p0 $0x1BF5;
	p2 =	por !p2, p0  }
0x20: {  	[sflag:s8] =	ssyncset.s32 @!p0 $0xFFFFF086;
	s6 =	sadd.s32 @!p0 s3, s7;
	s7 =	simm.s32 @!p0 $0x108  }
0x21: {  	s3 =	sadd.s32 s3, s9;
	s6 =	sadd.s32 @!p0 $0x88, s6;
	s7 =	simm.s32 @p2 $0x1082  }
0x22: {  	[simem:s7], [sflag:s8] =	dma.local @!p0 [hbm:s6], $0xF7A  }
0x23: {  	s9 =	sor.u32 $0xD0000000, s2;
	s6 =	simm.s32 $0x108;
	_ =	swait.ge @!p0 [sflag:s8], $0x0  }
0x24: {  	s3 =	sadd.s32 $0x88, s3;
	s6 =	simm.s32 @!p1 $0x1082;
	[sflag:s4] =	ssyncset.s32 $0xFFFFF086  }
0x25: {  	[simem:s6], [sflag:s4] =	dma.local [hbm:s3], $0xF7A  }
0x26: {  	[smem:$0x3F95] =	sst s1;
	(tag) =	ssettag s2;
	_ =	strace s9  }
0x27: {  	s1 =	sld [smem:$0x3FA5]  }
0x28: {  	s2 =	sld [smem:$0x3FA6]  }
0x29: {  	s4 =	sld [smem:$0x3FA8]  }
0x2a: {  	p0 =	seq.s32 s5, $0x0;
	s5 =	sld [smem:$0x3FA9]  }
0x2b: {  	s6 =	sld [smem:$0x3FAA]  }
0x2c: {  	s7 =	sld [smem:$0x3FAB]  }
0x2d: {  	s3 =	simm.s32 $0x108;
	s8 =	sld [smem:$0x3FAC]  }
0x2e: {  	s3 =	simm.s32 @!p0 $0x1082;
	s9 =	sld [smem:$0x3FAD]  }
0x2f: {  	lr =	sadd.s32 s0, s3;
	s0 =	sld [smem:$0x3FA4]  }
0x30: {  	s3 =	sld [smem:$0x3FA7]  }
0x31: {  	[smem:$0x3FB0] =	sst s10  }
0x32: {  	s10 =	sld [smem:$0x3FAE];
	_ =	sdelay $0x3  }
0x33: {  	p0 =	seq.s32 s10, $0x1;
	s10 =	sld [smem:$0x3FB0];
	_ =	sdelay $0x3  }
0x34: {  	[smem:$0x3FB0] =	sst s10  }
0x35: {  	s10 =	sld [smem:$0x3FAF];
	_ =	sdelay $0x3  }
0x36: {  	p1 =	seq.s32 s10, $0x1;
	s10 =	sld [smem:$0x3FB0];
	_ =	sdelay $0x3  }
0x37: {  	[smem:$0x3FB0] =	sst s10  }
0x38: {  	s10 =	sld [smem:$0x3FB1]  }
0x39: {  	_ = 	snop;
	(pc) =	sbr.ind lr, $3  }
0x3a: {  	_ = 	snop  }
0x3b: {  	_ = 	snop  }
0x3c: {  	p2 =	seq.s32 s10, $0x1;
	s10 =	sld [smem:$0x3FB0]  }
0x3d: {  	_ =	shalt  }
0x3e: {  	_ =	shalt  }
0x3f: {  	_ =	shalt  }
0x40: {  	_ =	shalt  }
0x41: {  	_ =	shalt  }
0x42: {  	_ =	shalt  }
0x43: {  	_ =	shalt  }
0x44: {  	_ =	shalt  }
0x45: {  	_ =	shalt  }
0x46: {  	_ =	shalt  }
0x47: {  	_ =	shalt  }
0x48: {  	_ =	shalt  }
0x49: {  	_ =	shalt  }
0x4a: {  	_ =	shalt  }
0x4b: {  	_ =	shalt  }
0x4c: {  	_ =	shalt  }
0x4d: {  	_ =	shalt  }
0x4e: {  	_ =	shalt  }
0x4f: {  	_ =	shalt  }
0x50: {  	_ =	shalt  }
0x51: {  	_ =	shalt  }
0x52: {  	_ =	shalt  }
0x53: {  	_ =	shalt  }
0x54: {  	_ =	shalt  }
0x55: {  	_ =	shalt  }
0x56: {  	_ =	shalt  }
0x57: {  	_ =	shalt  }
0x58: {  	_ =	shalt  }
0x59: {  	_ =	shalt  }
0x5a: {  	_ =	shalt  }
0x5b: {  	_ =	shalt  }
0x5c: {  	_ =	shalt  }
0x5d: {  	_ =	shalt  }
0x5e: {  	_ =	shalt  }
0x5f: {  	_ =	shalt  }
0x60: {  	_ =	shalt  }
0x61: {  	_ =	shalt  }
0x62: {  	_ =	shalt  }
0x63: {  	_ =	shalt  }
0x64: {  	_ =	shalt  }
0x65: {  	_ =	shalt  }
0x66: {  	_ =	shalt  }
0x67: {  	_ =	shalt  }
0x68: {  	_ =	shalt  }
0x69: {  	_ =	shalt  }
0x6a: {  	_ =	shalt  }
0x6b: {  	_ =	shalt  }
0x6c: {  	_ =	shalt  }
0x6d: {  	_ =	shalt  }
0x6e: {  	_ =	shalt  }
0x6f: {  	_ =	shalt  }
0x70: {  	_ =	shalt  }
0x71: {  	_ =	shalt  }
0x72: {  	_ =	shalt  }
0x73: {  	_ =	shalt  }
0x74: {  	_ =	shalt  }
0x75: {  	_ =	shalt  }
0x76: {  	_ =	shalt  }
0x77: {  	_ =	shalt  }
0x78: {  	_ =	shalt  }
0x79: {  	_ =	shalt  }
0x7a: {  	_ =	shalt  }
0x7b: {  	_ =	shalt  }
0x7c: {  	_ =	shalt  }
0x7d: {  	_ =	shalt  }
0x7e: {  	_ =	shalt  }
0x7f: {  	_ =	shalt  }
0x80: {  	_ =	shalt  }
0x81: {  	_ =	shalt  }
0x82: {  	_ =	shalt  }
0x83: {  	_ =	shalt  }
0x84: {  	_ =	shalt  }
0x85: {  	_ =	shalt  }
0x86: {  	_ =	shalt  }
0x87: {  	_ =	shalt  }
.Lfunc_end0:
.L_simem_size_0:
called_computation_lowered:
.L_overlay_start_0:
0x88: {  	s2 =	sld [smem:$0x3FD9]  }
0x89: {  	s3 =	sld [smem:$0x3FFE];
	_ =	sdelay $0x1  }
0x8a: {  	s1 =	srdreg.scid  }
0x8b: {  	s0 =	sand.u32 $0x1, s1  }
0x8c: {  	s14 =	sshll.u32 s0, $0xA;
	s2 =	sadd.s32 s3, s2  }
0x8d: {  	s2 =	sadd.s32 s2, s14  }
0x8e: {  	[smem:$0x3FBC] =	sst s2  }
0x8f: {  	_ = 	snop  }
0x90: {  	s2 =	sld [smem:$0x3FD0];
	_ =	sdelay $0x2  }
0x91: {  	s15 =	simm.s32 $0xA;
	s4 =	simm.s32 $0x10  }
0x92: {  	[smem:s4], [sflag:s15] =	dma.local [hbm:s2], $0x1  }
0x93: {  	_ =	swait.eq [sflag:s15], $0x1  }
0x94: {  	[sflag:s15] =	ssyncset.done $0x0  }
0x95: {  	[sflag:s15] =	ssyncadd.s32 $0xFFFFFFFF  }
0x96: {  	s16 =	sld [smem:$0x10];
	(tm) =	ssettm $0x1  }
0x97: {  	s17 =	sld [smem:$0x3FFB];
	_ =	sdelay $0x3  }
0x98: {  	_ =	strace s17  }
0x99: {  	s3 =	sld [smem:$0x3FFC];
	_ =	sdelay $0x3  }
0x9a: {  	_ =	strace s3  }
0x9b: {  	s3 =	sld [smem:$0x3FFD];
	_ =	sdelay $0x3  }
0x9c: {  	_ =	strace s3  }
0x9d: {  	_ =	strace $0x8FFFFFFF  }
0x9e: {  	s18 =	sld [smem:$0x3FDB];
	_ =	sdelay $0x1  }
0x9f: {  	s19 =	simm.s32 $_scs_section_size  }
0xa0: {  	s5 =	simm.s32 $_size__tile_overlayer_lowered;
	s6 =	simm.s32 $_tile_overlayer_lowered  }
0xa1: {  	s22 =	simm.s32 $0x1BFF;
	s21 =	sshll.u32 s6, $0x1;
	s3 =	sadd.s32 s19, s18  }
0xa2: {  	s7 =	simm.s32 $0x0;
	s20 =	sshll.u32 s5, $0x1;
	s5 =	sadd.s32 s21, s3  }
0xa3: {  	[timem:s7], [sflag:s22] =	dma.local [hbm:s5], s20  }
0xa4: {  	_ =	swait.ge [sflag:s22], s20  }
0xa5: {  	s4 =	ssub.s32 $0x0, s20;
	[sflag:s22] =	ssyncset.done $0x0  }
0xa6: {  	[sflag:s22] =	ssyncadd.s32 s4;
	_ =	sdelay $0x1  }
0xa7: {  	s23 =	simm.s32 $0x1B8B  }
0xa8: {  	_ =	swait.ge [sflag:s23], $0x1  }
0xa9: {  	[sflag:s23] =	ssyncset.done $0x0  }
0xaa: {  	s25 =	simm.s32 $0x1B8E;
	s24 =	sld [smem:$0x3FFE];
	[sflag:s23] =	ssyncadd.s32 $0xFFFFFFFF  }
0xab: {  	s26 =	simm.s32 $execute0_lowered;
	[smem:$0x3FD2] =	sst s25  }
0xac: {  	s5 =	sshll.u32 s26, $0x1;
	_ =	strace $0x80000046;
	[dreg:$0x1] =	wrdreg $0xFFFFFFFF  }
0xad: {  	s28 =	simm.s32 $_size_execute0_lowered;
	s3 =	sadd.s32 s3, s5;
	[dreg:$0x0] =	wrdreg $0x0  }
0xae: {  	s5 =	sshll.u32 s28, $0x1;
	[dreg:$0x2] =	wrdreg s3  }
0xaf: {  	[dreg:$0x3] =	wrdreg s5  }
0xb0: {  	[dreg:$0x4] =	wrdreg $0xC0  }
0xb1: {  	_ =	task [dreg:s7], $0x5FFFF  }
0xb2: {  	[dreg:$0x1] =	wrdreg $0xFFFFFFFF  }
0xb3: {  	[dreg:$0x0] =	wrdreg $0x60  }
0xb4: {  	[dreg:$0x2] =	wrdreg s24  }
0xb5: {  	[dreg:$0x3] =	wrdreg s16  }
0xb6: {  	[dreg:$0x4] =	wrdreg $0x78000  }
0xb7: {  	[dreg:$0x5] =	wrdreg $0xA8000  }
0xb8: {  	[dreg:$0x6] =	wrdreg $0xA0000  }
0xb9: {  	[dreg:$0x7] =	wrdreg $0x9  }
0xba: {  	_ =	task.clear_ibuf [dreg:s7], $0x8FFFF;
	_ =	strace $0x90000046  }
0xbb: {  	s29 =	simm.s32 $0x9;
	_ =	strace $0x80000048  }
0xbc: {  	_ =	swait.ge [sflag:s29], $0x1  }
0xbd: {  	[sflag:s29] =	ssyncadd.s32 $0xFFFFFFFF  }
0xbe: {  	_ =	strace $0x90000048  }
0xbf: {  	_ =	sfence  }
0xc0: {  	s30 =	sld [smem:$0x0];
	_ =	sdelay $0x2  }
0xc1: {  	s31 =	sshll.u32 s1, $0xD;
	s1 =	sshrl.u32 s1, $0x2  }
0xc2: {  	s3 =	sand.u32 $0x4000, s31;
	s1 =	sadd.s32 s1, s30  }
0xc3: {  	s0 =	sor.u32 s3, s0;
	s1 =	sshll.u32 s1, $0x11  }
0xc4: {  	s0 =	sor.u32 s1, s0  }
0xc5: {  	s0 =	sadd.s32 $0x8F2B, s0  }
0xc6: {  	[sflag:s0] =	ssyncadd.remote.s32 $0x1  }
0xc7: {  	_ =	sfence.sel $0xFFFF  }
0xc8: {  	[dreg:$0x0] =	wrdreg $0xFFFFFFFF;
	(pc) =	sbr.abs _section_cstart, $3  }
0xc9: {  	[dreg:$0x1] =	wrdreg $0xFFFFFFFF  }
0xca: {  	_ =	task.clear_ibuf [dreg:s7], $0x2FFFF;
	_ =	strace $0x9FFFFFFF  }
0xcb: {  	(tm) =	ssettm $0x7FFFFFFF  }
tec
execute0_lowered:
.L_overlay_start_1:
0x0: {  	(tag) =	ssettag $0x1  }
0x1: {  	s0 =	rddreg [dreg:$0x0]  }
0x2: {  	s1 =	srdreg.scid;
	s2 =	rddreg [dreg:$0x1]  }
0x3: {  	s16 =	stileid.u32;
	s3 =	rddreg [dreg:$0x3]  }
0x4: {  	s29 =	simm.s32 $0x80;
	s31 =	simm.s32 $0x5800;
	s28 =	simm.s32 $0x6800  }
0x5: {  	s30 =	simm.s32 $0x7000;
	s7 =	sand.u32 $0x1, s1;
	s1 =	rddreg [dreg:$0x2]  }
0x6: {  	s8 =	smul.u32 $0x2800, s16;
	s10 =	sadd.s32 $0x1E000, s0;
	s13 =	sadd.s32 $0x19000, s0  }
0x7: {  	s19 =	sshll.u32 s16, $0x6;
	s4 =	sshll.u32 s7, $0x4;
	s9 =	smul.u32 $0x28000, s7  }
0x8: {  	s12 =	ssub.s32 $0x2, s7;
	s7 =	sshll.u32 s7, $0xF;
	s5 =	sor.u32 s16, s4  }
0x9: {  	s4 =	rddreg [dreg:$0x4];
	s15 =	sshrl.u32 s12, $0x1;
	s17 =	sshrl.u32 s8, $0x3  }
0xa: {  	s18 =	sadd.s32 s8, s1;
	s6 =	smul.u32 $0x280, s5;
	s5 =	simm.s32 $0x0  }
0xb: {  	s9 =	sadd.s32 s8, s9;
	s12 =	ssub.s32 s12, s15;
	s15 =	sshll.u32 s16, $0xB  }
0xc: {  	s16 =	sshll.u32 s16, $0x8;
	s8 =	sadd.s32 s8, s3;
	[smem:$0x7FF] =	sst s5  }
0xd: {  	s14 =	sshrl.u32 s9, $0x3;
	s20 =	sadd.s32 s15, s4;
	s21 =	sadd.s32 s13, s16  }
0xe: {  	s7 =	sor.u32 s15, s7;
	_ =	strace $0x80000047;
	[dreg:$0x6] =	wrdreg s10  }
0xf: {  	s15 =	simm.s32 $0x1400;
	s11 =	sadd.s32 s6, s0;
	[dreg:$0x7] =	wrdreg s18  }
0x10: {  	s6 =	sadd.s32 $0x9000, s0;
	s14 =	sadd.s32 s14, s0;
	[dreg:$0x8] =	wrdreg s8  }
0x11: {  	s0 =	sadd.s32 s9, s0;
	s9 =	sadd.s32 s13, s17;
	[dreg:$0x9] =	wrdreg s20  }
0x12: {  	s10 =	sor.u32 $0x1C03, s19;
	[dreg:$0xa] =	wrdreg s21;
	s7 =	sshrl.u32 s7, $0x3  }
0x13: {  	s21 =	smax.u32 s12, $0x1;
	s8 =	simm.s32 $0x0;
	s22 =	sadd.s32 $0x4000, s11  }
0x14: {  	s23 =	sadd.s32 $0xF000, s11;
	s24 =	sadd.s32 $0xA000, s11;
	[dreg:$0xb] =	wrdreg s22  }
0x15: {  	s25 =	sadd.s32 $0x14000, s11;
	s26 =	sadd.s32 $0x1E200, s14;
	[dreg:$0xc] =	wrdreg s23  }
0x16: {  	s19 =	sadd.s32 $0x78200, s14;
	s20 =	sadd.s32 s2, s7;
	[dreg:$0xd] =	wrdreg s24  }
0x17: {  	s2 =	simm.s32 $0x6000;
	s7 =	simm.s32 $0x1;
	[dreg:$0xe] =	wrdreg s25  }
0x18: {  	[dreg:$0xf] =	wrdreg s26;
	s22 =	sadd.s32 $0x28500, s0;
	s23 =	simm.s32 $0x3  }
0x19: {  	s24 =	simm.s32 $0x5000;
	s26 =	simm.s32 $0x2800;
	s0 =	simm.s32 $0x2  }
.LBB2_1:
0x1a: {  	s11 =	rddreg [dreg:$0x7]  }
0x1b: {  	s11 =	sshrl.u32 s11, $0x3  }
0x1c: {  	[spmem:s11], [sflag:s10] =	dma.local [hbm:s9], $0x500  }
0x1d: {  	_ =	swait.ge [sflag:s23], $0x500  }
0x1e: {  	[sflag:s23] =	ssyncset.done $0x0;
	s12 =	rddreg [dreg:$0x8]  }
0x1f: {  	[sflag:s23] =	ssyncadd.s32 $0xFFFFFB00;
	s12 =	sshrl.u32 s12, $0x3  }
0x20: {  	[spmem:s12], [sflag:s10] =	dma.local [hbm:s9], $0x500  }
0x21: {  	_ =	swait.ge [sflag:s23], $0x500  }
0x22: {  	[sflag:s23] =	ssyncset.done $0x0;
	s13 =	rddreg [dreg:$0x9]  }
0x23: {  	s14 =	rddreg [dreg:$0xa];
	[sflag:s23] =	ssyncadd.s32 $0xFFFFFB00;
	s13 =	sshrl.u32 s13, $0x3  }
0x24: {  	[spmem:s13], [sflag:s10] =	dma.local [hbm:s14], $0x100  }
0x25: {  	_ =	swait.ge [sflag:s23], $0x100  }
0x26: {  	[sflag:s23] =	ssyncset.done $0x0  }
0x27: {  	s17 =	rddreg [dreg:$0x6];
	[sflag:s23] =	ssyncadd.s32 $0xFFFFFF00  }
0x28: {  	[tilespmem:s24], [sflag:$0x3] =	stream.linear.gather [hbm4b:s17+s5], $0x800, $0x38;
	[tilespmem:$0xD000] =	vst v63  }
0x29: {  	_ =	swait.ge [sflag:s23], $0x800  }
0x2a: {  	[sflag:s23] =	ssyncset.done $0x0  }
0x2b: {  	s18 =	rddreg [dreg:$0xb];
	[sflag:s23] =	ssyncadd.s32 $0xFFFFF800  }
0x2c: {  	[tilespmem:s5], [sflag:$0x3] =	stream.linear.gather [hbm4b:s18+s5], $0x1400, $0x38;
	[tilespmem:$0xD000] =	vst v63  }
0x2d: {  	_ =	swait.ge [sflag:s23], $0x1400  }
0x2e: {  	[sflag:s23] =	ssyncset.done $0x0  }
0x2f: {  	s25 =	rddreg [dreg:$0xc];
	[sflag:s23] =	ssyncadd.s32 $0xFFFFEC00  }
0x30: {  	[tilespmem:s15], [sflag:$0x3] =	stream.linear.gather [hbm4b:s25+s5], $0x1400, $0x38;
	[tilespmem:$0xD000] =	vst v63  }
0x31: {  	_ =	swait.ge [sflag:s23], $0x1400  }
0x32: {  	[sflag:s23] =	ssyncset.done $0x0  }
0x33: {  	s16 =	rddreg [dreg:$0xd];
	[sflag:s23] =	ssyncadd.s32 $0xFFFFEC00  }
0x34: {  	[tilespmem:s26], [sflag:$0x3] =	stream.linear.gather [hbm4b:s16+s5], $0x1400, $0x38;
	[tilespmem:$0xD000] =	vst v63  }
0x35: {  	_ =	swait.ge [sflag:s23], $0x1400  }
0x36: {  	[sflag:s23] =	ssyncset.done $0x0  }
0x37: {  	s16 =	simm.s32 $0x3C00;
	s17 =	rddreg [dreg:$0xe];
	[sflag:s23] =	ssyncadd.s32 $0xFFFFEC00  }
0x38: {  	[tilespmem:s16], [sflag:$0x3] =	stream.linear.gather [hbm4b:s17+s5], $0x1400, $0x38;
	[tilespmem:$0xD000] =	vst v63  }
0x39: {  	_ =	swait.ge [sflag:s23], $0x1400  }
0x3a: {  	[sflag:s23] =	ssyncset.done $0x0  }
0x3b: {  	[sflag:s23] =	ssyncadd.s32 $0xFFFFEC00  }
0x3c: {  	[bflag:$0x0] =	sbarrier.arrive $0xFFFF  }
0x3d: {  	[spmem:s1] =	stream.indirect.scatter.add.f32 [tilespmem:s24], [sflag:$0x2], $0x10, s5, s29, $0xb8;
	[tilespmem:$0xD000] =	vst v63  }
0x3e: {  	_ = 	snop  }
0x3f: {  	[spmem:s1] =	stream.indirect.scatter.add.f32 [tilespmem:s24], [sflag:$0x2], $0x10, s29, s29, $0xb8;
	[tilespmem:$0xD000] =	vst v63  }
0x40: {  	s18 =	simm.s32 $0x100  }
0x41: {  	[spmem:s1] =	stream.indirect.scatter.add.f32 [tilespmem:s24], [sflag:$0x2], $0x10, s18, s29, $0xb8;
	[tilespmem:$0xD000] =	vst v63  }
0x42: {  	s25 =	simm.s32 $0x180  }
0x43: {  	[spmem:s1] =	stream.indirect.scatter.add.f32 [tilespmem:s24], [sflag:$0x2], $0x10, s25, s29, $0xb8;
	[tilespmem:$0xD000] =	vst v63  }
0x44: {  	s16 =	simm.s32 $0x200  }
0x45: {  	[spmem:s1] =	stream.indirect.scatter.add.f32 [tilespmem:s24], [sflag:$0x2], $0x10, s16, s29, $0xb8;
	[tilespmem:$0xD000] =	vst v63  }
0x46: {  	s17 =	simm.s32 $0x280  }
0x47: {  	[spmem:s1] =	stream.indirect.scatter.add.f32 [tilespmem:s24], [sflag:$0x2], $0x10, s17, s29, $0xb8;
	[tilespmem:$0xD000] =	vst v63  }
0x48: {  	s18 =	simm.s32 $0x300  }
0x49: {  	[spmem:s1] =	stream.indirect.scatter.add.f32 [tilespmem:s24], [sflag:$0x2], $0x10, s18, s29, $0xb8;
	[tilespmem:$0xD000] =	vst v63  }
0x4a: {  	s25 =	simm.s32 $0x380  }
0x4b: {  	[spmem:s1] =	stream.indirect.scatter.add.f32 [tilespmem:s24], [sflag:$0x2], $0x10, s25, s29, $0xb8;
	[tilespmem:$0xD000] =	vst v63  }
0x4c: {  	s16 =	simm.s32 $0x400  }
0x4d: {  	[spmem:s1] =	stream.indirect.scatter.add.f32 [tilespmem:s24], [sflag:$0x2], $0x10, s16, s29, $0xb8;
	[tilespmem:$0xD000] =	vst v63  }
0x4e: {  	s17 =	simm.s32 $0x480  }
0x4f: {  	[spmem:s1] =	stream.indirect.scatter.add.f32 [tilespmem:s24], [sflag:$0x2], $0x10, s17, s29, $0xb8;
	[tilespmem:$0xD000] =	vst v63  }
0x50: {  	s18 =	simm.s32 $0x500  }
0x51: {  	[spmem:s1] =	stream.indirect.scatter.add.f32 [tilespmem:s24], [sflag:$0x2], $0x10, s18, s29, $0xb8;
	[tilespmem:$0xD000] =	vst v63  }
0x52: {  	s25 =	simm.s32 $0x580  }
0x53: {  	[spmem:s1] =	stream.indirect.scatter.add.f32 [tilespmem:s24], [sflag:$0x2], $0x10, s25, s29, $0xb8;
	[tilespmem:$0xD000] =	vst v63  }
0x54: {  	s16 =	simm.s32 $0x600  }
0x55: {  	[spmem:s1] =	stream.indirect.scatter.add.f32 [tilespmem:s24], [sflag:$0x2], $0x10, s16, s29, $0xb8;
	[tilespmem:$0xD000] =	vst v63  }
0x56: {  	s17 =	simm.s32 $0x680  }
0x57: {  	[spmem:s1] =	stream.indirect.scatter.add.f32 [tilespmem:s24], [sflag:$0x2], $0x10, s17, s29, $0xb8;
	[tilespmem:$0xD000] =	vst v63  }
0x58: {  	s18 =	simm.s32 $0x700  }
0x59: {  	[spmem:s1] =	stream.indirect.scatter.add.f32 [tilespmem:s24], [sflag:$0x2], $0x10, s18, s29, $0xb8;
	[tilespmem:$0xD000] =	vst v63  }
0x5a: {  	s25 =	simm.s32 $0x780  }
0x5b: {  	[spmem:s1] =	stream.indirect.scatter.add.f32 [tilespmem:s24], [sflag:$0x2], $0x10, s25, s29, $0xb8;
	[tilespmem:$0xD000] =	vst v63  }
0x5c: {  	s16 =	simm.s32 $0x800  }
0x5d: {  	[spmem:s1] =	stream.indirect.scatter.add.f32 [tilespmem:s24], [sflag:$0x2], $0x10, s16, s29, $0xb8;
	[tilespmem:$0xD000] =	vst v63  }
0x5e: {  	s17 =	simm.s32 $0x880  }
0x5f: {  	[spmem:s1] =	stream.indirect.scatter.add.f32 [tilespmem:s24], [sflag:$0x2], $0x10, s17, s29, $0xb8;
	[tilespmem:$0xD000] =	vst v63  }
0x60: {  	s18 =	simm.s32 $0x900  }
0x61: {  	[spmem:s1] =	stream.indirect.scatter.add.f32 [tilespmem:s24], [sflag:$0x2], $0x10, s18, s29, $0xb8;
	[tilespmem:$0xD000] =	vst v63  }
0x62: {  	s25 =	simm.s32 $0x980  }
0x63: {  	[spmem:s1] =	stream.indirect.scatter.add.f32 [tilespmem:s24], [sflag:$0x2], $0x10, s25, s29, $0xb8;
	[tilespmem:$0xD000] =	vst v63  }
0x64: {  	s16 =	simm.s32 $0xA00  }
0x65: {  	[spmem:s1] =	stream.indirect.scatter.add.f32 [tilespmem:s24], [sflag:$0x2], $0x10, s16, s29, $0xb8;
	[tilespmem:$0xD000] =	vst v63  }
0x66: {  	s17 =	simm.s32 $0xA80  }
0x67: {  	[spmem:s1] =	stream.indirect.scatter.add.f32 [tilespmem:s24], [sflag:$0x2], $0x10, s17, s29, $0xb8;
	[tilespmem:$0xD000] =	vst v63  }
0x68: {  	s18 =	simm.s32 $0xB00  }
0x69: {  	[spmem:s1] =	stream.indirect.scatter.add.f32 [tilespmem:s24], [sflag:$0x2], $0x10, s18, s29, $0xb8;
	[tilespmem:$0xD000] =	vst v63  }
0x6a: {  	s25 =	simm.s32 $0xB80  }
0x6b: {  	[spmem:s1] =	stream.indirect.scatter.add.f32 [tilespmem:s24], [sflag:$0x2], $0x10, s25, s29, $0xb8;
	[tilespmem:$0xD000] =	vst v63  }
0x6c: {  	s16 =	simm.s32 $0xC00  }
0x6d: {  	[spmem:s1] =	stream.indirect.scatter.add.f32 [tilespmem:s24], [sflag:$0x2], $0x10, s16, s29, $0xb8;
	[tilespmem:$0xD000] =	vst v63  }
0x6e: {  	s17 =	simm.s32 $0xC80  }
0x6f: {  	[spmem:s1] =	stream.indirect.scatter.add.f32 [tilespmem:s24], [sflag:$0x2], $0x10, s17, s29, $0xb8;
	[tilespmem:$0xD000] =	vst v63  }
0x70: {  	s18 =	simm.s32 $0xD00  }
0x71: {  	[spmem:s1] =	stream.indirect.scatter.add.f32 [tilespmem:s24], [sflag:$0x2], $0x10, s18, s29, $0xb8;
	[tilespmem:$0xD000] =	vst v63  }
0x72: {  	s25 =	simm.s32 $0xD80  }
0x73: {  	[spmem:s1] =	stream.indirect.scatter.add.f32 [tilespmem:s24], [sflag:$0x2], $0x10, s25, s29, $0xb8;
	[tilespmem:$0xD000] =	vst v63  }
0x74: {  	s16 =	simm.s32 $0xE00  }
0x75: {  	[spmem:s1] =	stream.indirect.scatter.add.f32 [tilespmem:s24], [sflag:$0x2], $0x10, s16, s29, $0xb8;
	[tilespmem:$0xD000] =	vst v63  }
0x76: {  	s17 =	simm.s32 $0xE80  }
0x77: {  	[spmem:s1] =	stream.indirect.scatter.add.f32 [tilespmem:s24], [sflag:$0x2], $0x10, s17, s29, $0xb8;
	[tilespmem:$0xD000] =	vst v63  }
0x78: {  	s18 =	simm.s32 $0xF00  }
0x79: {  	[spmem:s1] =	stream.indirect.scatter.add.f32 [tilespmem:s24], [sflag:$0x2], $0x10, s18, s29, $0xb8;
	[tilespmem:$0xD000] =	vst v63  }
0x7a: {  	s25 =	simm.s32 $0xF80  }
0x7b: {  	[spmem:s1] =	stream.indirect.scatter.add.f32 [tilespmem:s24], [sflag:$0x2], $0x10, s25, s29, $0xb8;
	[tilespmem:$0xD000] =	vst v63  }
0x7c: {  	s16 =	simm.s32 $0x1000  }
0x7d: {  	[spmem:s1] =	stream.indirect.scatter.add.f32 [tilespmem:s24], [sflag:$0x2], $0x10, s16, s29, $0xb8;
	[tilespmem:$0xD000] =	vst v63  }
0x7e: {  	s17 =	simm.s32 $0x1080  }
0x7f: {  	[spmem:s1] =	stream.indirect.scatter.add.f32 [tilespmem:s24], [sflag:$0x2], $0x10, s17, s29, $0xb8;
	[tilespmem:$0xD000] =	vst v63  }
0x80: {  	s18 =	simm.s32 $0x1100  }
0x81: {  	[spmem:s1] =	stream.indirect.scatter.add.f32 [tilespmem:s24], [sflag:$0x2], $0x10, s18, s29, $0xb8;
	[tilespmem:$0xD000] =	vst v63  }
0x82: {  	s25 =	simm.s32 $0x1180  }
0x83: {  	[spmem:s1] =	stream.indirect.scatter.add.f32 [tilespmem:s24], [sflag:$0x2], $0x10, s25, s29, $0xb8;
	[tilespmem:$0xD000] =	vst v63  }
0x84: {  	s16 =	simm.s32 $0x1200  }
0x85: {  	[spmem:s1] =	stream.indirect.scatter.add.f32 [tilespmem:s24], [sflag:$0x2], $0x10, s16, s29, $0xb8;
	[tilespmem:$0xD000] =	vst v63  }
0x86: {  	s17 =	simm.s32 $0x1280  }
0x87: {  	[spmem:s1] =	stream.indirect.scatter.add.f32 [tilespmem:s24], [sflag:$0x2], $0x10, s17, s29, $0xb8;
	[tilespmem:$0xD000] =	vst v63  }
0x88: {  	s18 =	simm.s32 $0x1300  }
0x89: {  	[spmem:s1] =	stream.indirect.scatter.add.f32 [tilespmem:s24], [sflag:$0x2], $0x10, s18, s29, $0xb8;
	[tilespmem:$0xD000] =	vst v63  }
0x8a: {  	s25 =	simm.s32 $0x1380  }
0x8b: {  	[spmem:s1] =	stream.indirect.scatter.add.f32 [tilespmem:s24], [sflag:$0x2], $0x10, s25, s29, $0xb8;
	[tilespmem:$0xD000] =	vst v63  }
0x8c: {  	_ =	swait.ge [sflag:s0], $0x800  }
0x8d: {  	s14 =	simm.s32 $0x27;
	[sflag:s0] =	ssyncset.done $0x0  }
.LBB2_2:
0x8e: {  	p0 =	sne.s32 s14, $0x1;
	s14 =	sadd.s32 $0xFFFFFFFF, s14;
	[sflag:s0] =	ssyncadd.s32 $0xFFFFF800  }
.Ltmp0:
0x8f: {  	(pc) =	sbr.rel @p0 .LBB2_2-.Ltmp0, $3  }
0x90: {  	_ =	sdelay $0x1  }
0x91: {  	_ =	swait.ge [sflag:s0], $0x800  }
0x92: {  	[sflag:s0] =	ssyncset.done $0x0  }
0x93: {  	[sflag:s0] =	ssyncadd.s32 $0xFFFFF800  }
0x94: {  	[spmem:s4] =	stream.indirect.scatter.add.f32 [tilespmem:s24], [sflag:$0x2], $0x10, s15, s29, $0xb8;
	[tilespmem:$0xD000] =	vst v63  }
0x95: {  	s14 =	simm.s32 $0x1480  }
0x96: {  	[spmem:s4] =	stream.indirect.scatter.add.f32 [tilespmem:s24], [sflag:$0x2], $0x10, s14, s29, $0xb8;
	[tilespmem:$0xD000] =	vst v63  }
0x97: {  	s17 =	simm.s32 $0x1500  }
0x98: {  	[spmem:s4] =	stream.indirect.scatter.add.f32 [tilespmem:s24], [sflag:$0x2], $0x10, s17, s29, $0xb8;
	[tilespmem:$0xD000] =	vst v63  }
0x99: {  	s18 =	simm.s32 $0x1580  }
0x9a: {  	[spmem:s4] =	stream.indirect.scatter.add.f32 [tilespmem:s24], [sflag:$0x2], $0x10, s18, s29, $0xb8;
	[tilespmem:$0xD000] =	vst v63  }
0x9b: {  	s25 =	simm.s32 $0x1600  }
0x9c: {  	[spmem:s4] =	stream.indirect.scatter.add.f32 [tilespmem:s24], [sflag:$0x2], $0x10, s25, s29, $0xb8;
	[tilespmem:$0xD000] =	vst v63  }
0x9d: {  	s15 =	simm.s32 $0x1680  }
0x9e: {  	[spmem:s4] =	stream.indirect.scatter.add.f32 [tilespmem:s24], [sflag:$0x2], $0x10, s15, s29, $0xb8;
	[tilespmem:$0xD000] =	vst v63  }
0x9f: {  	s16 =	simm.s32 $0x1700  }
0xa0: {  	[spmem:s4] =	stream.indirect.scatter.add.f32 [tilespmem:s24], [sflag:$0x2], $0x10, s16, s29, $0xb8;
	[tilespmem:$0xD000] =	vst v63  }
0xa1: {  	s17 =	simm.s32 $0x1780  }
0xa2: {  	[spmem:s4] =	stream.indirect.scatter.add.f32 [tilespmem:s24], [sflag:$0x2], $0x10, s17, s29, $0xb8;
	[tilespmem:$0xD000] =	vst v63  }
0xa3: {  	s18 =	simm.s32 $0x1800  }
0xa4: {  	[spmem:s4] =	stream.indirect.scatter.add.f32 [tilespmem:s24], [sflag:$0x2], $0x10, s18, s29, $0xb8;
	[tilespmem:$0xD000] =	vst v63  }
0xa5: {  	s25 =	simm.s32 $0x1880  }
0xa6: {  	[spmem:s4] =	stream.indirect.scatter.add.f32 [tilespmem:s24], [sflag:$0x2], $0x10, s25, s29, $0xb8;
	[tilespmem:$0xD000] =	vst v63  }
0xa7: {  	s15 =	simm.s32 $0x1900  }
0xa8: {  	[spmem:s4] =	stream.indirect.scatter.add.f32 [tilespmem:s24], [sflag:$0x2], $0x10, s15, s29, $0xb8;
	[tilespmem:$0xD000] =	vst v63  }
0xa9: {  	s16 =	simm.s32 $0x1980  }
0xaa: {  	[spmem:s4] =	stream.indirect.scatter.add.f32 [tilespmem:s24], [sflag:$0x2], $0x10, s16, s29, $0xb8;
	[tilespmem:$0xD000] =	vst v63  }
0xab: {  	s17 =	simm.s32 $0x1A00  }
0xac: {  	[spmem:s4] =	stream.indirect.scatter.add.f32 [tilespmem:s24], [sflag:$0x2], $0x10, s17, s29, $0xb8;
	[tilespmem:$0xD000] =	vst v63  }
0xad: {  	s18 =	simm.s32 $0x1A80  }
0xae: {  	[spmem:s4] =	stream.indirect.scatter.add.f32 [tilespmem:s24], [sflag:$0x2], $0x10, s18, s29, $0xb8;
	[tilespmem:$0xD000] =	vst v63  }
0xaf: {  	s25 =	simm.s32 $0x1B00  }
0xb0: {  	[spmem:s4] =	stream.indirect.scatter.add.f32 [tilespmem:s24], [sflag:$0x2], $0x10, s25, s29, $0xb8;
	[tilespmem:$0xD000] =	vst v63  }
0xb1: {  	s15 =	simm.s32 $0x1B80  }
0xb2: {  	[spmem:s4] =	stream.indirect.scatter.add.f32 [tilespmem:s24], [sflag:$0x2], $0x10, s15, s29, $0xb8;
	[tilespmem:$0xD000] =	vst v63  }
0xb3: {  	s16 =	simm.s32 $0x1C00  }
0xb4: {  	[spmem:s4] =	stream.indirect.scatter.add.f32 [tilespmem:s24], [sflag:$0x2], $0x10, s16, s29, $0xb8;
	[tilespmem:$0xD000] =	vst v63  }
0xb5: {  	s17 =	simm.s32 $0x1C80  }
0xb6: {  	[spmem:s4] =	stream.indirect.scatter.add.f32 [tilespmem:s24], [sflag:$0x2], $0x10, s17, s29, $0xb8;
	[tilespmem:$0xD000] =	vst v63  }
0xb7: {  	s18 =	simm.s32 $0x1D00  }
0xb8: {  	[spmem:s4] =	stream.indirect.scatter.add.f32 [tilespmem:s24], [sflag:$0x2], $0x10, s18, s29, $0xb8;
	[tilespmem:$0xD000] =	vst v63  }
0xb9: {  	s25 =	simm.s32 $0x1D80  }
0xba: {  	[spmem:s4] =	stream.indirect.scatter.add.f32 [tilespmem:s24], [sflag:$0x2], $0x10, s25, s29, $0xb8;
	[tilespmem:$0xD000] =	vst v63  }
0xbb: {  	s15 =	simm.s32 $0x1E00  }
0xbc: {  	[spmem:s4] =	stream.indirect.scatter.add.f32 [tilespmem:s24], [sflag:$0x2], $0x10, s15, s29, $0xb8;
	[tilespmem:$0xD000] =	vst v63  }
0xbd: {  	s16 =	simm.s32 $0x1E80  }
0xbe: {  	[spmem:s4] =	stream.indirect.scatter.add.f32 [tilespmem:s24], [sflag:$0x2], $0x10, s16, s29, $0xb8;
	[tilespmem:$0xD000] =	vst v63  }
0xbf: {  	s17 =	simm.s32 $0x1F00  }
0xc0: {  	[spmem:s4] =	stream.indirect.scatter.add.f32 [tilespmem:s24], [sflag:$0x2], $0x10, s17, s29, $0xb8;
	[tilespmem:$0xD000] =	vst v63  }
0xc1: {  	s18 =	simm.s32 $0x1F80  }
0xc2: {  	[spmem:s4] =	stream.indirect.scatter.add.f32 [tilespmem:s24], [sflag:$0x2], $0x10, s18, s29, $0xb8;
	[tilespmem:$0xD000] =	vst v63  }
0xc3: {  	s25 =	simm.s32 $0x2000  }
0xc4: {  	[spmem:s4] =	stream.indirect.scatter.add.f32 [tilespmem:s24], [sflag:$0x2], $0x10, s25, s29, $0xb8;
	[tilespmem:$0xD000] =	vst v63  }
0xc5: {  	s15 =	simm.s32 $0x2080  }
0xc6: {  	[spmem:s4] =	stream.indirect.scatter.add.f32 [tilespmem:s24], [sflag:$0x2], $0x10, s15, s29, $0xb8;
	[tilespmem:$0xD000] =	vst v63  }
0xc7: {  	s16 =	simm.s32 $0x2100  }
0xc8: {  	[spmem:s4] =	stream.indirect.scatter.add.f32 [tilespmem:s24], [sflag:$0x2], $0x10, s16, s29, $0xb8;
	[tilespmem:$0xD000] =	vst v63  }
0xc9: {  	s17 =	simm.s32 $0x2180  }
0xca: {  	[spmem:s4] =	stream.indirect.scatter.add.f32 [tilespmem:s24], [sflag:$0x2], $0x10, s17, s29, $0xb8;
	[tilespmem:$0xD000] =	vst v63  }
0xcb: {  	s18 =	simm.s32 $0x2200  }
0xcc: {  	[spmem:s4] =	stream.indirect.scatter.add.f32 [tilespmem:s24], [sflag:$0x2], $0x10, s18, s29, $0xb8;
	[tilespmem:$0xD000] =	vst v63  }
0xcd: {  	s25 =	simm.s32 $0x2280  }
0xce: {  	[spmem:s4] =	stream.indirect.scatter.add.f32 [tilespmem:s24], [sflag:$0x2], $0x10, s25, s29, $0xb8;
	[tilespmem:$0xD000] =	vst v63  }
0xcf: {  	s15 =	simm.s32 $0x2300  }
0xd0: {  	[spmem:s4] =	stream.indirect.scatter.add.f32 [tilespmem:s24], [sflag:$0x2], $0x10, s15, s29, $0xb8;
	[tilespmem:$0xD000] =	vst v63  }
0xd1: {  	s16 =	simm.s32 $0x2380  }
0xd2: {  	[spmem:s4] =	stream.indirect.scatter.add.f32 [tilespmem:s24], [sflag:$0x2], $0x10, s16, s29, $0xb8;
	[tilespmem:$0xD000] =	vst v63  }
0xd3: {  	s17 =	simm.s32 $0x2400  }
0xd4: {  	[spmem:s4] =	stream.indirect.scatter.add.f32 [tilespmem:s24], [sflag:$0x2], $0x10, s17, s29, $0xb8;
	[tilespmem:$0xD000] =	vst v63  }
0xd5: {  	s18 =	simm.s32 $0x2480  }
0xd6: {  	[spmem:s4] =	stream.indirect.scatter.add.f32 [tilespmem:s24], [sflag:$0x2], $0x10, s18, s29, $0xb8;
	[tilespmem:$0xD000] =	vst v63  }
0xd7: {  	s25 =	simm.s32 $0x2500  }
0xd8: {  	[spmem:s4] =	stream.indirect.scatter.add.f32 [tilespmem:s24], [sflag:$0x2], $0x10, s25, s29, $0xb8;
	[tilespmem:$0xD000] =	vst v63  }
0xd9: {  	s15 =	simm.s32 $0x2580  }
0xda: {  	[spmem:s4] =	stream.indirect.scatter.add.f32 [tilespmem:s24], [sflag:$0x2], $0x10, s15, s29, $0xb8;
	[tilespmem:$0xD000] =	vst v63  }
0xdb: {  	s16 =	simm.s32 $0x2600  }
0xdc: {  	[spmem:s4] =	stream.indirect.scatter.add.f32 [tilespmem:s24], [sflag:$0x2], $0x10, s16, s29, $0xb8;
	[tilespmem:$0xD000] =	vst v63  }
0xdd: {  	s17 =	simm.s32 $0x2680  }
0xde: {  	[spmem:s4] =	stream.indirect.scatter.add.f32 [tilespmem:s24], [sflag:$0x2], $0x10, s17, s29, $0xb8;
	[tilespmem:$0xD000] =	vst v63  }
0xdf: {  	s18 =	simm.s32 $0x2700  }
0xe0: {  	[spmem:s4] =	stream.indirect.scatter.add.f32 [tilespmem:s24], [sflag:$0x2], $0x10, s18, s29, $0xb8;
	[tilespmem:$0xD000] =	vst v63  }
0xe1: {  	s25 =	simm.s32 $0x2780  }
0xe2: {  	[spmem:s4] =	stream.indirect.scatter.add.f32 [tilespmem:s24], [sflag:$0x2], $0x10, s25, s29, $0xb8;
	[tilespmem:$0xD000] =	vst v63  }
0xe3: {  	_ =	swait.ge [sflag:s0], $0x800  }
0xe4: {  	s14 =	simm.s32 $0x27;
	[sflag:s0] =	ssyncset.done $0x0  }
.LBB2_4:
0xe5: {  	p0 =	sne.s32 s14, $0x1;
	s14 =	sadd.s32 $0xFFFFFFFF, s14;
	[sflag:s0] =	ssyncadd.s32 $0xFFFFF800  }
.Ltmp1:
0xe6: {  	(pc) =	sbr.rel @p0 .LBB2_4-.Ltmp1, $3  }
0xe7: {  	_ =	sdelay $0x1  }
0xe8: {  	_ =	swait.ge [sflag:s0], $0x800  }
0xe9: {  	[sflag:s0] =	ssyncset.done $0x0  }
0xea: {  	[sflag:s0] =	ssyncadd.s32 $0xFFFFF800  }
0xeb: {  	[spmem:s3] =	stream.indirect.scatter.add.f32 [tilespmem:s24], [sflag:$0x2], $0x10, s26, s29, $0xb8;
	[tilespmem:$0xD000] =	vst v63  }
0xec: {  	s14 =	simm.s32 $0x2880  }
0xed: {  	[spmem:s3] =	stream.indirect.scatter.add.f32 [tilespmem:s24], [sflag:$0x2], $0x10, s14, s29, $0xb8;
	[tilespmem:$0xD000] =	vst v63  }
0xee: {  	s17 =	simm.s32 $0x2900  }
0xef: {  	[spmem:s3] =	stream.indirect.scatter.add.f32 [tilespmem:s24], [sflag:$0x2], $0x10, s17, s29, $0xb8;
	[tilespmem:$0xD000] =	vst v63  }
0xf0: {  	s18 =	simm.s32 $0x2980  }
0xf1: {  	[spmem:s3] =	stream.indirect.scatter.add.f32 [tilespmem:s24], [sflag:$0x2], $0x10, s18, s29, $0xb8;
	[tilespmem:$0xD000] =	vst v63  }
0xf2: {  	s25 =	simm.s32 $0x2A00  }
0xf3: {  	[spmem:s3] =	stream.indirect.scatter.add.f32 [tilespmem:s24], [sflag:$0x2], $0x10, s25, s29, $0xb8;
	[tilespmem:$0xD000] =	vst v63  }
0xf4: {  	s15 =	simm.s32 $0x2A80  }
0xf5: {  	[spmem:s3] =	stream.indirect.scatter.add.f32 [tilespmem:s24], [sflag:$0x2], $0x10, s15, s29, $0xb8;
	[tilespmem:$0xD000] =	vst v63  }
0xf6: {  	s16 =	simm.s32 $0x2B00  }
0xf7: {  	[spmem:s3] =	stream.indirect.scatter.add.f32 [tilespmem:s24], [sflag:$0x2], $0x10, s16, s29, $0xb8;
	[tilespmem:$0xD000] =	vst v63  }
0xf8: {  	s17 =	simm.s32 $0x2B80  }
0xf9: {  	[spmem:s3] =	stream.indirect.scatter.add.f32 [tilespmem:s24], [sflag:$0x2], $0x10, s17, s29, $0xb8;
	[tilespmem:$0xD000] =	vst v63  }
0xfa: {  	s18 =	simm.s32 $0x2C00  }
0xfb: {  	[spmem:s3] =	stream.indirect.scatter.add.f32 [tilespmem:s24], [sflag:$0x2], $0x10, s18, s29, $0xb8;
	[tilespmem:$0xD000] =	vst v63  }
0xfc: {  	s25 =	simm.s32 $0x2C80  }
0xfd: {  	[spmem:s3] =	stream.indirect.scatter.add.f32 [tilespmem:s24], [sflag:$0x2], $0x10, s25, s29, $0xb8;
	[tilespmem:$0xD000] =	vst v63  }
0xfe: {  	s15 =	simm.s32 $0x2D00  }
0xff: {  	[spmem:s3] =	stream.indirect.scatter.add.f32 [tilespmem:s24], [sflag:$0x2], $0x10, s15, s29, $0xb8;
	[tilespmem:$0xD000] =	vst v63  }
0x100: {  	s16 =	simm.s32 $0x2D80  }
0x101: {  	[spmem:s3] =	stream.indirect.scatter.add.f32 [tilespmem:s24], [sflag:$0x2], $0x10, s16, s29, $0xb8;
	[tilespmem:$0xD000] =	vst v63  }
0x102: {  	s17 =	simm.s32 $0x2E00  }
0x103: {  	[spmem:s3] =	stream.indirect.scatter.add.f32 [tilespmem:s24], [sflag:$0x2], $0x10, s17, s29, $0xb8;
	[tilespmem:$0xD000] =	vst v63  }
0x104: {  	s18 =	simm.s32 $0x2E80  }
0x105: {  	[spmem:s3] =	stream.indirect.scatter.add.f32 [tilespmem:s24], [sflag:$0x2], $0x10, s18, s29, $0xb8;
	[tilespmem:$0xD000] =	vst v63  }
0x106: {  	s25 =	simm.s32 $0x2F00  }
0x107: {  	[spmem:s3] =	stream.indirect.scatter.add.f32 [tilespmem:s24], [sflag:$0x2], $0x10, s25, s29, $0xb8;
	[tilespmem:$0xD000] =	vst v63  }
0x108: {  	s15 =	simm.s32 $0x2F80  }
0x109: {  	[spmem:s3] =	stream.indirect.scatter.add.f32 [tilespmem:s24], [sflag:$0x2], $0x10, s15, s29, $0xb8;
	[tilespmem:$0xD000] =	vst v63  }
0x10a: {  	s16 =	simm.s32 $0x3000  }
0x10b: {  	[spmem:s3] =	stream.indirect.scatter.add.f32 [tilespmem:s24], [sflag:$0x2], $0x10, s16, s29, $0xb8;
	[tilespmem:$0xD000] =	vst v63  }
0x10c: {  	s17 =	simm.s32 $0x3080  }
0x10d: {  	[spmem:s3] =	stream.indirect.scatter.add.f32 [tilespmem:s24], [sflag:$0x2], $0x10, s17, s29, $0xb8;
	[tilespmem:$0xD000] =	vst v63  }
0x10e: {  	s18 =	simm.s32 $0x3100  }
0x10f: {  	[spmem:s3] =	stream.indirect.scatter.add.f32 [tilespmem:s24], [sflag:$0x2], $0x10, s18, s29, $0xb8;
	[tilespmem:$0xD000] =	vst v63  }
0x110: {  	s25 =	simm.s32 $0x3180  }
0x111: {  	[spmem:s3] =	stream.indirect.scatter.add.f32 [tilespmem:s24], [sflag:$0x2], $0x10, s25, s29, $0xb8;
	[tilespmem:$0xD000] =	vst v63  }
0x112: {  	s15 =	simm.s32 $0x3200  }
0x113: {  	[spmem:s3] =	stream.indirect.scatter.add.f32 [tilespmem:s24], [sflag:$0x2], $0x10, s15, s29, $0xb8;
	[tilespmem:$0xD000] =	vst v63  }
0x114: {  	s16 =	simm.s32 $0x3280  }
0x115: {  	[spmem:s3] =	stream.indirect.scatter.add.f32 [tilespmem:s24], [sflag:$0x2], $0x10, s16, s29, $0xb8;
	[tilespmem:$0xD000] =	vst v63  }
0x116: {  	s17 =	simm.s32 $0x3300  }
0x117: {  	[spmem:s3] =	stream.indirect.scatter.add.f32 [tilespmem:s24], [sflag:$0x2], $0x10, s17, s29, $0xb8;
	[tilespmem:$0xD000] =	vst v63  }
0x118: {  	s18 =	simm.s32 $0x3380  }
0x119: {  	[spmem:s3] =	stream.indirect.scatter.add.f32 [tilespmem:s24], [sflag:$0x2], $0x10, s18, s29, $0xb8;
	[tilespmem:$0xD000] =	vst v63  }
0x11a: {  	s25 =	simm.s32 $0x3400  }
0x11b: {  	[spmem:s3] =	stream.indirect.scatter.add.f32 [tilespmem:s24], [sflag:$0x2], $0x10, s25, s29, $0xb8;
	[tilespmem:$0xD000] =	vst v63  }
0x11c: {  	s15 =	simm.s32 $0x3480  }
0x11d: {  	[spmem:s3] =	stream.indirect.scatter.add.f32 [tilespmem:s24], [sflag:$0x2], $0x10, s15, s29, $0xb8;
	[tilespmem:$0xD000] =	vst v63  }
0x11e: {  	s16 =	simm.s32 $0x3500  }
0x11f: {  	[spmem:s3] =	stream.indirect.scatter.add.f32 [tilespmem:s24], [sflag:$0x2], $0x10, s16, s29, $0xb8;
	[tilespmem:$0xD000] =	vst v63  }
0x120: {  	s17 =	simm.s32 $0x3580  }
0x121: {  	[spmem:s3] =	stream.indirect.scatter.add.f32 [tilespmem:s24], [sflag:$0x2], $0x10, s17, s29, $0xb8;
	[tilespmem:$0xD000] =	vst v63  }
0x122: {  	s18 =	simm.s32 $0x3600  }
0x123: {  	[spmem:s3] =	stream.indirect.scatter.add.f32 [tilespmem:s24], [sflag:$0x2], $0x10, s18, s29, $0xb8;
	[tilespmem:$0xD000] =	vst v63  }
0x124: {  	s25 =	simm.s32 $0x3680  }
0x125: {  	[spmem:s3] =	stream.indirect.scatter.add.f32 [tilespmem:s24], [sflag:$0x2], $0x10, s25, s29, $0xb8;
	[tilespmem:$0xD000] =	vst v63  }
0x126: {  	s15 =	simm.s32 $0x3700  }
0x127: {  	[spmem:s3] =	stream.indirect.scatter.add.f32 [tilespmem:s24], [sflag:$0x2], $0x10, s15, s29, $0xb8;
	[tilespmem:$0xD000] =	vst v63  }
0x128: {  	s16 =	simm.s32 $0x3780  }
0x129: {  	[spmem:s3] =	stream.indirect.scatter.add.f32 [tilespmem:s24], [sflag:$0x2], $0x10, s16, s29, $0xb8;
	[tilespmem:$0xD000] =	vst v63  }
0x12a: {  	s17 =	simm.s32 $0x3800  }
0x12b: {  	[spmem:s3] =	stream.indirect.scatter.add.f32 [tilespmem:s24], [sflag:$0x2], $0x10, s17, s29, $0xb8;
	[tilespmem:$0xD000] =	vst v63  }
0x12c: {  	s18 =	simm.s32 $0x3880  }
0x12d: {  	[spmem:s3] =	stream.indirect.scatter.add.f32 [tilespmem:s24], [sflag:$0x2], $0x10, s18, s29, $0xb8;
	[tilespmem:$0xD000] =	vst v63  }
0x12e: {  	s25 =	simm.s32 $0x3900  }
0x12f: {  	[spmem:s3] =	stream.indirect.scatter.add.f32 [tilespmem:s24], [sflag:$0x2], $0x10, s25, s29, $0xb8;
	[tilespmem:$0xD000] =	vst v63  }
0x130: {  	s15 =	simm.s32 $0x3980  }
0x131: {  	[spmem:s3] =	stream.indirect.scatter.add.f32 [tilespmem:s24], [sflag:$0x2], $0x10, s15, s29, $0xb8;
	[tilespmem:$0xD000] =	vst v63  }
0x132: {  	s16 =	simm.s32 $0x3A00  }
0x133: {  	[spmem:s3] =	stream.indirect.scatter.add.f32 [tilespmem:s24], [sflag:$0x2], $0x10, s16, s29, $0xb8;
	[tilespmem:$0xD000] =	vst v63  }
0x134: {  	s17 =	simm.s32 $0x3A80  }
0x135: {  	[spmem:s3] =	stream.indirect.scatter.add.f32 [tilespmem:s24], [sflag:$0x2], $0x10, s17, s29, $0xb8;
	[tilespmem:$0xD000] =	vst v63  }
0x136: {  	s18 =	simm.s32 $0x3B00  }
0x137: {  	[spmem:s3] =	stream.indirect.scatter.add.f32 [tilespmem:s24], [sflag:$0x2], $0x10, s18, s29, $0xb8;
	[tilespmem:$0xD000] =	vst v63  }
0x138: {  	s14 =	simm.s32 $0x28;
	s25 =	simm.s32 $0x3B80  }
0x139: {  	[spmem:s3] =	stream.indirect.scatter.add.f32 [tilespmem:s24], [sflag:$0x2], $0x10, s25, s29, $0xb8;
	[tilespmem:$0xD000] =	vst v63  }
.LBB2_6:
0x13a: {  	p0 =	sne.s32 s14, $0x1  }
.Ltmp2:
0x13b: {  	_ = 	snop;
	(pc) =	sbr.rel @p0 .LBB2_6-.Ltmp2, $4  }
0x13c: {  	_ = 	snop  }
0x13d: {  	_ =	swait.ge [sflag:s0], $0x800  }
0x13e: {  	[sflag:s0] =	ssyncset.done $0x0  }
0x13f: {  	s14 =	sadd.s32 $0xFFFFFFFF, s14;
	[sflag:s0] =	ssyncadd.s32 $0xFFFFF800  }
0x140: {  	s14 =	simm.s32 $0x3C00  }
0x141: {  	[tilespmem:s31], [sflag:$0x1] =	stream.indirect.gather [hbm4b:s6+s29], $0x10, s14, s29, $0xb8;
	[tilespmem:$0xD000] =	vst v63  }
0x142: {  	s25 =	simm.s32 $0x3C80  }
0x143: {  	[tilespmem:s2], [sflag:$0x1] =	stream.indirect.gather [hbm4b:s6+s29], $0x10, s25, s29, $0xb8;
	[tilespmem:$0xD000] =	vst v63  }
0x144: {  	s15 =	simm.s32 $0x3D00  }
0x145: {  	[tilespmem:s28], [sflag:$0x1] =	stream.indirect.gather [hbm4b:s6+s29], $0x10, s15, s29, $0xb8;
	[tilespmem:$0xD000] =	vst v63  }
0x146: {  	s16 =	simm.s32 $0x3D80  }
0x147: {  	[tilespmem:s30], [sflag:$0x1] =	stream.indirect.gather [hbm4b:s6+s29], $0x10, s16, s29, $0xb8;
	[tilespmem:$0xD000] =	vst v63  }
0x148: {  	_ =	swait.ge [sflag:s7], $0x800  }
0x149: {  	[sflag:s7] =	ssyncset.done $0x0  }
0x14a: {  	s17 =	sadd.s32 $0xFFFFFD00, s22;
	[sflag:s7] =	ssyncadd.s32 $0xFFFFF800  }
0x14b: {  	[hbm4b:s17+s5] =	stream.linear.scatter [tilespmem:s31], [sflag:$0x2], $0x800, $0x38;
	[tilespmem:$0xD000] =	vst v63  }
0x14c: {  	_ =	swait.ge [sflag:s7], $0x800  }
0x14d: {  	[sflag:s7] =	ssyncset.done $0x0  }
0x14e: {  	s18 =	sadd.s32 $0xFFFFFE00, s22;
	[sflag:s7] =	ssyncadd.s32 $0xFFFFF800  }
0x14f: {  	[hbm4b:s18+s5] =	stream.linear.scatter [tilespmem:s2], [sflag:$0x2], $0x800, $0x38;
	[tilespmem:$0xD000] =	vst v63  }
0x150: {  	_ =	swait.ge [sflag:s7], $0x800  }
0x151: {  	[sflag:s7] =	ssyncset.done $0x0  }
0x152: {  	s25 =	sadd.s32 $0xFFFFFF00, s22;
	[sflag:s7] =	ssyncadd.s32 $0xFFFFF800  }
0x153: {  	[hbm4b:s25+s5] =	stream.linear.scatter [tilespmem:s28], [sflag:$0x2], $0x800, $0x38;
	[tilespmem:$0xD000] =	vst v63  }
0x154: {  	_ =	swait.ge [sflag:s7], $0x800  }
0x155: {  	[sflag:s7] =	ssyncset.done $0x0  }
0x156: {  	[sflag:s7] =	ssyncadd.s32 $0xFFFFF800  }
0x157: {  	[hbm4b:s22+s5] =	stream.linear.scatter [tilespmem:s30], [sflag:$0x2], $0x800, $0x38;
	[tilespmem:$0xD000] =	vst v63  }
0x158: {  	_ =	swait.ge [sflag:s0], $0x800  }
0x159: {  	[sflag:s0] =	ssyncset.done $0x0  }
0x15a: {  	[sflag:s0] =	ssyncadd.s32 $0xFFFFF800  }
0x15b: {  	_ =	swait.ge [sflag:s0], $0x800  }
0x15c: {  	[sflag:s0] =	ssyncset.done $0x0  }
0x15d: {  	[sflag:s0] =	ssyncadd.s32 $0xFFFFF800  }
0x15e: {  	_ =	swait.ge [sflag:s0], $0x800  }
0x15f: {  	[sflag:s0] =	ssyncset.done $0x0  }
0x160: {  	[sflag:s0] =	ssyncadd.s32 $0xFFFFF800  }
0x161: {  	s14 =	sadd.s32 $0x400, s22;
	_ =	swait.ge [sflag:s0], $0x800  }
0x162: {  	s15 =	simm.s32 $0x1000;
	s17 =	simm.s32 $0x200;
	[sflag:s0] =	ssyncset.done $0x0  }
.LBB2_8:
0x163: {  	s18 =	sadd.s32 $0x3C00, s17  }
0x164: {  	[sflag:s0] =	ssyncadd.s32 $0xFFFFF800;
	s16 =	smov.u32 s15;
	s25 =	sadd.s32 $0x800, s15  }
0x165: {  	[tilespmem:s31], [sflag:$0x1] =	stream.indirect.gather [hbm4b:s6+s29], $0x10, s18, s29, $0xb8;
	[tilespmem:$0xD000] =	vst v63  }
0x166: {  	p0 =	sne.s32 s15, $0x4800;
	s15 =	sadd.s32 $0x3C80, s17  }
0x167: {  	[tilespmem:s2], [sflag:$0x1] =	stream.indirect.gather [hbm4b:s6+s29], $0x10, s15, s29, $0xb8;
	[tilespmem:$0xD000] =	vst v63  }
0x168: {  	s15 =	sadd.s32 $0x3D00, s17  }
0x169: {  	[tilespmem:s28], [sflag:$0x1] =	stream.indirect.gather [hbm4b:s6+s29], $0x10, s15, s29, $0xb8;
	[tilespmem:$0xD000] =	vst v63  }
0x16a: {  	s15 =	sadd.s32 $0x3D80, s17  }
0x16b: {  	[tilespmem:s30], [sflag:$0x1] =	stream.indirect.gather [hbm4b:s6+s29], $0x10, s15, s29, $0xb8;
	[tilespmem:$0xD000] =	vst v63  }
0x16c: {  	_ =	swait.ge [sflag:s7], $0x800  }
0x16d: {  	[sflag:s7] =	ssyncset.done $0x0  }
0x16e: {  	s15 =	sadd.s32 $0xFFFFFD00, s14;
	[sflag:s7] =	ssyncadd.s32 $0xFFFFF800  }
0x16f: {  	[hbm4b:s15+s5] =	stream.linear.scatter [tilespmem:s31], [sflag:$0x2], $0x800, $0x38;
	[tilespmem:$0xD000] =	vst v63  }
0x170: {  	_ =	swait.ge [sflag:s7], $0x800  }
0x171: {  	[sflag:s7] =	ssyncset.done $0x0  }
0x172: {  	s15 =	sadd.s32 $0xFFFFFE00, s14;
	[sflag:s7] =	ssyncadd.s32 $0xFFFFF800  }
0x173: {  	[hbm4b:s15+s5] =	stream.linear.scatter [tilespmem:s2], [sflag:$0x2], $0x800, $0x38;
	[tilespmem:$0xD000] =	vst v63  }
0x174: {  	_ =	swait.ge [sflag:s7], $0x800  }
0x175: {  	[sflag:s7] =	ssyncset.done $0x0  }
0x176: {  	s15 =	sadd.s32 $0xFFFFFF00, s14;
	[sflag:s7] =	ssyncadd.s32 $0xFFFFF800  }
0x177: {  	[hbm4b:s15+s5] =	stream.linear.scatter [tilespmem:s28], [sflag:$0x2], $0x800, $0x38;
	[tilespmem:$0xD000] =	vst v63  }
0x178: {  	_ =	swait.ge [sflag:s7], $0x800  }
0x179: {  	[sflag:s7] =	ssyncset.done $0x0  }
0x17a: {  	[sflag:s7] =	ssyncadd.s32 $0xFFFFF800  }
0x17b: {  	[hbm4b:s14+s5] =	stream.linear.scatter [tilespmem:s30], [sflag:$0x2], $0x800, $0x38;
	[tilespmem:$0xD000] =	vst v63  }
0x17c: {  	_ =	swait.ge [sflag:s0], $0x800  }
0x17d: {  	[sflag:s0] =	ssyncset.done $0x0  }
0x17e: {  	[sflag:s0] =	ssyncadd.s32 $0xFFFFF800  }
0x17f: {  	_ =	swait.ge [sflag:s0], $0x800  }
0x180: {  	[sflag:s0] =	ssyncset.done $0x0  }
0x181: {  	[sflag:s0] =	ssyncadd.s32 $0xFFFFF800  }
.Ltmp3:
0x182: {  	_ =	swait.ge [sflag:s0], $0x800;
	(pc) =	sbr.rel @p0 .LBB2_8-.Ltmp3, $4  }
0x183: {  	[sflag:s0] =	ssyncset.done $0x0  }
0x184: {  	[sflag:s0] =	ssyncadd.s32 $0xFFFFF800  }
0x185: {  	s17 =	sshra.s32 s16, $0x2;
	_ =	swait.ge [sflag:s0], $0x800  }
0x186: {  	s15 =	smov.u32 s25;
	s14 =	sadd.s32 $0x400, s14;
	[sflag:s0] =	ssyncset.done $0x0  }
0x187: {  	s15 =	sadd.s32 $0x3C00, s17;
	[sflag:s0] =	ssyncadd.s32 $0xFFFFF800  }
0x188: {  	[tilespmem:s31], [sflag:$0x1] =	stream.indirect.gather [hbm4b:s6+s29], $0x10, s15, s29, $0xb8;
	[tilespmem:$0xD000] =	vst v63  }
0x189: {  	s16 =	sadd.s32 $0x3C80, s17  }
0x18a: {  	[tilespmem:s2], [sflag:$0x1] =	stream.indirect.gather [hbm4b:s6+s29], $0x10, s16, s29, $0xb8;
	[tilespmem:$0xD000] =	vst v63  }
0x18b: {  	s18 =	sadd.s32 $0x3D00, s17  }
0x18c: {  	[tilespmem:s28], [sflag:$0x1] =	stream.indirect.gather [hbm4b:s6+s29], $0x10, s18, s29, $0xb8;
	[tilespmem:$0xD000] =	vst v63  }
0x18d: {  	s25 =	sadd.s32 $0x3D80, s17  }
0x18e: {  	[tilespmem:s30], [sflag:$0x1] =	stream.indirect.gather [hbm4b:s6+s29], $0x10, s25, s29, $0xb8;
	[tilespmem:$0xD000] =	vst v63  }
0x18f: {  	_ =	swait.ge [sflag:s7], $0x800  }
0x190: {  	[sflag:s7] =	ssyncset.done $0x0  }
0x191: {  	s16 =	sadd.s32 $0xFFFFFD00, s14;
	[sflag:s7] =	ssyncadd.s32 $0xFFFFF800  }
0x192: {  	[hbm4b:s16+s5] =	stream.linear.scatter [tilespmem:s31], [sflag:$0x2], $0x800, $0x38;
	[tilespmem:$0xD000] =	vst v63  }
0x193: {  	_ =	swait.ge [sflag:s7], $0x800  }
0x194: {  	[sflag:s7] =	ssyncset.done $0x0  }
0x195: {  	s17 =	sadd.s32 $0xFFFFFE00, s14;
	[sflag:s7] =	ssyncadd.s32 $0xFFFFF800  }
0x196: {  	[hbm4b:s17+s5] =	stream.linear.scatter [tilespmem:s2], [sflag:$0x2], $0x800, $0x38;
	[tilespmem:$0xD000] =	vst v63  }
0x197: {  	_ =	swait.ge [sflag:s7], $0x800  }
0x198: {  	[sflag:s7] =	ssyncset.done $0x0  }
0x199: {  	s18 =	sadd.s32 $0xFFFFFF00, s14;
	[sflag:s7] =	ssyncadd.s32 $0xFFFFF800  }
0x19a: {  	[hbm4b:s18+s5] =	stream.linear.scatter [tilespmem:s28], [sflag:$0x2], $0x800, $0x38;
	[tilespmem:$0xD000] =	vst v63  }
0x19b: {  	_ =	swait.ge [sflag:s7], $0x800  }
0x19c: {  	[sflag:s7] =	ssyncset.done $0x0  }
0x19d: {  	[sflag:s7] =	ssyncadd.s32 $0xFFFFF800  }
0x19e: {  	[hbm4b:s14+s5] =	stream.linear.scatter [tilespmem:s30], [sflag:$0x2], $0x800, $0x38;
	[tilespmem:$0xD000] =	vst v63  }
0x19f: {  	_ =	swait.ge [sflag:s0], $0x800  }
0x1a0: {  	[sflag:s0] =	ssyncset.done $0x0  }
0x1a1: {  	[sflag:s0] =	ssyncadd.s32 $0xFFFFF800  }
0x1a2: {  	_ =	swait.ge [sflag:s0], $0x800  }
0x1a3: {  	[sflag:s0] =	ssyncset.done $0x0  }
0x1a4: {  	[sflag:s0] =	ssyncadd.s32 $0xFFFFF800  }
0x1a5: {  	_ =	swait.ge [sflag:s0], $0x800  }
0x1a6: {  	[sflag:s0] =	ssyncset.done $0x0  }
0x1a7: {  	[sflag:s0] =	ssyncadd.s32 $0xFFFFF800  }
0x1a8: {  	_ =	swait.ge [sflag:s0], $0x800  }
0x1a9: {  	[sflag:s0] =	ssyncset.done $0x0  }
0x1aa: {  	[sflag:s0] =	ssyncadd.s32 $0xFFFFF800  }
0x1ab: {  	[bflag:$0x0] =	sbarrier.arrive $0xFFFF  }
0x1ac: {  	s25 =	rddreg [dreg:$0xf]  }
0x1ad: {  	[hbm:s25], [sflag:s10] =	dma.local [spmem:s11], $0x500  }
0x1ae: {  	_ =	swait.ge [sflag:s23], $0x500  }
0x1af: {  	[sflag:s23] =	ssyncset.done $0x0  }
0x1b0: {  	[sflag:s23] =	ssyncadd.s32 $0xFFFFFB00  }
0x1b1: {  	[hbm:s19], [sflag:s10] =	dma.local [spmem:s12], $0x500  }
0x1b2: {  	s8 =	sadd.s32 $0x1, s8;
	_ =	swait.ge [sflag:s23], $0x500  }
0x1b3: {  	p0 =	sne.s32 s8, s21;
	[sflag:s23] =	ssyncset.done $0x0  }
.Ltmp4:
0x1b4: {  	[sflag:s23] =	ssyncadd.s32 $0xFFFFFB00;
	(pc) =	sbr.rel @p0 .LBB2_1-.Ltmp4, $4  }
0x1b5: {  	[hbm:s20], [sflag:s10] =	dma.local [spmem:s13], $0x100  }
0x1b6: {  	_ =	swait.ge [sflag:s23], $0x100  }
0x1b7: {  	[sflag:s23] =	ssyncset.done $0x0  }
0x1b8: {  	s15 =	simm.s32 $0x1400;
	[sflag:s23] =	ssyncadd.s32 $0xFFFFFF00  }
0x1b9: {  	_ =	sfence.sel $0x180000  }
0x1ba: {  	[bflag:$0x0] =	sbarrier.arrive $0xFFFF  }
0x1bb: {  	_ =	strace $0x90000047  }
0x1bc: {  	s0 =	stileid.u32;
	[bflag:$0x2] =	sbarrier.arrive $0xFFFF  }
0x1bd: {  	p0 =	sne.s32 s0, $0x0;
	s0 =	rddreg [dreg:$0x5]  }
0x1be: {  	s0 =	sadd.s32 @!p0 $0x100000, s0  }
0x1bf: {  	[sflag:s0] =	ssyncadd.tile.s32 @!p0 $0x1;
	_ =	shalt  }
.Lfunc_end2:
_tile_overlayer_lowered:
.L_overlay_start_2:
0x1c0: {  	(tag) =	ssettag $0x2  }
0x1c1: {  	s0 =	rddreg [dreg:$0x0];
	s2 =	stileid.u32  }
0x1c2: {  	s1 =	rddreg [dreg:$0x1];
	p0 =	sne.s32 s2, $0x0  }
0x1c3: {  	s3 =	rddreg [dreg:$0x2];
	[bflag:$0x3] =	sbarrier.arrive $0xFFFF;
	s2 =	simm.s32 @!p0 $0x1C03  }
0x1c4: {  	[timem:s3], [sflag:s2] =	dma.local @!p0 [hbm:s0], s1  }
0x1c5: {  	s0 =	simm.s32 @!p0 $0x3  }
0x1c6: {  	_ =	swait.ge @!p0 [sflag:s0], s1  }
0x1c7: {  	s1 =	ssub.s32 @!p0 $0x0, s1;
	[sflag:s0] =	ssyncset.done @!p0 $0x0  }
0x1c8: {  	[sflag:s0] =	ssyncadd.s32 @!p0 s1  }
0x1c9: {  	[bflag:$0x3] =	sbarrier.arrive $0xFFFF  }
0x1ca: {  	_ =	shalt  }

</sc_bundles>
